<compile_context>
chip_gen: v7x
topology: tpu7x:2x2x1
jax: 0.10.2.dev20260603
libtpu: 0.0.44.dev20260713+nightly
codegen_flags: <defaults>
</compile_context>

<pallas_src>
import jax
import jax.numpy as jnp
from jax import lax
from jax.experimental import pallas as pl
from jax.experimental.pallas import tpu as pltpu
from jax.experimental.pallas import tpu_sc as plsc

_NC = 2
_NS = 16
_NW = _NC * _NS

_D = 64
_CHUNK = 400
_NBUF = 2


def _emb_body(idx_hbm, table_hbm, out_hbm,
              idx0, idx1, rows0, rows1,
              isem0, isem1, gsem0, gsem1, wsem0, wsem1):
    idx_v = (idx0, idx1)
    rows_v = (rows0, rows1)
    isem = (isem0, isem1)
    gsem = (gsem0, gsem1)
    wsem = (wsem0, wsem1)

    wid = lax.axis_index("s") * _NC + lax.axis_index("c")
    b_per_w = idx_hbm.shape[0] // _NW
    n_groups = (b_per_w // _CHUNK) // _NBUF
    base_w = wid * b_per_w

    def chunk_base(j):
        return base_w + j * _CHUNK

    def fire_rows(p):
        def gi(i, carry):
            v = idx_v[p][pl.ds(i * 16, 16)]
            for k in range(16):
                pltpu.async_copy(table_hbm.at[v[k]],
                                 rows_v[p].at[i * 16 + k], gsem[p])
            return carry
        lax.fori_loop(0, _CHUNK // 16, gi, 0)

    def drain_rows(p):
        pltpu.make_async_copy(table_hbm.at[pl.ds(0, _CHUNK)], rows_v[p],
                              gsem[p]).wait()

    for p in range(_NBUF):
        pltpu.async_copy(idx_hbm.at[pl.ds(chunk_base(p), _CHUNK)],
                         idx_v[p], isem[p])
    for p in range(_NBUF):
        pltpu.make_async_copy(idx_hbm.at[pl.ds(chunk_base(p), _CHUNK)],
                              idx_v[p], isem[p]).wait()
        fire_rows(p)

    def body(g, carry):
        for p in range(_NBUF):
            jold = (g - 1) * _NBUF + p
            jnew = g * _NBUF + p
            drain_rows(p)
            pltpu.async_copy(idx_hbm.at[pl.ds(chunk_base(jnew), _CHUNK)],
                             idx_v[p], isem[p])
            pltpu.async_copy(rows_v[p],
                             out_hbm.at[pl.ds(chunk_base(jold), _CHUNK)],
                             wsem[p])
            pltpu.make_async_copy(rows_v[p],
                                  out_hbm.at[pl.ds(chunk_base(jold), _CHUNK)],
                                  wsem[p]).wait()
            pltpu.make_async_copy(idx_hbm.at[pl.ds(chunk_base(jnew), _CHUNK)],
                                  idx_v[p], isem[p]).wait()
            fire_rows(p)
        return carry

    lax.fori_loop(1, n_groups, body, 0)

    for p in range(_NBUF):
        jold = (n_groups - 1) * _NBUF + p
        drain_rows(p)
        pltpu.async_copy(rows_v[p],
                         out_hbm.at[pl.ds(chunk_base(jold), _CHUNK)],
                         wsem[p])
    for p in range(_NBUF):
        jold = (n_groups - 1) * _NBUF + p
        pltpu.make_async_copy(rows_v[p],
                              out_hbm.at[pl.ds(chunk_base(jold), _CHUNK)],
                              wsem[p]).wait()


def kernel(input, table):
    batch, hist = input.shape
    vocab, dim = table.shape
    n = batch * hist
    idx = input.reshape(n).astype(jnp.int32)
    mesh = plsc.VectorSubcoreMesh(core_axis_name="c", subcore_axis_name="s")
    f = pl.kernel(
        _emb_body,
        out_type=jax.ShapeDtypeStruct((n, dim), jnp.float32),
        mesh=mesh,
        scratch_types=[
            pltpu.VMEM((_CHUNK,), jnp.int32),
            pltpu.VMEM((_CHUNK,), jnp.int32),
            pltpu.VMEM((_CHUNK, _D), jnp.float32),
            pltpu.VMEM((_CHUNK, _D), jnp.float32),
            pltpu.SemaphoreType.DMA,
            pltpu.SemaphoreType.DMA,
            pltpu.SemaphoreType.DMA,
            pltpu.SemaphoreType.DMA,
            pltpu.SemaphoreType.DMA,
            pltpu.SemaphoreType.DMA,
        ],
    )
    out = f(idx, table)
    return out.reshape(batch, hist, dim)

# --- scband reference (transcript-rebuilt; emitter-appended) ---
"""Pipeline reference for scband-embedding-layer-43559558316241 (READ-ONLY COPY).

The authoritative reference and input builder live on the scoring server;
editing this copy changes nothing except your own understanding.
"""

import jax, jax.numpy as jnp
import numpy as np

VOCAB = 1000000
EMBED_DIM = 64
BATCH = 4096
HIST = 200

def setup_inputs(seed: int = 0) -> dict:
    key = jax.random.key(seed)
    k_idx, k_tab = jax.random.split(key)
    inp = jax.random.randint(k_idx, (BATCH, HIST), 0, VOCAB, dtype=jnp.int64 if jax.config.jax_enable_x64 else jnp.int32)
    table = jax.random.normal(k_tab, (VOCAB, EMBED_DIM), dtype=jnp.float32)
    return {"input": inp, "table": table}

def reference(input, table):
    # nn.Embedding lookup: table[input]; dropout rate is 0.0 (identity in eval)
    embedded_words = jnp.take(table, input, axis=0)
    final_embeddings = embedded_words  # dropout with p=0.0 is identity
    return final_embeddings

if __name__ == "__main__":
    import jax
    _d = setup_inputs()
    print(jax.jit(kernel)(*tuple(_d.values())))

</pallas_src>

<mosaic_0001>
#map = affine_map<(d0, d1) -> (0)>
#map1 = affine_map<(d0, d1) -> (0, 0)>
module attributes {stable_mosaic.version = 14 : i64} {
  func.func @_emb_body(%arg0: i32, %arg1: i32, %arg2: memref<819200xi32, #tpu.memory_space<hbm>>, %arg3: memref<1000000x64xf32, #tpu.memory_space<hbm>>, %arg4: memref<819200x64xf32, #tpu.memory_space<hbm>>, %arg5: memref<400xi32, #tpu.memory_space<vmem>>, %arg6: memref<400xi32, #tpu.memory_space<vmem>>, %arg7: memref<400x64xf32, #tpu.memory_space<vmem>>, %arg8: memref<400x64xf32, #tpu.memory_space<vmem>>, %arg9: memref<!tpu.dma_semaphore, #tpu.memory_space<semaphore_mem>>, %arg10: memref<!tpu.dma_semaphore, #tpu.memory_space<semaphore_mem>>, %arg11: memref<!tpu.dma_semaphore, #tpu.memory_space<semaphore_mem>>, %arg12: memref<!tpu.dma_semaphore, #tpu.memory_space<semaphore_mem>>, %arg13: memref<!tpu.dma_semaphore, #tpu.memory_space<semaphore_mem>>, %arg14: memref<!tpu.dma_semaphore, #tpu.memory_space<semaphore_mem>>) attributes {dimension_semantics = [#tpu.dimension_semantics<core_parallel>, #tpu.dimension_semantics<subcore_parallel>], iteration_bounds = array<i64: 2, 16>, scalar_prefetch = 0 : i64, scratch_operands = 10 : i64, tpu.core_type = #tpu.core_type<sc_vector_subcore>, window_params = [{transform_indices = #map}, {transform_indices = #map1}, {transform_indices = #map1}]} {
    %mul3A = arith.constant 2 : i32
    %mul3A_0 = arith.muli %arg1, %mul3A : i32
    %add3A = arith.addi %mul3A_0, %arg0 : i32
    %mul3A_1 = arith.constant 25600 : i32
    %mul3A_2 = arith.muli %add3A, %mul3A_1 : i32
    %add3A_3 = arith.constant 0 : i32
    %add3A_4 = arith.addi %mul3A_2, %add3A_3 : i32
    %dma_start3A = tpu.memref_slice %arg2[%add3A_4] : memref<819200xi32, #tpu.memory_space<hbm>> -> memref<400xi32, #tpu.memory_space<hbm>>
    %dma_start3A_5 = tpu.memref_slice %arg2[%add3A_4] : memref<819200xi32, #tpu.memory_space<hbm>> -> memref<400xi32, #tpu.memory_space<hbm>>
    tpu.enqueue_dma source(%dma_start3A_5 : memref<400xi32, #tpu.memory_space<hbm>>) target(%arg5 : memref<400xi32, #tpu.memory_space<vmem>>) target_semaphore(%arg9 : memref<!tpu.dma_semaphore, #tpu.memory_space<semaphore_mem>>)
    %add3A_6 = arith.constant 400 : i32
    %add3A_7 = arith.addi %mul3A_2, %add3A_6 : i32
    %dma_start3A_8 = tpu.memref_slice %arg2[%add3A_7] : memref<819200xi32, #tpu.memory_space<hbm>> -> memref<400xi32, #tpu.memory_space<hbm>>
    %dma_start3A_9 = tpu.memref_slice %arg2[%add3A_7] : memref<819200xi32, #tpu.memory_space<hbm>> -> memref<400xi32, #tpu.memory_space<hbm>>
    tpu.enqueue_dma source(%dma_start3A_9 : memref<400xi32, #tpu.memory_space<hbm>>) target(%arg6 : memref<400xi32, #tpu.memory_space<vmem>>) target_semaphore(%arg10 : memref<!tpu.dma_semaphore, #tpu.memory_space<semaphore_mem>>)
    %add3A_10 = arith.constant 0 : i32
    %add3A_11 = arith.addi %mul3A_2, %add3A_10 : i32
    %dma_wait3A = tpu.memref_slice %arg2[%add3A_11] : memref<819200xi32, #tpu.memory_space<hbm>> -> memref<400xi32, #tpu.memory_space<hbm>>
    %dma_wait3A_12 = tpu.memref_slice %arg2[%add3A_11] : memref<819200xi32, #tpu.memory_space<hbm>> -> memref<400xi32, #tpu.memory_space<hbm>>
    tpu.wait_dma2 semaphore(%arg9 : memref<!tpu.dma_semaphore, #tpu.memory_space<semaphore_mem>>) src(%dma_wait3A_12 : memref<400xi32, #tpu.memory_space<hbm>>) dst(%arg5 : memref<400xi32, #tpu.memory_space<vmem>>)
    %scan3A = arith.constant 0 : i32
    %scan3A_13 = arith.constant 0 : i32
    %scan3A_14 = arith.constant 25 : i32
    %scan3A_15 = arith.addi %scan3A_13, %scan3A_14 : i32
    %scan3A_16 = arith.constant 1 : i32
    scf.for %scan3A_70 = %scan3A_13 to %scan3A_15 step %scan3A_16  : i32 {
      %mul3A_71 = arith.constant 16 : i32
      %mul3A_72 = arith.muli %scan3A_70, %mul3A_71 : i32
      %get3A = arith.index_cast %mul3A_72 : i32 to index
      %get3A_73 = tpu.vector_load %arg5[%get3A] {strides = array<i32>} : memref<400xi32, #tpu.memory_space<vmem>>, vector<16xi32>,
      %get3A_74 = vector.shape_cast %get3A_73 : vector<16xi32> to vector<16xi32>
      %slice3A = vector.extract_strided_slice %get3A_74 {offsets = [0], sizes = [1], strides = [1]} : vector<16xi32> to vector<1xi32>
      %squeeze3A = vector.extract %slice3A[0] : i32 from vector<1xi32>
      %mul3A_75 = arith.constant 16 : i32
      %mul3A_76 = arith.muli %scan3A_70, %mul3A_75 : i32
      %add3A_77 = arith.constant 0 : i32
      %add3A_78 = arith.addi %mul3A_76, %add3A_77 : i32
      %dma_start3A_79 = arith.constant 0 : i32
      %dma_start3A_80 = tpu.memref_slice %arg7[%add3A_78, %dma_start3A_79] : memref<400x64xf32, #tpu.memory_space<vmem>> -> memref<1x64xf32, #tpu.memory_space<vmem>>
      %dma_start3A_81 = tpu.memref_squeeze %dma_start3A_80 : memref<1x64xf32, #tpu.memory_space<vmem>> -> memref<64xf32, #tpu.memory_space<vmem>>
      %dma_start3A_82 = arith.constant 0 : i32
      %dma_start3A_83 = tpu.memref_slice %arg3[%squeeze3A, %dma_start3A_82] : memref<1000000x64xf32, #tpu.memory_space<hbm>> -> memref<1x64xf32, #tpu.memory_space<hbm>>
      %dma_start3A_84 = tpu.memref_squeeze %dma_start3A_83 : memref<1x64xf32, #tpu.memory_space<hbm>> -> memref<64xf32, #tpu.memory_space<hbm>>
      %dma_start3A_85 = arith.constant 0 : i32
      %dma_start3A_86 = tpu.memref_slice %arg7[%add3A_78, %dma_start3A_85] : memref<400x64xf32, #tpu.memory_space<vmem>> -> memref<1x64xf32, #tpu.memory_space<vmem>>
      %dma_start3A_87 = tpu.memref_squeeze %dma_start3A_86 : memref<1x64xf32, #tpu.memory_space<vmem>> -> memref<64xf32, #tpu.memory_space<vmem>>
      %dma_start3A_88 = arith.constant 0 : i32
      %dma_start3A_89 = tpu.memref_slice %arg3[%squeeze3A, %dma_start3A_88] : memref<1000000x64xf32, #tpu.memory_space<hbm>> -> memref<1x64xf32, #tpu.memory_space<hbm>>
      %dma_start3A_90 = tpu.memref_squeeze %dma_start3A_89 : memref<1x64xf32, #tpu.memory_space<hbm>> -> memref<64xf32, #tpu.memory_space<hbm>>
      tpu.enqueue_dma source(%dma_start3A_90 : memref<64xf32, #tpu.memory_space<hbm>>) target(%dma_start3A_87 : memref<64xf32, #tpu.memory_space<vmem>>) target_semaphore(%arg11 : memref<!tpu.dma_semaphore, #tpu.memory_space<semaphore_mem>>)
      %slice3A_91 = vector.extract_strided_slice %get3A_74 {offsets = [1], sizes = [1], strides = [1]} : vector<16xi32> to vector<1xi32>
      %squeeze3A_92 = vector.extract %slice3A_91[0] : i32 from vector<1xi32>
      %mul3A_93 = arith.constant 16 : i32
      %mul3A_94 = arith.muli %scan3A_70, %mul3A_93 : i32
      %add3A_95 = arith.constant 1 : i32
      %add3A_96 = arith.addi %mul3A_94, %add3A_95 : i32
      %dma_start3A_97 = arith.constant 0 : i32
      %dma_start3A_98 = tpu.memref_slice %arg7[%add3A_96, %dma_start3A_97] : memref<400x64xf32, #tpu.memory_space<vmem>> -> memref<1x64xf32, #tpu.memory_space<vmem>>
      %dma_start3A_99 = tpu.memref_squeeze %dma_start3A_98 : memref<1x64xf32, #tpu.memory_space<vmem>> -> memref<64xf32, #tpu.memory_space<vmem>>
      %dma_start3A_100 = arith.constant 0 : i32
      %dma_start3A_101 = tpu.memref_slice %arg3[%squeeze3A_92, %dma_start3A_100] : memref<1000000x64xf32, #tpu.memory_space<hbm>> -> memref<1x64xf32, #tpu.memory_space<hbm>>
      %dma_start3A_102 = tpu.memref_squeeze %dma_start3A_101 : memref<1x64xf32, #tpu.memory_space<hbm>> -> memref<64xf32, #tpu.memory_space<hbm>>
      %dma_start3A_103 = arith.constant 0 : i32
      %dma_start3A_104 = tpu.memref_slice %arg7[%add3A_96, %dma_start3A_103] : memref<400x64xf32, #tpu.memory_space<vmem>> -> memref<1x64xf32, #tpu.memory_space<vmem>>
      %dma_start3A_105 = tpu.memref_squeeze %dma_start3A_104 : memref<1x64xf32, #tpu.memory_space<vmem>> -> memref<64xf32, #tpu.memory_space<vmem>>
      %dma_start3A_106 = arith.constant 0 : i32
      %dma_start3A_107 = tpu.memref_slice %arg3[%squeeze3A_92, %dma_start3A_106] : memref<1000000x64xf32, #tpu.memory_space<hbm>> -> memref<1x64xf32, #tpu.memory_space<hbm>>
      %dma_start3A_108 = tpu.memref_squeeze %dma_start3A_107 : memref<1x64xf32, #tpu.memory_space<hbm>> -> memref<64xf32, #tpu.memory_space<hbm>>
      tpu.enqueue_dma source(%dma_start3A_108 : memref<64xf32, #tpu.memory_space<hbm>>) target(%dma_start3A_105 : memref<64xf32, #tpu.memory_space<vmem>>) target_semaphore(%arg11 : memref<!tpu.dma_semaphore, #tpu.memory_space<semaphore_mem>>)
      %slice3A_109 = vector.extract_strided_slice %get3A_74 {offsets = [2], sizes = [1], strides = [1]} : vector<16xi32> to vector<1xi32>
      %squeeze3A_110 = vector.extract %slice3A_109[0] : i32 from vector<1xi32>
      %mul3A_111 = arith.constant 16 : i32
      %mul3A_112 = arith.muli %scan3A_70, %mul3A_111 : i32
      %add3A_113 = arith.constant 2 : i32
      %add3A_114 = arith.addi %mul3A_112, %add3A_113 : i32
      %dma_start3A_115 = arith.constant 0 : i32
      %dma_start3A_116 = tpu.memref_slice %arg7[%add3A_114, %dma_start3A_115] : memref<400x64xf32, #tpu.memory_space<vmem>> -> memref<1x64xf32, #tpu.memory_space<vmem>>
      %dma_start3A_117 = tpu.memref_squeeze %dma_start3A_116 : memref<1x64xf32, #tpu.memory_space<vmem>> -> memref<64xf32, #tpu.memory_space<vmem>>
      %dma_start3A_118 = arith.constant 0 : i32
      %dma_start3A_119 = tpu.memref_slice %arg3[%squeeze3A_110, %dma_start3A_118] : memref<1000000x64xf32, #tpu.memory_space<hbm>> -> memref<1x64xf32, #tpu.memory_space<hbm>>
      %dma_start3A_120 = tpu.memref_squeeze %dma_start3A_119 : memref<1x64xf32, #tpu.memory_space<hbm>> -> memref<64xf32, #tpu.memory_space<hbm>>
      %dma_start3A_121 = arith.constant 0 : i32
      %dma_start3A_122 = tpu.memref_slice %arg7[%add3A_114, %dma_start3A_121] : memref<400x64xf32, #tpu.memory_space<vmem>> -> memref<1x64xf32, #tpu.memory_space<vmem>>
      %dma_start3A_123 = tpu.memref_squeeze %dma_start3A_122 : memref<1x64xf32, #tpu.memory_space<vmem>> -> memref<64xf32, #tpu.memory_space<vmem>>
      %dma_start3A_124 = arith.constant 0 : i32
      %dma_start3A_125 = tpu.memref_slice %arg3[%squeeze3A_110, %dma_start3A_124] : memref<1000000x64xf32, #tpu.memory_space<hbm>> -> memref<1x64xf32, #tpu.memory_space<hbm>>
      %dma_start3A_126 = tpu.memref_squeeze %dma_start3A_125 : memref<1x64xf32, #tpu.memory_space<hbm>> -> memref<64xf32, #tpu.memory_space<hbm>>
      tpu.enqueue_dma source(%dma_start3A_126 : memref<64xf32, #tpu.memory_space<hbm>>) target(%dma_start3A_123 : memref<64xf32, #tpu.memory_space<vmem>>) target_semaphore(%arg11 : memref<!tpu.dma_semaphore, #tpu.memory_space<semaphore_mem>>)
      %slice3A_127 = vector.extract_strided_slice %get3A_74 {offsets = [3], sizes = [1], strides = [1]} : vector<16xi32> to vector<1xi32>
      %squeeze3A_128 = vector.extract %slice3A_127[0] : i32 from vector<1xi32>
      %mul3A_129 = arith.constant 16 : i32
      %mul3A_130 = arith.muli %scan3A_70, %mul3A_129 : i32
      %add3A_131 = arith.constant 3 : i32
      %add3A_132 = arith.addi %mul3A_130, %add3A_131 : i32
      %dma_start3A_133 = arith.constant 0 : i32
      %dma_start3A_134 = tpu.memref_slice %arg7[%add3A_132, %dma_start3A_133] : memref<400x64xf32, #tpu.memory_space<vmem>> -> memref<1x64xf32, #tpu.memory_space<vmem>>
      %dma_start3A_135 = tpu.memref_squeeze %dma_start3A_134 : memref<1x64xf32, #tpu.memory_space<vmem>> -> memref<64xf32, #tpu.memory_space<vmem>>
      %dma_start3A_136 = arith.constant 0 : i32
      %dma_start3A_137 = tpu.memref_slice %arg3[%squeeze3A_128, %dma_start3A_136] : memref<1000000x64xf32, #tpu.memory_space<hbm>> -> memref<1x64xf32, #tpu.memory_space<hbm>>
      %dma_start3A_138 = tpu.memref_squeeze %dma_start3A_137 : memref<1x64xf32, #tpu.memory_space<hbm>> -> memref<64xf32, #tpu.memory_space<hbm>>
      %dma_start3A_139 = arith.constant 0 : i32
      %dma_start3A_140 = tpu.memref_slice %arg7[%add3A_132, %dma_start3A_139] : memref<400x64xf32, #tpu.memory_space<vmem>> -> memref<1x64xf32, #tpu.memory_space<vmem>>
      %dma_start3A_141 = tpu.memref_squeeze %dma_start3A_140 : memref<1x64xf32, #tpu.memory_space<vmem>> -> memref<64xf32, #tpu.memory_space<vmem>>
      %dma_start3A_142 = arith.constant 0 : i32
      %dma_start3A_143 = tpu.memref_slice %arg3[%squeeze3A_128, %dma_start3A_142] : memref<1000000x64xf32, #tpu.memory_space<hbm>> -> memref<1x64xf32, #tpu.memory_space<hbm>>
      %dma_start3A_144 = tpu.memref_squeeze %dma_start3A_143 : memref<1x64xf32, #tpu.memory_space<hbm>> -> memref<64xf32, #tpu.memory_space<hbm>>
      tpu.enqueue_dma source(%dma_start3A_144 : memref<64xf32, #tpu.memory_space<hbm>>) target(%dma_start3A_141 : memref<64xf32, #tpu.memory_space<vmem>>) target_semaphore(%arg11 : memref<!tpu.dma_semaphore, #tpu.memory_space<semaphore_mem>>)
      %slice3A_145 = vector.extract_strided_slice %get3A_74 {offsets = [4], sizes = [1], strides = [1]} : vector<16xi32> to vector<1xi32>
      %squeeze3A_146 = vector.extract %slice3A_145[0] : i32 from vector<1xi32>
      %mul3A_147 = arith.constant 16 : i32
      %mul3A_148 = arith.muli %scan3A_70, %mul3A_147 : i32
      %add3A_149 = arith.constant 4 : i32
      %add3A_150 = arith.addi %mul3A_148, %add3A_149 : i32
      %dma_start3A_151 = arith.constant 0 : i32
      %dma_start3A_152 = tpu.memref_slice %arg7[%add3A_150, %dma_start3A_151] : memref<400x64xf32, #tpu.memory_space<vmem>> -> memref<1x64xf32, #tpu.memory_space<vmem>>
      %dma_start3A_153 = tpu.memref_squeeze %dma_start3A_152 : memref<1x64xf32, #tpu.memory_space<vmem>> -> memref<64xf32, #tpu.memory_space<vmem>>
      %dma_start3A_154 = arith.constant 0 : i32
      %dma_start3A_155 = tpu.memref_slice %arg3[%squeeze3A_146, %dma_start3A_154] : memref<1000000x64xf32, #tpu.memory_space<hbm>> -> memref<1x64xf32, #tpu.memory_space<hbm>>
      %dma_start3A_156 = tpu.memref_squeeze %dma_start3A_155 : memref<1x64xf32, #tpu.memory_space<hbm>> -> memref<64xf32, #tpu.memory_space<hbm>>
      %dma_start3A_157 = arith.constant 0 : i32
      %dma_start3A_158 = tpu.memref_slice %arg7[%add3A_150, %dma_start3A_157] : memref<400x64xf32, #tpu.memory_space<vmem>> -> memref<1x64xf32, #tpu.memory_space<vmem>>
      %dma_start3A_159 = tpu.memref_squeeze %dma_start3A_158 : memref<1x64xf32, #tpu.memory_space<vmem>> -> memref<64xf32, #tpu.memory_space<vmem>>
      %dma_start3A_160 = arith.constant 0 : i32
      %dma_start3A_161 = tpu.memref_slice %arg3[%squeeze3A_146, %dma_start3A_160] : memref<1000000x64xf32, #tpu.memory_space<hbm>> -> memref<1x64xf32, #tpu.memory_space<hbm>>
      %dma_start3A_162 = tpu.memref_squeeze %dma_start3A_161 : memref<1x64xf32, #tpu.memory_space<hbm>> -> memref<64xf32, #tpu.memory_space<hbm>>
      tpu.enqueue_dma source(%dma_start3A_162 : memref<64xf32, #tpu.memory_space<hbm>>) target(%dma_start3A_159 : memref<64xf32, #tpu.memory_space<vmem>>) target_semaphore(%arg11 : memref<!tpu.dma_semaphore, #tpu.memory_space<semaphore_mem>>)
      %slice3A_163 = vector.extract_strided_slice %get3A_74 {offsets = [5], sizes = [1], strides = [1]} : vector<16xi32> to vector<1xi32>
      %squeeze3A_164 = vector.extract %slice3A_163[0] : i32 from vector<1xi32>
      %mul3A_165 = arith.constant 16 : i32
      %mul3A_166 = arith.muli %scan3A_70, %mul3A_165 : i32
      %add3A_167 = arith.constant 5 : i32
      %add3A_168 = arith.addi %mul3A_166, %add3A_167 : i32
      %dma_start3A_169 = arith.constant 0 : i32
      %dma_start3A_170 = tpu.memref_slice %arg7[%add3A_168, %dma_start3A_169] : memref<400x64xf32, #tpu.memory_space<vmem>> -> memref<1x64xf32, #tpu.memory_space<vmem>>
      %dma_start3A_171 = tpu.memref_squeeze %dma_start3A_170 : memref<1x64xf32, #tpu.memory_space<vmem>> -> memref<64xf32, #tpu.memory_space<vmem>>
      %dma_start3A_172 = arith.constant 0 : i32
      %dma_start3A_173 = tpu.memref_slice %arg3[%squeeze3A_164, %dma_start3A_172] : memref<1000000x64xf32, #tpu.memory_space<hbm>> -> memref<1x64xf32, #tpu.memory_space<hbm>>
      %dma_start3A_174 = tpu.memref_squeeze %dma_start3A_173 : memref<1x64xf32, #tpu.memory_space<hbm>> -> memref<64xf32, #tpu.memory_space<hbm>>
      %dma_start3A_175 = arith.constant 0 : i32
      %dma_start3A_176 = tpu.memref_slice %arg7[%add3A_168, %dma_start3A_175] : memref<400x64xf32, #tpu.memory_space<vmem>> -> memref<1x64xf32, #tpu.memory_space<vmem>>
      %dma_start3A_177 = tpu.memref_squeeze %dma_start3A_176 : memref<1x64xf32, #tpu.memory_space<vmem>> -> memref<64xf32, #tpu.memory_space<vmem>>
      %dma_start3A_178 = arith.constant 0 : i32
      %dma_start3A_179 = tpu.memref_slice %arg3[%squeeze3A_164, %dma_start3A_178] : memref<1000000x64xf32, #tpu.memory_space<hbm>> -> memref<1x64xf32, #tpu.memory_space<hbm>>
      %dma_start3A_180 = tpu.memref_squeeze %dma_start3A_179 : memref<1x64xf32, #tpu.memory_space<hbm>> -> memref<64xf32, #tpu.memory_space<hbm>>
      tpu.enqueue_dma source(%dma_start3A_180 : memref<64xf32, #tpu.memory_space<hbm>>) target(%dma_start3A_177 : memref<64xf32, #tpu.memory_space<vmem>>) target_semaphore(%arg11 : memref<!tpu.dma_semaphore, #tpu.memory_space<semaphore_mem>>)
      %slice3A_181 = vector.extract_strided_slice %get3A_74 {offsets = [6], sizes = [1], strides = [1]} : vector<16xi32> to vector<1xi32>
      %squeeze3A_182 = vector.extract %slice3A_181[0] : i32 from vector<1xi32>
      %mul3A_183 = arith.constant 16 : i32
      %mul3A_184 = arith.muli %scan3A_70, %mul3A_183 : i32
      %add3A_185 = arith.constant 6 : i32
      %add3A_186 = arith.addi %mul3A_184, %add3A_185 : i32
      %dma_start3A_187 = arith.constant 0 : i32
      %dma_start3A_188 = tpu.memref_slice %arg7[%add3A_186, %dma_start3A_187] : memref<400x64xf32, #tpu.memory_space<vmem>> -> memref<1x64xf32, #tpu.memory_space<vmem>>
      %dma_start3A_189 = tpu.memref_squeeze %dma_start3A_188 : memref<1x64xf32, #tpu.memory_space<vmem>> -> memref<64xf32, #tpu.memory_space<vmem>>
      %dma_start3A_190 = arith.constant 0 : i32
      %dma_start3A_191 = tpu.memref_slice %arg3[%squeeze3A_182, %dma_start3A_190] : memref<1000000x64xf32, #tpu.memory_space<hbm>> -> memref<1x64xf32, #tpu.memory_space<hbm>>
      %dma_start3A_192 = tpu.memref_squeeze %dma_start3A_191 : memref<1x64xf32, #tpu.memory_space<hbm>> -> memref<64xf32, #tpu.memory_space<hbm>>
      %dma_start3A_193 = arith.constant 0 : i32
      %dma_start3A_194 = tpu.memref_slice %arg7[%add3A_186, %dma_start3A_193] : memref<400x64xf32, #tpu.memory_space<vmem>> -> memref<1x64xf32, #tpu.memory_space<vmem>>
      %dma_start3A_195 = tpu.memref_squeeze %dma_start3A_194 : memref<1x64xf32, #tpu.memory_space<vmem>> -> memref<64xf32, #tpu.memory_space<vmem>>
      %dma_start3A_196 = arith.constant 0 : i32
      %dma_start3A_197 = tpu.memref_slice %arg3[%squeeze3A_182, %dma_start3A_196] : memref<1000000x64xf32, #tpu.memory_space<hbm>> -> memref<1x64xf32, #tpu.memory_space<hbm>>
      %dma_start3A_198 = tpu.memref_squeeze %dma_start3A_197 : memref<1x64xf32, #tpu.memory_space<hbm>> -> memref<64xf32, #tpu.memory_space<hbm>>
      tpu.enqueue_dma source(%dma_start3A_198 : memref<64xf32, #tpu.memory_space<hbm>>) target(%dma_start3A_195 : memref<64xf32, #tpu.memory_space<vmem>>) target_semaphore(%arg11 : memref<!tpu.dma_semaphore, #tpu.memory_space<semaphore_mem>>)
      %slice3A_199 = vector.extract_strided_slice %get3A_74 {offsets = [7], sizes = [1], strides = [1]} : vector<16xi32> to vector<1xi32>
      %squeeze3A_200 = vector.extract %slice3A_199[0] : i32 from vector<1xi32>
      %mul3A_201 = arith.constant 16 : i32
      %mul3A_202 = arith.muli %scan3A_70, %mul3A_201 : i32
      %add3A_203 = arith.constant 7 : i32
      %add3A_204 = arith.addi %mul3A_202, %add3A_203 : i32
      %dma_start3A_205 = arith.constant 0 : i32
      %dma_start3A_206 = tpu.memref_slice %arg7[%add3A_204, %dma_start3A_205] : memref<400x64xf32, #tpu.memory_space<vmem>> -> memref<1x64xf32, #tpu.memory_space<vmem>>
      %dma_start3A_207 = tpu.memref_squeeze %dma_start3A_206 : memref<1x64xf32, #tpu.memory_space<vmem>> -> memref<64xf32, #tpu.memory_space<vmem>>
      %dma_start3A_208 = arith.constant 0 : i32
      %dma_start3A_209 = tpu.memref_slice %arg3[%squeeze3A_200, %dma_start3A_208] : memref<1000000x64xf32, #tpu.memory_space<hbm>> -> memref<1x64xf32, #tpu.memory_space<hbm>>
      %dma_start3A_210 = tpu.memref_squeeze %dma_start3A_209 : memref<1x64xf32, #tpu.memory_space<hbm>> -> memref<64xf32, #tpu.memory_space<hbm>>
      %dma_start3A_211 = arith.constant 0 : i32
      %dma_start3A_212 = tpu.memref_slice %arg7[%add3A_204, %dma_start3A_211] : memref<400x64xf32, #tpu.memory_space<vmem>> -> memref<1x64xf32, #tpu.memory_space<vmem>>
      %dma_start3A_213 = tpu.memref_squeeze %dma_start3A_212 : memref<1x64xf32, #tpu.memory_space<vmem>> -> memref<64xf32, #tpu.memory_space<vmem>>
      %dma_start3A_214 = arith.constant 0 : i32
      %dma_start3A_215 = tpu.memref_slice %arg3[%squeeze3A_200, %dma_start3A_214] : memref<1000000x64xf32, #tpu.memory_space<hbm>> -> memref<1x64xf32, #tpu.memory_space<hbm>>
      %dma_start3A_216 = tpu.memref_squeeze %dma_start3A_215 : memref<1x64xf32, #tpu.memory_space<hbm>> -> memref<64xf32, #tpu.memory_space<hbm>>
      tpu.enqueue_dma source(%dma_start3A_216 : memref<64xf32, #tpu.memory_space<hbm>>) target(%dma_start3A_213 : memref<64xf32, #tpu.memory_space<vmem>>) target_semaphore(%arg11 : memref<!tpu.dma_semaphore, #tpu.memory_space<semaphore_mem>>)
      %slice3A_217 = vector.extract_strided_slice %get3A_74 {offsets = [8], sizes = [1], strides = [1]} : vector<16xi32> to vector<1xi32>
      %squeeze3A_218 = vector.extract %slice3A_217[0] : i32 from vector<1xi32>
      %mul3A_219 = arith.constant 16 : i32
      %mul3A_220 = arith.muli %scan3A_70, %mul3A_219 : i32
      %add3A_221 = arith.constant 8 : i32
      %add3A_222 = arith.addi %mul3A_220, %add3A_221 : i32
      %dma_start3A_223 = arith.constant 0 : i32
      %dma_start3A_224 = tpu.memref_slice %arg7[%add3A_222, %dma_start3A_223] : memref<400x64xf32, #tpu.memory_space<vmem>> -> memref<1x64xf32, #tpu.memory_space<vmem>>
      %dma_start3A_225 = tpu.memref_squeeze %dma_start3A_224 : memref<1x64xf32, #tpu.memory_space<vmem>> -> memref<64xf32, #tpu.memory_space<vmem>>
      %dma_start3A_226 = arith.constant 0 : i32
      %dma_start3A_227 = tpu.memref_slice %arg3[%squeeze3A_218, %dma_start3A_226] : memref<1000000x64xf32, #tpu.memory_space<hbm>> -> memref<1x64xf32, #tpu.memory_space<hbm>>
      %dma_start3A_228 = tpu.memref_squeeze %dma_start3A_227 : memref<1x64xf32, #tpu.memory_space<hbm>> -> memref<64xf32, #tpu.memory_space<hbm>>
      %dma_start3A_229 = arith.constant 0 : i32
      %dma_start3A_230 = tpu.memref_slice %arg7[%add3A_222, %dma_start3A_229] : memref<400x64xf32, #tpu.memory_space<vmem>> -> memref<1x64xf32, #tpu.memory_space<vmem>>
      %dma_start3A_231 = tpu.memref_squeeze %dma_start3A_230 : memref<1x64xf32, #tpu.memory_space<vmem>> -> memref<64xf32, #tpu.memory_space<vmem>>
      %dma_start3A_232 = arith.constant 0 : i32
      %dma_start3A_233 = tpu.memref_slice %arg3[%squeeze3A_218, %dma_start3A_232] : memref<1000000x64xf32, #tpu.memory_space<hbm>> -> memref<1x64xf32, #tpu.memory_space<hbm>>
      %dma_start3A_234 = tpu.memref_squeeze %dma_start3A_233 : memref<1x64xf32, #tpu.memory_space<hbm>> -> memref<64xf32, #tpu.memory_space<hbm>>
      tpu.enqueue_dma source(%dma_start3A_234 : memref<64xf32, #tpu.memory_space<hbm>>) target(%dma_start3A_231 : memref<64xf32, #tpu.memory_space<vmem>>) target_semaphore(%arg11 : memref<!tpu.dma_semaphore, #tpu.memory_space<semaphore_mem>>)
      %slice3A_235 = vector.extract_strided_slice %get3A_74 {offsets = [9], sizes = [1], strides = [1]} : vector<16xi32> to vector<1xi32>
      %squeeze3A_236 = vector.extract %slice3A_235[0] : i32 from vector<1xi32>
      %mul3A_237 = arith.constant 16 : i32
      %mul3A_238 = arith.muli %scan3A_70, %mul3A_237 : i32
      %add3A_239 = arith.constant 9 : i32
      %add3A_240 = arith.addi %mul3A_238, %add3A_239 : i32
      %dma_start3A_241 = arith.constant 0 : i32
      %dma_start3A_242 = tpu.memref_slice %arg7[%add3A_240, %dma_start3A_241] : memref<400x64xf32, #tpu.memory_space<vmem>> -> memref<1x64xf32, #tpu.memory_space<vmem>>
      %dma_start3A_243 = tpu.memref_squeeze %dma_start3A_242 : memref<1x64xf32, #tpu.memory_space<vmem>> -> memref<64xf32, #tpu.memory_space<vmem>>
      %dma_start3A_244 = arith.constant 0 : i32
      %dma_start3A_245 = tpu.memref_slice %arg3[%squeeze3A_236, %dma_start3A_244] : memref<1000000x64xf32, #tpu.memory_space<hbm>> -> memref<1x64xf32, #tpu.memory_space<hbm>>
      %dma_start3A_246 = tpu.memref_squeeze %dma_start3A_245 : memref<1x64xf32, #tpu.memory_space<hbm>> -> memref<64xf32, #tpu.memory_space<hbm>>
      %dma_start3A_247 = arith.constant 0 : i32
      %dma_start3A_248 = tpu.memref_slice %arg7[%add3A_240, %dma_start3A_247] : memref<400x64xf32, #tpu.memory_space<vmem>> -> memref<1x64xf32, #tpu.memory_space<vmem>>
      %dma_start3A_249 = tpu.memref_squeeze %dma_start3A_248 : memref<1x64xf32, #tpu.memory_space<vmem>> -> memref<64xf32, #tpu.memory_space<vmem>>
      %dma_start3A_250 = arith.constant 0 : i32
      %dma_start3A_251 = tpu.memref_slice %arg3[%squeeze3A_236, %dma_start3A_250] : memref<1000000x64xf32, #tpu.memory_space<hbm>> -> memref<1x64xf32, #tpu.memory_space<hbm>>
      %dma_start3A_252 = tpu.memref_squeeze %dma_start3A_251 : memref<1x64xf32, #tpu.memory_space<hbm>> -> memref<64xf32, #tpu.memory_space<hbm>>
      tpu.enqueue_dma source(%dma_start3A_252 : memref<64xf32, #tpu.memory_space<hbm>>) target(%dma_start3A_249 : memref<64xf32, #tpu.memory_space<vmem>>) target_semaphore(%arg11 : memref<!tpu.dma_semaphore, #tpu.memory_space<semaphore_mem>>)
      %slice3A_253 = vector.extract_strided_slice %get3A_74 {offsets = [10], sizes = [1], strides = [1]} : vector<16xi32> to vector<1xi32>
      %squeeze3A_254 = vector.extract %slice3A_253[0] : i32 from vector<1xi32>
      %mul3A_255 = arith.constant 16 : i32
      %mul3A_256 = arith.muli %scan3A_70, %mul3A_255 : i32
      %add3A_257 = arith.constant 10 : i32
      %add3A_258 = arith.addi %mul3A_256, %add3A_257 : i32
      %dma_start3A_259 = arith.constant 0 : i32
      %dma_start3A_260 = tpu.memref_slice %arg7[%add3A_258, %dma_start3A_259] : memref<400x64xf32, #tpu.memory_space<vmem>> -> memref<1x64xf32, #tpu.memory_space<vmem>>
      %dma_start3A_261 = tpu.memref_squeeze %dma_start3A_260 : memref<1x64xf32, #tpu.memory_space<vmem>> -> memref<64xf32, #tpu.memory_space<vmem>>
      %dma_start3A_262 = arith.constant 0 : i32
      %dma_start3A_263 = tpu.memref_slice %arg3[%squeeze3A_254, %dma_start3A_262] : memref<1000000x64xf32, #tpu.memory_space<hbm>> -> memref<1x64xf32, #tpu.memory_space<hbm>>
      %dma_start3A_264 = tpu.memref_squeeze %dma_start3A_263 : memref<1x64xf32, #tpu.memory_space<hbm>> -> memref<64xf32, #tpu.memory_space<hbm>>
      %dma_start3A_265 = arith.constant 0 : i32
      %dma_start3A_266 = tpu.memref_slice %arg7[%add3A_258, %dma_start3A_265] : memref<400x64xf32, #tpu.memory_space<vmem>> -> memref<1x64xf32, #tpu.memory_space<vmem>>
      %dma_start3A_267 = tpu.memref_squeeze %dma_start3A_266 : memref<1x64xf32, #tpu.memory_space<vmem>> -> memref<64xf32, #tpu.memory_space<vmem>>
      %dma_start3A_268 = arith.constant 0 : i32
      %dma_start3A_269 = tpu.memref_slice %arg3[%squeeze3A_254, %dma_start3A_268] : memref<1000000x64xf32, #tpu.memory_space<hbm>> -> memref<1x64xf32, #tpu.memory_space<hbm>>
      %dma_start3A_270 = tpu.memref_squeeze %dma_start3A_269 : memref<1x64xf32, #tpu.memory_space<hbm>> -> memref<64xf32, #tpu.memory_space<hbm>>
      tpu.enqueue_dma source(%dma_start3A_270 : memref<64xf32, #tpu.memory_space<hbm>>) target(%dma_start3A_267 : memref<64xf32, #tpu.memory_space<vmem>>) target_semaphore(%arg11 : memref<!tpu.dma_semaphore, #tpu.memory_space<semaphore_mem>>)
      %slice3A_271 = vector.extract_strided_slice %get3A_74 {offsets = [11], sizes = [1], strides = [1]} : vector<16xi32> to vector<1xi32>
      %squeeze3A_272 = vector.extract %slice3A_271[0] : i32 from vector<1xi32>
      %mul3A_273 = arith.constant 16 : i32
      %mul3A_274 = arith.muli %scan3A_70, %mul3A_273 : i32
      %add3A_275 = arith.constant 11 : i32
      %add3A_276 = arith.addi %mul3A_274, %add3A_275 : i32
      %dma_start3A_277 = arith.constant 0 : i32
      %dma_start3A_278 = tpu.memref_slice %arg7[%add3A_276, %dma_start3A_277] : memref<400x64xf32, #tpu.memory_space<vmem>> -> memref<1x64xf32, #tpu.memory_space<vmem>>
      %dma_start3A_279 = tpu.memref_squeeze %dma_start3A_278 : memref<1x64xf32, #tpu.memory_space<vmem>> -> memref<64xf32, #tpu.memory_space<vmem>>
      %dma_start3A_280 = arith.constant 0 : i32
      %dma_start3A_281 = tpu.memref_slice %arg3[%squeeze3A_272, %dma_start3A_280] : memref<1000000x64xf32, #tpu.memory_space<hbm>> -> memref<1x64xf32, #tpu.memory_space<hbm>>
      %dma_start3A_282 = tpu.memref_squeeze %dma_start3A_281 : memref<1x64xf32, #tpu.memory_space<hbm>> -> memref<64xf32, #tpu.memory_space<hbm>>
      %dma_start3A_283 = arith.constant 0 : i32
      %dma_start3A_284 = tpu.memref_slice %arg7[%add3A_276, %dma_start3A_283] : memref<400x64xf32, #tpu.memory_space<vmem>> -> memref<1x64xf32, #tpu.memory_space<vmem>>
      %dma_start3A_285 = tpu.memref_squeeze %dma_start3A_284 : memref<1x64xf32, #tpu.memory_space<vmem>> -> memref<64xf32, #tpu.memory_space<vmem>>
      %dma_start3A_286 = arith.constant 0 : i32
      %dma_start3A_287 = tpu.memref_slice %arg3[%squeeze3A_272, %dma_start3A_286] : memref<1000000x64xf32, #tpu.memory_space<hbm>> -> memref<1x64xf32, #tpu.memory_space<hbm>>
      %dma_start3A_288 = tpu.memref_squeeze %dma_start3A_287 : memref<1x64xf32, #tpu.memory_space<hbm>> -> memref<64xf32, #tpu.memory_space<hbm>>
      tpu.enqueue_dma source(%dma_start3A_288 : memref<64xf32, #tpu.memory_space<hbm>>) target(%dma_start3A_285 : memref<64xf32, #tpu.memory_space<vmem>>) target_semaphore(%arg11 : memref<!tpu.dma_semaphore, #tpu.memory_space<semaphore_mem>>)
      %slice3A_289 = vector.extract_strided_slice %get3A_74 {offsets = [12], sizes = [1], strides = [1]} : vector<16xi32> to vector<1xi32>
      %squeeze3A_290 = vector.extract %slice3A_289[0] : i32 from vector<1xi32>
      %mul3A_291 = arith.constant 16 : i32
      %mul3A_292 = arith.muli %scan3A_70, %mul3A_291 : i32
      %add3A_293 = arith.constant 12 : i32
      %add3A_294 = arith.addi %mul3A_292, %add3A_293 : i32
      %dma_start3A_295 = arith.constant 0 : i32
      %dma_start3A_296 = tpu.memref_slice %arg7[%add3A_294, %dma_start3A_295] : memref<400x64xf32, #tpu.memory_space<vmem>> -> memref<1x64xf32, #tpu.memory_space<vmem>>
      %dma_start3A_297 = tpu.memref_squeeze %dma_start3A_296 : memref<1x64xf32, #tpu.memory_space<vmem>> -> memref<64xf32, #tpu.memory_space<vmem>>
      %dma_start3A_298 = arith.constant 0 : i32
      %dma_start3A_299 = tpu.memref_slice %arg3[%squeeze3A_290, %dma_start3A_298] : memref<1000000x64xf32, #tpu.memory_space<hbm>> -> memref<1x64xf32, #tpu.memory_space<hbm>>
      %dma_start3A_300 = tpu.memref_squeeze %dma_start3A_299 : memref<1x64xf32, #tpu.memory_space<hbm>> -> memref<64xf32, #tpu.memory_space<hbm>>
      %dma_start3A_301 = arith.constant 0 : i32
      %dma_start3A_302 = tpu.memref_slice %arg7[%add3A_294, %dma_start3A_301] : memref<400x64xf32, #tpu.memory_space<vmem>> -> memref<1x64xf32, #tpu.memory_space<vmem>>
      %dma_start3A_303 = tpu.memref_squeeze %dma_start3A_302 : memref<1x64xf32, #tpu.memory_space<vmem>> -> memref<64xf32, #tpu.memory_space<vmem>>
      %dma_start3A_304 = arith.constant 0 : i32
      %dma_start3A_305 = tpu.memref_slice %arg3[%squeeze3A_290, %dma_start3A_304] : memref<1000000x64xf32, #tpu.memory_space<hbm>> -> memref<1x64xf32, #tpu.memory_space<hbm>>
      %dma_start3A_306 = tpu.memref_squeeze %dma_start3A_305 : memref<1x64xf32, #tpu.memory_space<hbm>> -> memref<64xf32, #tpu.memory_space<hbm>>
      tpu.enqueue_dma source(%dma_start3A_306 : memref<64xf32, #tpu.memory_space<hbm>>) target(%dma_start3A_303 : memref<64xf32, #tpu.memory_space<vmem>>) target_semaphore(%arg11 : memref<!tpu.dma_semaphore, #tpu.memory_space<semaphore_mem>>)
      %slice3A_307 = vector.extract_strided_slice %get3A_74 {offsets = [13], sizes = [1], strides = [1]} : vector<16xi32> to vector<1xi32>
      %squeeze3A_308 = vector.extract %slice3A_307[0] : i32 from vector<1xi32>
      %mul3A_309 = arith.constant 16 : i32
      %mul3A_310 = arith.muli %scan3A_70, %mul3A_309 : i32
      %add3A_311 = arith.constant 13 : i32
      %add3A_312 = arith.addi %mul3A_310, %add3A_311 : i32
      %dma_start3A_313 = arith.constant 0 : i32
      %dma_start3A_314 = tpu.memref_slice %arg7[%add3A_312, %dma_start3A_313] : memref<400x64xf32, #tpu.memory_space<vmem>> -> memref<1x64xf32, #tpu.memory_space<vmem>>
      %dma_start3A_315 = tpu.memref_squeeze %dma_start3A_314 : memref<1x64xf32, #tpu.memory_space<vmem>> -> memref<64xf32, #tpu.memory_space<vmem>>
      %dma_start3A_316 = arith.constant 0 : i32
      %dma_start3A_317 = tpu.memref_slice %arg3[%squeeze3A_308, %dma_start3A_316] : memref<1000000x64xf32, #tpu.memory_space<hbm>> -> memref<1x64xf32, #tpu.memory_space<hbm>>
      %dma_start3A_318 = tpu.memref_squeeze %dma_start3A_317 : memref<1x64xf32, #tpu.memory_space<hbm>> -> memref<64xf32, #tpu.memory_space<hbm>>
      %dma_start3A_319 = arith.constant 0 : i32
      %dma_start3A_320 = tpu.memref_slice %arg7[%add3A_312, %dma_start3A_319] : memref<400x64xf32, #tpu.memory_space<vmem>> -> memref<1x64xf32, #tpu.memory_space<vmem>>
      %dma_start3A_321 = tpu.memref_squeeze %dma_start3A_320 : memref<1x64xf32, #tpu.memory_space<vmem>> -> memref<64xf32, #tpu.memory_space<vmem>>
      %dma_start3A_322 = arith.constant 0 : i32
      %dma_start3A_323 = tpu.memref_slice %arg3[%squeeze3A_308, %dma_start3A_322] : memref<1000000x64xf32, #tpu.memory_space<hbm>> -> memref<1x64xf32, #tpu.memory_space<hbm>>
      %dma_start3A_324 = tpu.memref_squeeze %dma_start3A_323 : memref<1x64xf32, #tpu.memory_space<hbm>> -> memref<64xf32, #tpu.memory_space<hbm>>
      tpu.enqueue_dma source(%dma_start3A_324 : memref<64xf32, #tpu.memory_space<hbm>>) target(%dma_start3A_321 : memref<64xf32, #tpu.memory_space<vmem>>) target_semaphore(%arg11 : memref<!tpu.dma_semaphore, #tpu.memory_space<semaphore_mem>>)
      %slice3A_325 = vector.extract_strided_slice %get3A_74 {offsets = [14], sizes = [1], strides = [1]} : vector<16xi32> to vector<1xi32>
      %squeeze3A_326 = vector.extract %slice3A_325[0] : i32 from vector<1xi32>
      %mul3A_327 = arith.constant 16 : i32
      %mul3A_328 = arith.muli %scan3A_70, %mul3A_327 : i32
      %add3A_329 = arith.constant 14 : i32
      %add3A_330 = arith.addi %mul3A_328, %add3A_329 : i32
      %dma_start3A_331 = arith.constant 0 : i32
      %dma_start3A_332 = tpu.memref_slice %arg7[%add3A_330, %dma_start3A_331] : memref<400x64xf32, #tpu.memory_space<vmem>> -> memref<1x64xf32, #tpu.memory_space<vmem>>
      %dma_start3A_333 = tpu.memref_squeeze %dma_start3A_332 : memref<1x64xf32, #tpu.memory_space<vmem>> -> memref<64xf32, #tpu.memory_space<vmem>>
      %dma_start3A_334 = arith.constant 0 : i32
      %dma_start3A_335 = tpu.memref_slice %arg3[%squeeze3A_326, %dma_start3A_334] : memref<1000000x64xf32, #tpu.memory_space<hbm>> -> memref<1x64xf32, #tpu.memory_space<hbm>>
      %dma_start3A_336 = tpu.memref_squeeze %dma_start3A_335 : memref<1x64xf32, #tpu.memory_space<hbm>> -> memref<64xf32, #tpu.memory_space<hbm>>
      %dma_start3A_337 = arith.constant 0 : i32
      %dma_start3A_338 = tpu.memref_slice %arg7[%add3A_330, %dma_start3A_337] : memref<400x64xf32, #tpu.memory_space<vmem>> -> memref<1x64xf32, #tpu.memory_space<vmem>>
      %dma_start3A_339 = tpu.memref_squeeze %dma_start3A_338 : memref<1x64xf32, #tpu.memory_space<vmem>> -> memref<64xf32, #tpu.memory_space<vmem>>
      %dma_start3A_340 = arith.constant 0 : i32
      %dma_start3A_341 = tpu.memref_slice %arg3[%squeeze3A_326, %dma_start3A_340] : memref<1000000x64xf32, #tpu.memory_space<hbm>> -> memref<1x64xf32, #tpu.memory_space<hbm>>
      %dma_start3A_342 = tpu.memref_squeeze %dma_start3A_341 : memref<1x64xf32, #tpu.memory_space<hbm>> -> memref<64xf32, #tpu.memory_space<hbm>>
      tpu.enqueue_dma source(%dma_start3A_342 : memref<64xf32, #tpu.memory_space<hbm>>) target(%dma_start3A_339 : memref<64xf32, #tpu.memory_space<vmem>>) target_semaphore(%arg11 : memref<!tpu.dma_semaphore, #tpu.memory_space<semaphore_mem>>)
      %slice3A_343 = vector.extract_strided_slice %get3A_74 {offsets = [15], sizes = [1], strides = [1]} : vector<16xi32> to vector<1xi32>
      %squeeze3A_344 = vector.extract %slice3A_343[0] : i32 from vector<1xi32>
      %mul3A_345 = arith.constant 16 : i32
      %mul3A_346 = arith.muli %scan3A_70, %mul3A_345 : i32
      %add3A_347 = arith.constant 15 : i32
      %add3A_348 = arith.addi %mul3A_346, %add3A_347 : i32
      %dma_start3A_349 = arith.constant 0 : i32
      %dma_start3A_350 = tpu.memref_slice %arg7[%add3A_348, %dma_start3A_349] : memref<400x64xf32, #tpu.memory_space<vmem>> -> memref<1x64xf32, #tpu.memory_space<vmem>>
      %dma_start3A_351 = tpu.memref_squeeze %dma_start3A_350 : memref<1x64xf32, #tpu.memory_space<vmem>> -> memref<64xf32, #tpu.memory_space<vmem>>
      %dma_start3A_352 = arith.constant 0 : i32
      %dma_start3A_353 = tpu.memref_slice %arg3[%squeeze3A_344, %dma_start3A_352] : memref<1000000x64xf32, #tpu.memory_space<hbm>> -> memref<1x64xf32, #tpu.memory_space<hbm>>
      %dma_start3A_354 = tpu.memref_squeeze %dma_start3A_353 : memref<1x64xf32, #tpu.memory_space<hbm>> -> memref<64xf32, #tpu.memory_space<hbm>>
      %dma_start3A_355 = arith.constant 0 : i32
      %dma_start3A_356 = tpu.memref_slice %arg7[%add3A_348, %dma_start3A_355] : memref<400x64xf32, #tpu.memory_space<vmem>> -> memref<1x64xf32, #tpu.memory_space<vmem>>
      %dma_start3A_357 = tpu.memref_squeeze %dma_start3A_356 : memref<1x64xf32, #tpu.memory_space<vmem>> -> memref<64xf32, #tpu.memory_space<vmem>>
      %dma_start3A_358 = arith.constant 0 : i32
      %dma_start3A_359 = tpu.memref_slice %arg3[%squeeze3A_344, %dma_start3A_358] : memref<1000000x64xf32, #tpu.memory_space<hbm>> -> memref<1x64xf32, #tpu.memory_space<hbm>>
      %dma_start3A_360 = tpu.memref_squeeze %dma_start3A_359 : memref<1x64xf32, #tpu.memory_space<hbm>> -> memref<64xf32, #tpu.memory_space<hbm>>
      tpu.enqueue_dma source(%dma_start3A_360 : memref<64xf32, #tpu.memory_space<hbm>>) target(%dma_start3A_357 : memref<64xf32, #tpu.memory_space<vmem>>) target_semaphore(%arg11 : memref<!tpu.dma_semaphore, #tpu.memory_space<semaphore_mem>>)
    }
    %scan3A_17 = arith.constant 25 : i32
    %add3A_18 = arith.constant 400 : i32
    %add3A_19 = arith.addi %mul3A_2, %add3A_18 : i32
    %dma_wait3A_20 = tpu.memref_slice %arg2[%add3A_19] : memref<819200xi32, #tpu.memory_space<hbm>> -> memref<400xi32, #tpu.memory_space<hbm>>
    %dma_wait3A_21 = tpu.memref_slice %arg2[%add3A_19] : memref<819200xi32, #tpu.memory_space<hbm>> -> memref<400xi32, #tpu.memory_space<hbm>>
    tpu.wait_dma2 semaphore(%arg10 : memref<!tpu.dma_semaphore, #tpu.memory_space<semaphore_mem>>) src(%dma_wait3A_21 : memref<400xi32, #tpu.memory_space<hbm>>) dst(%arg6 : memref<400xi32, #tpu.memory_space<vmem>>)
    %scan3A_22 = arith.constant 0 : i32
    %scan3A_23 = arith.constant 0 : i32
    %scan3A_24 = arith.constant 25 : i32
    %scan3A_25 = arith.addi %scan3A_23, %scan3A_24 : i32
    %scan3A_26 = arith.constant 1 : i32
    scf.for %scan3A_70 = %scan3A_23 to %scan3A_25 step %scan3A_26  : i32 {
      %mul3A_71 = arith.constant 16 : i32
      %mul3A_72 = arith.muli %scan3A_70, %mul3A_71 : i32
      %get3A = arith.index_cast %mul3A_72 : i32 to index
      %get3A_73 = tpu.vector_load %arg6[%get3A] {strides = array<i32>} : memref<400xi32, #tpu.memory_space<vmem>>, vector<16xi32>,
      %get3A_74 = vector.shape_cast %get3A_73 : vector<16xi32> to vector<16xi32>
      %slice3A = vector.extract_strided_slice %get3A_74 {offsets = [0], sizes = [1], strides = [1]} : vector<16xi32> to vector<1xi32>
      %squeeze3A = vector.extract %slice3A[0] : i32 from vector<1xi32>
      %mul3A_75 = arith.constant 16 : i32
      %mul3A_76 = arith.muli %scan3A_70, %mul3A_75 : i32
      %add3A_77 = arith.constant 0 : i32
      %add3A_78 = arith.addi %mul3A_76, %add3A_77 : i32
      %dma_start3A_79 = arith.constant 0 : i32
      %dma_start3A_80 = tpu.memref_slice %arg8[%add3A_78, %dma_start3A_79] : memref<400x64xf32, #tpu.memory_space<vmem>> -> memref<1x64xf32, #tpu.memory_space<vmem>>
      %dma_start3A_81 = tpu.memref_squeeze %dma_start3A_80 : memref<1x64xf32, #tpu.memory_space<vmem>> -> memref<64xf32, #tpu.memory_space<vmem>>
      %dma_start3A_82 = arith.constant 0 : i32
      %dma_start3A_83 = tpu.memref_slice %arg3[%squeeze3A, %dma_start3A_82] : memref<1000000x64xf32, #tpu.memory_space<hbm>> -> memref<1x64xf32, #tpu.memory_space<hbm>>
      %dma_start3A_84 = tpu.memref_squeeze %dma_start3A_83 : memref<1x64xf32, #tpu.memory_space<hbm>> -> memref<64xf32, #tpu.memory_space<hbm>>
      %dma_start3A_85 = arith.constant 0 : i32
      %dma_start3A_86 = tpu.memref_slice %arg8[%add3A_78, %dma_start3A_85] : memref<400x64xf32, #tpu.memory_space<vmem>> -> memref<1x64xf32, #tpu.memory_space<vmem>>
      %dma_start3A_87 = tpu.memref_squeeze %dma_start3A_86 : memref<1x64xf32, #tpu.memory_space<vmem>> -> memref<64xf32, #tpu.memory_space<vmem>>
      %dma_start3A_88 = arith.constant 0 : i32
      %dma_start3A_89 = tpu.memref_slice %arg3[%squeeze3A, %dma_start3A_88] : memref<1000000x64xf32, #tpu.memory_space<hbm>> -> memref<1x64xf32, #tpu.memory_space<hbm>>
      %dma_start3A_90 = tpu.memref_squeeze %dma_start3A_89 : memref<1x64xf32, #tpu.memory_space<hbm>> -> memref<64xf32, #tpu.memory_space<hbm>>
      tpu.enqueue_dma source(%dma_start3A_90 : memref<64xf32, #tpu.memory_space<hbm>>) target(%dma_start3A_87 : memref<64xf32, #tpu.memory_space<vmem>>) target_semaphore(%arg12 : memref<!tpu.dma_semaphore, #tpu.memory_space<semaphore_mem>>)
      %slice3A_91 = vector.extract_strided_slice %get3A_74 {offsets = [1], sizes = [1], strides = [1]} : vector<16xi32> to vector<1xi32>
      %squeeze3A_92 = vector.extract %slice3A_91[0] : i32 from vector<1xi32>
      %mul3A_93 = arith.constant 16 : i32
      %mul3A_94 = arith.muli %scan3A_70, %mul3A_93 : i32
      %add3A_95 = arith.constant 1 : i32
      %add3A_96 = arith.addi %mul3A_94, %add3A_95 : i32
      %dma_start3A_97 = arith.constant 0 : i32
      %dma_start3A_98 = tpu.memref_slice %arg8[%add3A_96, %dma_start3A_97] : memref<400x64xf32, #tpu.memory_space<vmem>> -> memref<1x64xf32, #tpu.memory_space<vmem>>
      %dma_start3A_99 = tpu.memref_squeeze %dma_start3A_98 : memref<1x64xf32, #tpu.memory_space<vmem>> -> memref<64xf32, #tpu.memory_space<vmem>>
      %dma_start3A_100 = arith.constant 0 : i32
      %dma_start3A_101 = tpu.memref_slice %arg3[%squeeze3A_92, %dma_start3A_100] : memref<1000000x64xf32, #tpu.memory_space<hbm>> -> memref<1x64xf32, #tpu.memory_space<hbm>>
      %dma_start3A_102 = tpu.memref_squeeze %dma_start3A_101 : memref<1x64xf32, #tpu.memory_space<hbm>> -> memref<64xf32, #tpu.memory_space<hbm>>
      %dma_start3A_103 = arith.constant 0 : i32
      %dma_start3A_104 = tpu.memref_slice %arg8[%add3A_96, %dma_start3A_103] : memref<400x64xf32, #tpu.memory_space<vmem>> -> memref<1x64xf32, #tpu.memory_space<vmem>>
      %dma_start3A_105 = tpu.memref_squeeze %dma_start3A_104 : memref<1x64xf32, #tpu.memory_space<vmem>> -> memref<64xf32, #tpu.memory_space<vmem>>
      %dma_start3A_106 = arith.constant 0 : i32
      %dma_start3A_107 = tpu.memref_slice %arg3[%squeeze3A_92, %dma_start3A_106] : memref<1000000x64xf32, #tpu.memory_space<hbm>> -> memref<1x64xf32, #tpu.memory_space<hbm>>
      %dma_start3A_108 = tpu.memref_squeeze %dma_start3A_107 : memref<1x64xf32, #tpu.memory_space<hbm>> -> memref<64xf32, #tpu.memory_space<hbm>>
      tpu.enqueue_dma source(%dma_start3A_108 : memref<64xf32, #tpu.memory_space<hbm>>) target(%dma_start3A_105 : memref<64xf32, #tpu.memory_space<vmem>>) target_semaphore(%arg12 : memref<!tpu.dma_semaphore, #tpu.memory_space<semaphore_mem>>)
      %slice3A_109 = vector.extract_strided_slice %get3A_74 {offsets = [2], sizes = [1], strides = [1]} : vector<16xi32> to vector<1xi32>
      %squeeze3A_110 = vector.extract %slice3A_109[0] : i32 from vector<1xi32>
      %mul3A_111 = arith.constant 16 : i32
      %mul3A_112 = arith.muli %scan3A_70, %mul3A_111 : i32
      %add3A_113 = arith.constant 2 : i32
      %add3A_114 = arith.addi %mul3A_112, %add3A_113 : i32
      %dma_start3A_115 = arith.constant 0 : i32
      %dma_start3A_116 = tpu.memref_slice %arg8[%add3A_114, %dma_start3A_115] : memref<400x64xf32, #tpu.memory_space<vmem>> -> memref<1x64xf32, #tpu.memory_space<vmem>>
      %dma_start3A_117 = tpu.memref_squeeze %dma_start3A_116 : memref<1x64xf32, #tpu.memory_space<vmem>> -> memref<64xf32, #tpu.memory_space<vmem>>
      %dma_start3A_118 = arith.constant 0 : i32
      %dma_start3A_119 = tpu.memref_slice %arg3[%squeeze3A_110, %dma_start3A_118] : memref<1000000x64xf32, #tpu.memory_space<hbm>> -> memref<1x64xf32, #tpu.memory_space<hbm>>
      %dma_start3A_120 = tpu.memref_squeeze %dma_start3A_119 : memref<1x64xf32, #tpu.memory_space<hbm>> -> memref<64xf32, #tpu.memory_space<hbm>>
      %dma_start3A_121 = arith.constant 0 : i32
      %dma_start3A_122 = tpu.memref_slice %arg8[%add3A_114, %dma_start3A_121] : memref<400x64xf32, #tpu.memory_space<vmem>> -> memref<1x64xf32, #tpu.memory_space<vmem>>
      %dma_start3A_123 = tpu.memref_squeeze %dma_start3A_122 : memref<1x64xf32, #tpu.memory_space<vmem>> -> memref<64xf32, #tpu.memory_space<vmem>>
      %dma_start3A_124 = arith.constant 0 : i32
      %dma_start3A_125 = tpu.memref_slice %arg3[%squeeze3A_110, %dma_start3A_124] : memref<1000000x64xf32, #tpu.memory_space<hbm>> -> memref<1x64xf32, #tpu.memory_space<hbm>>
      %dma_start3A_126 = tpu.memref_squeeze %dma_start3A_125 : memref<1x64xf32, #tpu.memory_space<hbm>> -> memref<64xf32, #tpu.memory_space<hbm>>
      tpu.enqueue_dma source(%dma_start3A_126 : memref<64xf32, #tpu.memory_space<hbm>>) target(%dma_start3A_123 : memref<64xf32, #tpu.memory_space<vmem>>) target_semaphore(%arg12 : memref<!tpu.dma_semaphore, #tpu.memory_space<semaphore_mem>>)
      %slice3A_127 = vector.extract_strided_slice %get3A_74 {offsets = [3], sizes = [1], strides = [1]} : vector<16xi32> to vector<1xi32>
      %squeeze3A_128 = vector.extract %slice3A_127[0] : i32 from vector<1xi32>
      %mul3A_129 = arith.constant 16 : i32
      %mul3A_130 = arith.muli %scan3A_70, %mul3A_129 : i32
      %add3A_131 = arith.constant 3 : i32
      %add3A_132 = arith.addi %mul3A_130, %add3A_131 : i32
      %dma_start3A_133 = arith.constant 0 : i32
      %dma_start3A_134 = tpu.memref_slice %arg8[%add3A_132, %dma_start3A_133] : memref<400x64xf32, #tpu.memory_space<vmem>> -> memref<1x64xf32, #tpu.memory_space<vmem>>
      %dma_start3A_135 = tpu.memref_squeeze %dma_start3A_134 : memref<1x64xf32, #tpu.memory_space<vmem>> -> memref<64xf32, #tpu.memory_space<vmem>>
      %dma_start3A_136 = arith.constant 0 : i32
      %dma_start3A_137 = tpu.memref_slice %arg3[%squeeze3A_128, %dma_start3A_136] : memref<1000000x64xf32, #tpu.memory_space<hbm>> -> memref<1x64xf32, #tpu.memory_space<hbm>>
      %dma_start3A_138 = tpu.memref_squeeze %dma_start3A_137 : memref<1x64xf32, #tpu.memory_space<hbm>> -> memref<64xf32, #tpu.memory_space<hbm>>
      %dma_start3A_139 = arith.constant 0 : i32
      %dma_start3A_140 = tpu.memref_slice %arg8[%add3A_132, %dma_start3A_139] : memref<400x64xf32, #tpu.memory_space<vmem>> -> memref<1x64xf32, #tpu.memory_space<vmem>>
      %dma_start3A_141 = tpu.memref_squeeze %dma_start3A_140 : memref<1x64xf32, #tpu.memory_space<vmem>> -> memref<64xf32, #tpu.memory_space<vmem>>
      %dma_start3A_142 = arith.constant 0 : i32
      %dma_start3A_143 = tpu.memref_slice %arg3[%squeeze3A_128, %dma_start3A_142] : memref<1000000x64xf32, #tpu.memory_space<hbm>> -> memref<1x64xf32, #tpu.memory_space<hbm>>
      %dma_start3A_144 = tpu.memref_squeeze %dma_start3A_143 : memref<1x64xf32, #tpu.memory_space<hbm>> -> memref<64xf32, #tpu.memory_space<hbm>>
      tpu.enqueue_dma source(%dma_start3A_144 : memref<64xf32, #tpu.memory_space<hbm>>) target(%dma_start3A_141 : memref<64xf32, #tpu.memory_space<vmem>>) target_semaphore(%arg12 : memref<!tpu.dma_semaphore, #tpu.memory_space<semaphore_mem>>)
      %slice3A_145 = vector.extract_strided_slice %get3A_74 {offsets = [4], sizes = [1], strides = [1]} : vector<16xi32> to vector<1xi32>
      %squeeze3A_146 = vector.extract %slice3A_145[0] : i32 from vector<1xi32>
      %mul3A_147 = arith.constant 16 : i32
      %mul3A_148 = arith.muli %scan3A_70, %mul3A_147 : i32
      %add3A_149 = arith.constant 4 : i32
      %add3A_150 = arith.addi %mul3A_148, %add3A_149 : i32
      %dma_start3A_151 = arith.constant 0 : i32
      %dma_start3A_152 = tpu.memref_slice %arg8[%add3A_150, %dma_start3A_151] : memref<400x64xf32, #tpu.memory_space<vmem>> -> memref<1x64xf32, #tpu.memory_space<vmem>>
      %dma_start3A_153 = tpu.memref_squeeze %dma_start3A_152 : memref<1x64xf32, #tpu.memory_space<vmem>> -> memref<64xf32, #tpu.memory_space<vmem>>
      %dma_start3A_154 = arith.constant 0 : i32
      %dma_start3A_155 = tpu.memref_slice %arg3[%squeeze3A_146, %dma_start3A_154] : memref<1000000x64xf32, #tpu.memory_space<hbm>> -> memref<1x64xf32, #tpu.memory_space<hbm>>
      %dma_start3A_156 = tpu.memref_squeeze %dma_start3A_155 : memref<1x64xf32, #tpu.memory_space<hbm>> -> memref<64xf32, #tpu.memory_space<hbm>>
      %dma_start3A_157 = arith.constant 0 : i32
      %dma_start3A_158 = tpu.memref_slice %arg8[%add3A_150, %dma_start3A_157] : memref<400x64xf32, #tpu.memory_space<vmem>> -> memref<1x64xf32, #tpu.memory_space<vmem>>
      %dma_start3A_159 = tpu.memref_squeeze %dma_start3A_158 : memref<1x64xf32, #tpu.memory_space<vmem>> -> memref<64xf32, #tpu.memory_space<vmem>>
      %dma_start3A_160 = arith.constant 0 : i32
      %dma_start3A_161 = tpu.memref_slice %arg3[%squeeze3A_146, %dma_start3A_160] : memref<1000000x64xf32, #tpu.memory_space<hbm>> -> memref<1x64xf32, #tpu.memory_space<hbm>>
      %dma_start3A_162 = tpu.memref_squeeze %dma_start3A_161 : memref<1x64xf32, #tpu.memory_space<hbm>> -> memref<64xf32, #tpu.memory_space<hbm>>
      tpu.enqueue_dma source(%dma_start3A_162 : memref<64xf32, #tpu.memory_space<hbm>>) target(%dma_start3A_159 : memref<64xf32, #tpu.memory_space<vmem>>) target_semaphore(%arg12 : memref<!tpu.dma_semaphore, #tpu.memory_space<semaphore_mem>>)
      %slice3A_163 = vector.extract_strided_slice %get3A_74 {offsets = [5], sizes = [1], strides = [1]} : vector<16xi32> to vector<1xi32>
      %squeeze3A_164 = vector.extract %slice3A_163[0] : i32 from vector<1xi32>
      %mul3A_165 = arith.constant 16 : i32
      %mul3A_166 = arith.muli %scan3A_70, %mul3A_165 : i32
      %add3A_167 = arith.constant 5 : i32
      %add3A_168 = arith.addi %mul3A_166, %add3A_167 : i32
      %dma_start3A_169 = arith.constant 0 : i32
      %dma_start3A_170 = tpu.memref_slice %arg8[%add3A_168, %dma_start3A_169] : memref<400x64xf32, #tpu.memory_space<vmem>> -> memref<1x64xf32, #tpu.memory_space<vmem>>
      %dma_start3A_171 = tpu.memref_squeeze %dma_start3A_170 : memref<1x64xf32, #tpu.memory_space<vmem>> -> memref<64xf32, #tpu.memory_space<vmem>>
      %dma_start3A_172 = arith.constant 0 : i32
      %dma_start3A_173 = tpu.memref_slice %arg3[%squeeze3A_164, %dma_start3A_172] : memref<1000000x64xf32, #tpu.memory_space<hbm>> -> memref<1x64xf32, #tpu.memory_space<hbm>>
      %dma_start3A_174 = tpu.memref_squeeze %dma_start3A_173 : memref<1x64xf32, #tpu.memory_space<hbm>> -> memref<64xf32, #tpu.memory_space<hbm>>
      %dma_start3A_175 = arith.constant 0 : i32
      %dma_start3A_176 = tpu.memref_slice %arg8[%add3A_168, %dma_start3A_175] : memref<400x64xf32, #tpu.memory_space<vmem>> -> memref<1x64xf32, #tpu.memory_space<vmem>>
      %dma_start3A_177 = tpu.memref_squeeze %dma_start3A_176 : memref<1x64xf32, #tpu.memory_space<vmem>> -> memref<64xf32, #tpu.memory_space<vmem>>
      %dma_start3A_178 = arith.constant 0 : i32
      %dma_start3A_179 = tpu.memref_slice %arg3[%squeeze3A_164, %dma_start3A_178] : memref<1000000x64xf32, #tpu.memory_space<hbm>> -> memref<1x64xf32, #tpu.memory_space<hbm>>
      %dma_start3A_180 = tpu.memref_squeeze %dma_start3A_179 : memref<1x64xf32, #tpu.memory_space<hbm>> -> memref<64xf32, #tpu.memory_space<hbm>>
      tpu.enqueue_dma source(%dma_start3A_180 : memref<64xf32, #tpu.memory_space<hbm>>) target(%dma_start3A_177 : memref<64xf32, #tpu.memory_space<vmem>>) target_semaphore(%arg12 : memref<!tpu.dma_semaphore, #tpu.memory_space<semaphore_mem>>)
      %slice3A_181 = vector.extract_strided_slice %get3A_74 {offsets = [6], sizes = [1], strides = [1]} : vector<16xi32> to vector<1xi32>
      %squeeze3A_182 = vector.extract %slice3A_181[0] : i32 from vector<1xi32>
      %mul3A_183 = arith.constant 16 : i32
      %mul3A_184 = arith.muli %scan3A_70, %mul3A_183 : i32
      %add3A_185 = arith.constant 6 : i32
      %add3A_186 = arith.addi %mul3A_184, %add3A_185 : i32
      %dma_start3A_187 = arith.constant 0 : i32
      %dma_start3A_188 = tpu.memref_slice %arg8[%add3A_186, %dma_start3A_187] : memref<400x64xf32, #tpu.memory_space<vmem>> -> memref<1x64xf32, #tpu.memory_space<vmem>>
      %dma_start3A_189 = tpu.memref_squeeze %dma_start3A_188 : memref<1x64xf32, #tpu.memory_space<vmem>> -> memref<64xf32, #tpu.memory_space<vmem>>
      %dma_start3A_190 = arith.constant 0 : i32
      %dma_start3A_191 = tpu.memref_slice %arg3[%squeeze3A_182, %dma_start3A_190] : memref<1000000x64xf32, #tpu.memory_space<hbm>> -> memref<1x64xf32, #tpu.memory_space<hbm>>
      %dma_start3A_192 = tpu.memref_squeeze %dma_start3A_191 : memref<1x64xf32, #tpu.memory_space<hbm>> -> memref<64xf32, #tpu.memory_space<hbm>>
      %dma_start3A_193 = arith.constant 0 : i32
      %dma_start3A_194 = tpu.memref_slice %arg8[%add3A_186, %dma_start3A_193] : memref<400x64xf32, #tpu.memory_space<vmem>> -> memref<1x64xf32, #tpu.memory_space<vmem>>
      %dma_start3A_195 = tpu.memref_squeeze %dma_start3A_194 : memref<1x64xf32, #tpu.memory_space<vmem>> -> memref<64xf32, #tpu.memory_space<vmem>>
      %dma_start3A_196 = arith.constant 0 : i32
      %dma_start3A_197 = tpu.memref_slice %arg3[%squeeze3A_182, %dma_start3A_196] : memref<1000000x64xf32, #tpu.memory_space<hbm>> -> memref<1x64xf32, #tpu.memory_space<hbm>>
      %dma_start3A_198 = tpu.memref_squeeze %dma_start3A_197 : memref<1x64xf32, #tpu.memory_space<hbm>> -> memref<64xf32, #tpu.memory_space<hbm>>
      tpu.enqueue_dma source(%dma_start3A_198 : memref<64xf32, #tpu.memory_space<hbm>>) target(%dma_start3A_195 : memref<64xf32, #tpu.memory_space<vmem>>) target_semaphore(%arg12 : memref<!tpu.dma_semaphore, #tpu.memory_space<semaphore_mem>>)
      %slice3A_199 = vector.extract_strided_slice %get3A_74 {offsets = [7], sizes = [1], strides = [1]} : vector<16xi32> to vector<1xi32>
      %squeeze3A_200 = vector.extract %slice3A_199[0] : i32 from vector<1xi32>
      %mul3A_201 = arith.constant 16 : i32
      %mul3A_202 = arith.muli %scan3A_70, %mul3A_201 : i32
      %add3A_203 = arith.constant 7 : i32
      %add3A_204 = arith.addi %mul3A_202, %add3A_203 : i32
      %dma_start3A_205 = arith.constant 0 : i32
      %dma_start3A_206 = tpu.memref_slice %arg8[%add3A_204, %dma_start3A_205] : memref<400x64xf32, #tpu.memory_space<vmem>> -> memref<1x64xf32, #tpu.memory_space<vmem>>
      %dma_start3A_207 = tpu.memref_squeeze %dma_start3A_206 : memref<1x64xf32, #tpu.memory_space<vmem>> -> memref<64xf32, #tpu.memory_space<vmem>>
      %dma_start3A_208 = arith.constant 0 : i32
      %dma_start3A_209 = tpu.memref_slice %arg3[%squeeze3A_200, %dma_start3A_208] : memref<1000000x64xf32, #tpu.memory_space<hbm>> -> memref<1x64xf32, #tpu.memory_space<hbm>>
      %dma_start3A_210 = tpu.memref_squeeze %dma_start3A_209 : memref<1x64xf32, #tpu.memory_space<hbm>> -> memref<64xf32, #tpu.memory_space<hbm>>
      %dma_start3A_211 = arith.constant 0 : i32
      %dma_start3A_212 = tpu.memref_slice %arg8[%add3A_204, %dma_start3A_211] : memref<400x64xf32, #tpu.memory_space<vmem>> -> memref<1x64xf32, #tpu.memory_space<vmem>>
      %dma_start3A_213 = tpu.memref_squeeze %dma_start3A_212 : memref<1x64xf32, #tpu.memory_space<vmem>> -> memref<64xf32, #tpu.memory_space<vmem>>
      %dma_start3A_214 = arith.constant 0 : i32
      %dma_start3A_215 = tpu.memref_slice %arg3[%squeeze3A_200, %dma_start3A_214] : memref<1000000x64xf32, #tpu.memory_space<hbm>> -> memref<1x64xf32, #tpu.memory_space<hbm>>
      %dma_start3A_216 = tpu.memref_squeeze %dma_start3A_215 : memref<1x64xf32, #tpu.memory_space<hbm>> -> memref<64xf32, #tpu.memory_space<hbm>>
      tpu.enqueue_dma source(%dma_start3A_216 : memref<64xf32, #tpu.memory_space<hbm>>) target(%dma_start3A_213 : memref<64xf32, #tpu.memory_space<vmem>>) target_semaphore(%arg12 : memref<!tpu.dma_semaphore, #tpu.memory_space<semaphore_mem>>)
      %slice3A_217 = vector.extract_strided_slice %get3A_74 {offsets = [8], sizes = [1], strides = [1]} : vector<16xi32> to vector<1xi32>
      %squeeze3A_218 = vector.extract %slice3A_217[0] : i32 from vector<1xi32>
      %mul3A_219 = arith.constant 16 : i32
      %mul3A_220 = arith.muli %scan3A_70, %mul3A_219 : i32
      %add3A_221 = arith.constant 8 : i32
      %add3A_222 = arith.addi %mul3A_220, %add3A_221 : i32
      %dma_start3A_223 = arith.constant 0 : i32
      %dma_start3A_224 = tpu.memref_slice %arg8[%add3A_222, %dma_start3A_223] : memref<400x64xf32, #tpu.memory_space<vmem>> -> memref<1x64xf32, #tpu.memory_space<vmem>>
      %dma_start3A_225 = tpu.memref_squeeze %dma_start3A_224 : memref<1x64xf32, #tpu.memory_space<vmem>> -> memref<64xf32, #tpu.memory_space<vmem>>
      %dma_start3A_226 = arith.constant 0 : i32
      %dma_start3A_227 = tpu.memref_slice %arg3[%squeeze3A_218, %dma_start3A_226] : memref<1000000x64xf32, #tpu.memory_space<hbm>> -> memref<1x64xf32, #tpu.memory_space<hbm>>
      %dma_start3A_228 = tpu.memref_squeeze %dma_start3A_227 : memref<1x64xf32, #tpu.memory_space<hbm>> -> memref<64xf32, #tpu.memory_space<hbm>>
      %dma_start3A_229 = arith.constant 0 : i32
      %dma_start3A_230 = tpu.memref_slice %arg8[%add3A_222, %dma_start3A_229] : memref<400x64xf32, #tpu.memory_space<vmem>> -> memref<1x64xf32, #tpu.memory_space<vmem>>
      %dma_start3A_231 = tpu.memref_squeeze %dma_start3A_230 : memref<1x64xf32, #tpu.memory_space<vmem>> -> memref<64xf32, #tpu.memory_space<vmem>>
      %dma_start3A_232 = arith.constant 0 : i32
      %dma_start3A_233 = tpu.memref_slice %arg3[%squeeze3A_218, %dma_start3A_232] : memref<1000000x64xf32, #tpu.memory_space<hbm>> -> memref<1x64xf32, #tpu.memory_space<hbm>>
      %dma_start3A_234 = tpu.memref_squeeze %dma_start3A_233 : memref<1x64xf32, #tpu.memory_space<hbm>> -> memref<64xf32, #tpu.memory_space<hbm>>
      tpu.enqueue_dma source(%dma_start3A_234 : memref<64xf32, #tpu.memory_space<hbm>>) target(%dma_start3A_231 : memref<64xf32, #tpu.memory_space<vmem>>) target_semaphore(%arg12 : memref<!tpu.dma_semaphore, #tpu.memory_space<semaphore_mem>>)
      %slice3A_235 = vector.extract_strided_slice %get3A_74 {offsets = [9], sizes = [1], strides = [1]} : vector<16xi32> to vector<1xi32>
      %squeeze3A_236 = vector.extract %slice3A_235[0] : i32 from vector<1xi32>
      %mul3A_237 = arith.constant 16 : i32
      %mul3A_238 = arith.muli %scan3A_70, %mul3A_237 : i32
      %add3A_239 = arith.constant 9 : i32
      %add3A_240 = arith.addi %mul3A_238, %add3A_239 : i32
      %dma_start3A_241 = arith.constant 0 : i32
      %dma_start3A_242 = tpu.memref_slice %arg8[%add3A_240, %dma_start3A_241] : memref<400x64xf32, #tpu.memory_space<vmem>> -> memref<1x64xf32, #tpu.memory_space<vmem>>
      %dma_start3A_243 = tpu.memref_squeeze %dma_start3A_242 : memref<1x64xf32, #tpu.memory_space<vmem>> -> memref<64xf32, #tpu.memory_space<vmem>>
      %dma_start3A_244 = arith.constant 0 : i32
      %dma_start3A_245 = tpu.memref_slice %arg3[%squeeze3A_236, %dma_start3A_244] : memref<1000000x64xf32, #tpu.memory_space<hbm>> -> memref<1x64xf32, #tpu.memory_space<hbm>>
      %dma_start3A_246 = tpu.memref_squeeze %dma_start3A_245 : memref<1x64xf32, #tpu.memory_space<hbm>> -> memref<64xf32, #tpu.memory_space<hbm>>
      %dma_start3A_247 = arith.constant 0 : i32
      %dma_start3A_248 = tpu.memref_slice %arg8[%add3A_240, %dma_start3A_247] : memref<400x64xf32, #tpu.memory_space<vmem>> -> memref<1x64xf32, #tpu.memory_space<vmem>>
      %dma_start3A_249 = tpu.memref_squeeze %dma_start3A_248 : memref<1x64xf32, #tpu.memory_space<vmem>> -> memref<64xf32, #tpu.memory_space<vmem>>
      %dma_start3A_250 = arith.constant 0 : i32
      %dma_start3A_251 = tpu.memref_slice %arg3[%squeeze3A_236, %dma_start3A_250] : memref<1000000x64xf32, #tpu.memory_space<hbm>> -> memref<1x64xf32, #tpu.memory_space<hbm>>
      %dma_start3A_252 = tpu.memref_squeeze %dma_start3A_251 : memref<1x64xf32, #tpu.memory_space<hbm>> -> memref<64xf32, #tpu.memory_space<hbm>>
      tpu.enqueue_dma source(%dma_start3A_252 : memref<64xf32, #tpu.memory_space<hbm>>) target(%dma_start3A_249 : memref<64xf32, #tpu.memory_space<vmem>>) target_semaphore(%arg12 : memref<!tpu.dma_semaphore, #tpu.memory_space<semaphore_mem>>)
      %slice3A_253 = vector.extract_strided_slice %get3A_74 {offsets = [10], sizes = [1], strides = [1]} : vector<16xi32> to vector<1xi32>
      %squeeze3A_254 = vector.extract %slice3A_253[0] : i32 from vector<1xi32>
      %mul3A_255 = arith.constant 16 : i32
      %mul3A_256 = arith.muli %scan3A_70, %mul3A_255 : i32
      %add3A_257 = arith.constant 10 : i32
      %add3A_258 = arith.addi %mul3A_256, %add3A_257 : i32
      %dma_start3A_259 = arith.constant 0 : i32
      %dma_start3A_260 = tpu.memref_slice %arg8[%add3A_258, %dma_start3A_259] : memref<400x64xf32, #tpu.memory_space<vmem>> -> memref<1x64xf32, #tpu.memory_space<vmem>>
      %dma_start3A_261 = tpu.memref_squeeze %dma_start3A_260 : memref<1x64xf32, #tpu.memory_space<vmem>> -> memref<64xf32, #tpu.memory_space<vmem>>
      %dma_start3A_262 = arith.constant 0 : i32
      %dma_start3A_263 = tpu.memref_slice %arg3[%squeeze3A_254, %dma_start3A_262] : memref<1000000x64xf32, #tpu.memory_space<hbm>> -> memref<1x64xf32, #tpu.memory_space<hbm>>
      %dma_start3A_264 = tpu.memref_squeeze %dma_start3A_263 : memref<1x64xf32, #tpu.memory_space<hbm>> -> memref<64xf32, #tpu.memory_space<hbm>>
      %dma_start3A_265 = arith.constant 0 : i32
      %dma_start3A_266 = tpu.memref_slice %arg8[%add3A_258, %dma_start3A_265] : memref<400x64xf32, #tpu.memory_space<vmem>> -> memref<1x64xf32, #tpu.memory_space<vmem>>
      %dma_start3A_267 = tpu.memref_squeeze %dma_start3A_266 : memref<1x64xf32, #tpu.memory_space<vmem>> -> memref<64xf32, #tpu.memory_space<vmem>>
      %dma_start3A_268 = arith.constant 0 : i32
      %dma_start3A_269 = tpu.memref_slice %arg3[%squeeze3A_254, %dma_start3A_268] : memref<1000000x64xf32, #tpu.memory_space<hbm>> -> memref<1x64xf32, #tpu.memory_space<hbm>>
      %dma_start3A_270 = tpu.memref_squeeze %dma_start3A_269 : memref<1x64xf32, #tpu.memory_space<hbm>> -> memref<64xf32, #tpu.memory_space<hbm>>
      tpu.enqueue_dma source(%dma_start3A_270 : memref<64xf32, #tpu.memory_space<hbm>>) target(%dma_start3A_267 : memref<64xf32, #tpu.memory_space<vmem>>) target_semaphore(%arg12 : memref<!tpu.dma_semaphore, #tpu.memory_space<semaphore_mem>>)
      %slice3A_271 = vector.extract_strided_slice %get3A_74 {offsets = [11], sizes = [1], strides = [1]} : vector<16xi32> to vector<1xi32>
      %squeeze3A_272 = vector.extract %slice3A_271[0] : i32 from vector<1xi32>
      %mul3A_273 = arith.constant 16 : i32
      %mul3A_274 = arith.muli %scan3A_70, %mul3A_273 : i32
      %add3A_275 = arith.constant 11 : i32
      %add3A_276 = arith.addi %mul3A_274, %add3A_275 : i32
      %dma_start3A_277 = arith.constant 0 : i32
      %dma_start3A_278 = tpu.memref_slice %arg8[%add3A_276, %dma_start3A_277] : memref<400x64xf32, #tpu.memory_space<vmem>> -> memref<1x64xf32, #tpu.memory_space<vmem>>
      %dma_start3A_279 = tpu.memref_squeeze %dma_start3A_278 : memref<1x64xf32, #tpu.memory_space<vmem>> -> memref<64xf32, #tpu.memory_space<vmem>>
      %dma_start3A_280 = arith.constant 0 : i32
      %dma_start3A_281 = tpu.memref_slice %arg3[%squeeze3A_272, %dma_start3A_280] : memref<1000000x64xf32, #tpu.memory_space<hbm>> -> memref<1x64xf32, #tpu.memory_space<hbm>>
      %dma_start3A_282 = tpu.memref_squeeze %dma_start3A_281 : memref<1x64xf32, #tpu.memory_space<hbm>> -> memref<64xf32, #tpu.memory_space<hbm>>
      %dma_start3A_283 = arith.constant 0 : i32
      %dma_start3A_284 = tpu.memref_slice %arg8[%add3A_276, %dma_start3A_283] : memref<400x64xf32, #tpu.memory_space<vmem>> -> memref<1x64xf32, #tpu.memory_space<vmem>>
      %dma_start3A_285 = tpu.memref_squeeze %dma_start3A_284 : memref<1x64xf32, #tpu.memory_space<vmem>> -> memref<64xf32, #tpu.memory_space<vmem>>
      %dma_start3A_286 = arith.constant 0 : i32
      %dma_start3A_287 = tpu.memref_slice %arg3[%squeeze3A_272, %dma_start3A_286] : memref<1000000x64xf32, #tpu.memory_space<hbm>> -> memref<1x64xf32, #tpu.memory_space<hbm>>
      %dma_start3A_288 = tpu.memref_squeeze %dma_start3A_287 : memref<1x64xf32, #tpu.memory_space<hbm>> -> memref<64xf32, #tpu.memory_space<hbm>>
      tpu.enqueue_dma source(%dma_start3A_288 : memref<64xf32, #tpu.memory_space<hbm>>) target(%dma_start3A_285 : memref<64xf32, #tpu.memory_space<vmem>>) target_semaphore(%arg12 : memref<!tpu.dma_semaphore, #tpu.memory_space<semaphore_mem>>)
      %slice3A_289 = vector.extract_strided_slice %get3A_74 {offsets = [12], sizes = [1], strides = [1]} : vector<16xi32> to vector<1xi32>
      %squeeze3A_290 = vector.extract %slice3A_289[0] : i32 from vector<1xi32>
      %mul3A_291 = arith.constant 16 : i32
      %mul3A_292 = arith.muli %scan3A_70, %mul3A_291 : i32
      %add3A_293 = arith.constant 12 : i32
      %add3A_294 = arith.addi %mul3A_292, %add3A_293 : i32
      %dma_start3A_295 = arith.constant 0 : i32
      %dma_start3A_296 = tpu.memref_slice %arg8[%add3A_294, %dma_start3A_295] : memref<400x64xf32, #tpu.memory_space<vmem>> -> memref<1x64xf32, #tpu.memory_space<vmem>>
      %dma_start3A_297 = tpu.memref_squeeze %dma_start3A_296 : memref<1x64xf32, #tpu.memory_space<vmem>> -> memref<64xf32, #tpu.memory_space<vmem>>
      %dma_start3A_298 = arith.constant 0 : i32
      %dma_start3A_299 = tpu.memref_slice %arg3[%squeeze3A_290, %dma_start3A_298] : memref<1000000x64xf32, #tpu.memory_space<hbm>> -> memref<1x64xf32, #tpu.memory_space<hbm>>
      %dma_start3A_300 = tpu.memref_squeeze %dma_start3A_299 : memref<1x64xf32, #tpu.memory_space<hbm>> -> memref<64xf32, #tpu.memory_space<hbm>>
      %dma_start3A_301 = arith.constant 0 : i32
      %dma_start3A_302 = tpu.memref_slice %arg8[%add3A_294, %dma_start3A_301] : memref<400x64xf32, #tpu.memory_space<vmem>> -> memref<1x64xf32, #tpu.memory_space<vmem>>
      %dma_start3A_303 = tpu.memref_squeeze %dma_start3A_302 : memref<1x64xf32, #tpu.memory_space<vmem>> -> memref<64xf32, #tpu.memory_space<vmem>>
      %dma_start3A_304 = arith.constant 0 : i32
      %dma_start3A_305 = tpu.memref_slice %arg3[%squeeze3A_290, %dma_start3A_304] : memref<1000000x64xf32, #tpu.memory_space<hbm>> -> memref<1x64xf32, #tpu.memory_space<hbm>>
      %dma_start3A_306 = tpu.memref_squeeze %dma_start3A_305 : memref<1x64xf32, #tpu.memory_space<hbm>> -> memref<64xf32, #tpu.memory_space<hbm>>
      tpu.enqueue_dma source(%dma_start3A_306 : memref<64xf32, #tpu.memory_space<hbm>>) target(%dma_start3A_303 : memref<64xf32, #tpu.memory_space<vmem>>) target_semaphore(%arg12 : memref<!tpu.dma_semaphore, #tpu.memory_space<semaphore_mem>>)
      %slice3A_307 = vector.extract_strided_slice %get3A_74 {offsets = [13], sizes = [1], strides = [1]} : vector<16xi32> to vector<1xi32>
      %squeeze3A_308 = vector.extract %slice3A_307[0] : i32 from vector<1xi32>
      %mul3A_309 = arith.constant 16 : i32
      %mul3A_310 = arith.muli %scan3A_70, %mul3A_309 : i32
      %add3A_311 = arith.constant 13 : i32
      %add3A_312 = arith.addi %mul3A_310, %add3A_311 : i32
      %dma_start3A_313 = arith.constant 0 : i32
      %dma_start3A_314 = tpu.memref_slice %arg8[%add3A_312, %dma_start3A_313] : memref<400x64xf32, #tpu.memory_space<vmem>> -> memref<1x64xf32, #tpu.memory_space<vmem>>
      %dma_start3A_315 = tpu.memref_squeeze %dma_start3A_314 : memref<1x64xf32, #tpu.memory_space<vmem>> -> memref<64xf32, #tpu.memory_space<vmem>>
      %dma_start3A_316 = arith.constant 0 : i32
      %dma_start3A_317 = tpu.memref_slice %arg3[%squeeze3A_308, %dma_start3A_316] : memref<1000000x64xf32, #tpu.memory_space<hbm>> -> memref<1x64xf32, #tpu.memory_space<hbm>>
      %dma_start3A_318 = tpu.memref_squeeze %dma_start3A_317 : memref<1x64xf32, #tpu.memory_space<hbm>> -> memref<64xf32, #tpu.memory_space<hbm>>
      %dma_start3A_319 = arith.constant 0 : i32
      %dma_start3A_320 = tpu.memref_slice %arg8[%add3A_312, %dma_start3A_319] : memref<400x64xf32, #tpu.memory_space<vmem>> -> memref<1x64xf32, #tpu.memory_space<vmem>>
      %dma_start3A_321 = tpu.memref_squeeze %dma_start3A_320 : memref<1x64xf32, #tpu.memory_space<vmem>> -> memref<64xf32, #tpu.memory_space<vmem>>
      %dma_start3A_322 = arith.constant 0 : i32
      %dma_start3A_323 = tpu.memref_slice %arg3[%squeeze3A_308, %dma_start3A_322] : memref<1000000x64xf32, #tpu.memory_space<hbm>> -> memref<1x64xf32, #tpu.memory_space<hbm>>
      %dma_start3A_324 = tpu.memref_squeeze %dma_start3A_323 : memref<1x64xf32, #tpu.memory_space<hbm>> -> memref<64xf32, #tpu.memory_space<hbm>>
      tpu.enqueue_dma source(%dma_start3A_324 : memref<64xf32, #tpu.memory_space<hbm>>) target(%dma_start3A_321 : memref<64xf32, #tpu.memory_space<vmem>>) target_semaphore(%arg12 : memref<!tpu.dma_semaphore, #tpu.memory_space<semaphore_mem>>)
      %slice3A_325 = vector.extract_strided_slice %get3A_74 {offsets = [14], sizes = [1], strides = [1]} : vector<16xi32> to vector<1xi32>
      %squeeze3A_326 = vector.extract %slice3A_325[0] : i32 from vector<1xi32>
      %mul3A_327 = arith.constant 16 : i32
      %mul3A_328 = arith.muli %scan3A_70, %mul3A_327 : i32
      %add3A_329 = arith.constant 14 : i32
      %add3A_330 = arith.addi %mul3A_328, %add3A_329 : i32
      %dma_start3A_331 = arith.constant 0 : i32
      %dma_start3A_332 = tpu.memref_slice %arg8[%add3A_330, %dma_start3A_331] : memref<400x64xf32, #tpu.memory_space<vmem>> -> memref<1x64xf32, #tpu.memory_space<vmem>>
      %dma_start3A_333 = tpu.memref_squeeze %dma_start3A_332 : memref<1x64xf32, #tpu.memory_space<vmem>> -> memref<64xf32, #tpu.memory_space<vmem>>
      %dma_start3A_334 = arith.constant 0 : i32
      %dma_start3A_335 = tpu.memref_slice %arg3[%squeeze3A_326, %dma_start3A_334] : memref<1000000x64xf32, #tpu.memory_space<hbm>> -> memref<1x64xf32, #tpu.memory_space<hbm>>
      %dma_start3A_336 = tpu.memref_squeeze %dma_start3A_335 : memref<1x64xf32, #tpu.memory_space<hbm>> -> memref<64xf32, #tpu.memory_space<hbm>>
      %dma_start3A_337 = arith.constant 0 : i32
      %dma_start3A_338 = tpu.memref_slice %arg8[%add3A_330, %dma_start3A_337] : memref<400x64xf32, #tpu.memory_space<vmem>> -> memref<1x64xf32, #tpu.memory_space<vmem>>
      %dma_start3A_339 = tpu.memref_squeeze %dma_start3A_338 : memref<1x64xf32, #tpu.memory_space<vmem>> -> memref<64xf32, #tpu.memory_space<vmem>>
      %dma_start3A_340 = arith.constant 0 : i32
      %dma_start3A_341 = tpu.memref_slice %arg3[%squeeze3A_326, %dma_start3A_340] : memref<1000000x64xf32, #tpu.memory_space<hbm>> -> memref<1x64xf32, #tpu.memory_space<hbm>>
      %dma_start3A_342 = tpu.memref_squeeze %dma_start3A_341 : memref<1x64xf32, #tpu.memory_space<hbm>> -> memref<64xf32, #tpu.memory_space<hbm>>
      tpu.enqueue_dma source(%dma_start3A_342 : memref<64xf32, #tpu.memory_space<hbm>>) target(%dma_start3A_339 : memref<64xf32, #tpu.memory_space<vmem>>) target_semaphore(%arg12 : memref<!tpu.dma_semaphore, #tpu.memory_space<semaphore_mem>>)
      %slice3A_343 = vector.extract_strided_slice %get3A_74 {offsets = [15], sizes = [1], strides = [1]} : vector<16xi32> to vector<1xi32>
      %squeeze3A_344 = vector.extract %slice3A_343[0] : i32 from vector<1xi32>
      %mul3A_345 = arith.constant 16 : i32
      %mul3A_346 = arith.muli %scan3A_70, %mul3A_345 : i32
      %add3A_347 = arith.constant 15 : i32
      %add3A_348 = arith.addi %mul3A_346, %add3A_347 : i32
      %dma_start3A_349 = arith.constant 0 : i32
      %dma_start3A_350 = tpu.memref_slice %arg8[%add3A_348, %dma_start3A_349] : memref<400x64xf32, #tpu.memory_space<vmem>> -> memref<1x64xf32, #tpu.memory_space<vmem>>
      %dma_start3A_351 = tpu.memref_squeeze %dma_start3A_350 : memref<1x64xf32, #tpu.memory_space<vmem>> -> memref<64xf32, #tpu.memory_space<vmem>>
      %dma_start3A_352 = arith.constant 0 : i32
      %dma_start3A_353 = tpu.memref_slice %arg3[%squeeze3A_344, %dma_start3A_352] : memref<1000000x64xf32, #tpu.memory_space<hbm>> -> memref<1x64xf32, #tpu.memory_space<hbm>>
      %dma_start3A_354 = tpu.memref_squeeze %dma_start3A_353 : memref<1x64xf32, #tpu.memory_space<hbm>> -> memref<64xf32, #tpu.memory_space<hbm>>
      %dma_start3A_355 = arith.constant 0 : i32
      %dma_start3A_356 = tpu.memref_slice %arg8[%add3A_348, %dma_start3A_355] : memref<400x64xf32, #tpu.memory_space<vmem>> -> memref<1x64xf32, #tpu.memory_space<vmem>>
      %dma_start3A_357 = tpu.memref_squeeze %dma_start3A_356 : memref<1x64xf32, #tpu.memory_space<vmem>> -> memref<64xf32, #tpu.memory_space<vmem>>
      %dma_start3A_358 = arith.constant 0 : i32
      %dma_start3A_359 = tpu.memref_slice %arg3[%squeeze3A_344, %dma_start3A_358] : memref<1000000x64xf32, #tpu.memory_space<hbm>> -> memref<1x64xf32, #tpu.memory_space<hbm>>
      %dma_start3A_360 = tpu.memref_squeeze %dma_start3A_359 : memref<1x64xf32, #tpu.memory_space<hbm>> -> memref<64xf32, #tpu.memory_space<hbm>>
      tpu.enqueue_dma source(%dma_start3A_360 : memref<64xf32, #tpu.memory_space<hbm>>) target(%dma_start3A_357 : memref<64xf32, #tpu.memory_space<vmem>>) target_semaphore(%arg12 : memref<!tpu.dma_semaphore, #tpu.memory_space<semaphore_mem>>)
    }
    %scan3A_27 = arith.constant 25 : i32
    %scan3A_28 = arith.constant 0 : i32
    %scan3A_29 = arith.constant 1 : i32
    %scan3A_30 = arith.constant 31 : i32
    %scan3A_31 = arith.addi %scan3A_29, %scan3A_30 : i32
    %scan3A_32 = arith.constant 1 : i32
    scf.for %scan3A_70 = %scan3A_29 to %scan3A_31 step %scan3A_32  : i32 {
      %sub3A = arith.constant 1 : i32
      %sub3A_71 = arith.subi %scan3A_70, %sub3A : i32
      %mul3A_72 = arith.constant 2 : i32
      %mul3A_73 = arith.muli %sub3A_71, %mul3A_72 : i32
      %add3A_74 = arith.constant 0 : i32
      %add3A_75 = arith.addi %mul3A_73, %add3A_74 : i32
      %mul3A_76 = arith.constant 2 : i32
      %mul3A_77 = arith.muli %scan3A_70, %mul3A_76 : i32
      %add3A_78 = arith.constant 0 : i32
      %add3A_79 = arith.addi %mul3A_77, %add3A_78 : i32
      %dma_wait3A_80 = arith.constant 0 : i32
      %dma_wait3A_81 = arith.constant 0 : i32
      %dma_wait3A_82 = tpu.memref_slice %arg3[%dma_wait3A_80, %dma_wait3A_81] : memref<1000000x64xf32, #tpu.memory_space<hbm>> -> memref<400x64xf32, #tpu.memory_space<hbm>>
      %dma_wait3A_83 = arith.constant 0 : i32
      %dma_wait3A_84 = arith.constant 0 : i32
      %dma_wait3A_85 = tpu.memref_slice %arg3[%dma_wait3A_83, %dma_wait3A_84] : memref<1000000x64xf32, #tpu.memory_space<hbm>> -> memref<400x64xf32, #tpu.memory_space<hbm>>
      tpu.wait_dma2 semaphore(%arg11 : memref<!tpu.dma_semaphore, #tpu.memory_space<semaphore_mem>>) src(%dma_wait3A_85 : memref<400x64xf32, #tpu.memory_space<hbm>>) dst(%arg7 : memref<400x64xf32, #tpu.memory_space<vmem>>)
      %mul3A_86 = arith.constant 400 : i32
      %mul3A_87 = arith.muli %add3A_79, %mul3A_86 : i32
      %add3A_88 = arith.addi %mul3A_2, %mul3A_87 : i32
      %dma_start3A_89 = tpu.memref_slice %arg2[%add3A_88] : memref<819200xi32, #tpu.memory_space<hbm>> -> memref<400xi32, #tpu.memory_space<hbm>>
      %dma_start3A_90 = tpu.memref_slice %arg2[%add3A_88] : memref<819200xi32, #tpu.memory_space<hbm>> -> memref<400xi32, #tpu.memory_space<hbm>>
      tpu.enqueue_dma source(%dma_start3A_90 : memref<400xi32, #tpu.memory_space<hbm>>) target(%arg5 : memref<400xi32, #tpu.memory_space<vmem>>) target_semaphore(%arg9 : memref<!tpu.dma_semaphore, #tpu.memory_space<semaphore_mem>>)
      %mul3A_91 = arith.constant 400 : i32
      %mul3A_92 = arith.muli %add3A_75, %mul3A_91 : i32
      %add3A_93 = arith.addi %mul3A_2, %mul3A_92 : i32
      %dma_start3A_94 = arith.constant 0 : i32
      %dma_start3A_95 = tpu.memref_slice %arg4[%add3A_93, %dma_start3A_94] : memref<819200x64xf32, #tpu.memory_space<hbm>> -> memref<400x64xf32, #tpu.memory_space<hbm>>
      %dma_start3A_96 = arith.constant 0 : i32
      %dma_start3A_97 = tpu.memref_slice %arg4[%add3A_93, %dma_start3A_96] : memref<819200x64xf32, #tpu.memory_space<hbm>> -> memref<400x64xf32, #tpu.memory_space<hbm>>
      tpu.enqueue_dma source(%arg7 : memref<400x64xf32, #tpu.memory_space<vmem>>) target(%dma_start3A_97 : memref<400x64xf32, #tpu.memory_space<hbm>>) target_semaphore(%arg13 : memref<!tpu.dma_semaphore, #tpu.memory_space<semaphore_mem>>)
      %mul3A_98 = arith.constant 400 : i32
      %mul3A_99 = arith.muli %add3A_75, %mul3A_98 : i32
      %add3A_100 = arith.addi %mul3A_2, %mul3A_99 : i32
      %dma_wait3A_101 = arith.constant 0 : i32
      %dma_wait3A_102 = tpu.memref_slice %arg4[%add3A_100, %dma_wait3A_101] : memref<819200x64xf32, #tpu.memory_space<hbm>> -> memref<400x64xf32, #tpu.memory_space<hbm>>
      %dma_wait3A_103 = arith.constant 0 : i32
      %dma_wait3A_104 = tpu.memref_slice %arg4[%add3A_100, %dma_wait3A_103] : memref<819200x64xf32, #tpu.memory_space<hbm>> -> memref<400x64xf32, #tpu.memory_space<hbm>>
      tpu.wait_dma2 semaphore(%arg13 : memref<!tpu.dma_semaphore, #tpu.memory_space<semaphore_mem>>) src(%arg7 : memref<400x64xf32, #tpu.memory_space<vmem>>) dst(%dma_wait3A_104 : memref<400x64xf32, #tpu.memory_space<hbm>>)
      %mul3A_105 = arith.constant 400 : i32
      %mul3A_106 = arith.muli %add3A_79, %mul3A_105 : i32
      %add3A_107 = arith.addi %mul3A_2, %mul3A_106 : i32
      %dma_wait3A_108 = tpu.memref_slice %arg2[%add3A_107] : memref<819200xi32, #tpu.memory_space<hbm>> -> memref<400xi32, #tpu.memory_space<hbm>>
      %dma_wait3A_109 = tpu.memref_slice %arg2[%add3A_107] : memref<819200xi32, #tpu.memory_space<hbm>> -> memref<400xi32, #tpu.memory_space<hbm>>
      tpu.wait_dma2 semaphore(%arg9 : memref<!tpu.dma_semaphore, #tpu.memory_space<semaphore_mem>>) src(%dma_wait3A_109 : memref<400xi32, #tpu.memory_space<hbm>>) dst(%arg5 : memref<400xi32, #tpu.memory_space<vmem>>)
      %scan3A_110 = arith.constant 0 : i32
      %scan3A_111 = arith.constant 0 : i32
      %scan3A_112 = arith.constant 25 : i32
      %scan3A_113 = arith.addi %scan3A_111, %scan3A_112 : i32
      %scan3A_114 = arith.constant 1 : i32
      scf.for %scan3A_162 = %scan3A_111 to %scan3A_113 step %scan3A_114  : i32 {
        %mul3A_163 = arith.constant 16 : i32
        %mul3A_164 = arith.muli %scan3A_162, %mul3A_163 : i32
        %get3A = arith.index_cast %mul3A_164 : i32 to index
        %get3A_165 = tpu.vector_load %arg5[%get3A] {strides = array<i32>} : memref<400xi32, #tpu.memory_space<vmem>>, vector<16xi32>,
        %get3A_166 = vector.shape_cast %get3A_165 : vector<16xi32> to vector<16xi32>
        %slice3A = vector.extract_strided_slice %get3A_166 {offsets = [0], sizes = [1], strides = [1]} : vector<16xi32> to vector<1xi32>
        %squeeze3A = vector.extract %slice3A[0] : i32 from vector<1xi32>
        %mul3A_167 = arith.constant 16 : i32
        %mul3A_168 = arith.muli %scan3A_162, %mul3A_167 : i32
        %add3A_169 = arith.constant 0 : i32
        %add3A_170 = arith.addi %mul3A_168, %add3A_169 : i32
        %dma_start3A_171 = arith.constant 0 : i32
        %dma_start3A_172 = tpu.memref_slice %arg7[%add3A_170, %dma_start3A_171] : memref<400x64xf32, #tpu.memory_space<vmem>> -> memref<1x64xf32, #tpu.memory_space<vmem>>
        %dma_start3A_173 = tpu.memref_squeeze %dma_start3A_172 : memref<1x64xf32, #tpu.memory_space<vmem>> -> memref<64xf32, #tpu.memory_space<vmem>>
        %dma_start3A_174 = arith.constant 0 : i32
        %dma_start3A_175 = tpu.memref_slice %arg3[%squeeze3A, %dma_start3A_174] : memref<1000000x64xf32, #tpu.memory_space<hbm>> -> memref<1x64xf32, #tpu.memory_space<hbm>>
        %dma_start3A_176 = tpu.memref_squeeze %dma_start3A_175 : memref<1x64xf32, #tpu.memory_space<hbm>> -> memref<64xf32, #tpu.memory_space<hbm>>
        %dma_start3A_177 = arith.constant 0 : i32
        %dma_start3A_178 = tpu.memref_slice %arg7[%add3A_170, %dma_start3A_177] : memref<400x64xf32, #tpu.memory_space<vmem>> -> memref<1x64xf32, #tpu.memory_space<vmem>>
        %dma_start3A_179 = tpu.memref_squeeze %dma_start3A_178 : memref<1x64xf32, #tpu.memory_space<vmem>> -> memref<64xf32, #tpu.memory_space<vmem>>
        %dma_start3A_180 = arith.constant 0 : i32
        %dma_start3A_181 = tpu.memref_slice %arg3[%squeeze3A, %dma_start3A_180] : memref<1000000x64xf32, #tpu.memory_space<hbm>> -> memref<1x64xf32, #tpu.memory_space<hbm>>
        %dma_start3A_182 = tpu.memref_squeeze %dma_start3A_181 : memref<1x64xf32, #tpu.memory_space<hbm>> -> memref<64xf32, #tpu.memory_space<hbm>>
        tpu.enqueue_dma source(%dma_start3A_182 : memref<64xf32, #tpu.memory_space<hbm>>) target(%dma_start3A_179 : memref<64xf32, #tpu.memory_space<vmem>>) target_semaphore(%arg11 : memref<!tpu.dma_semaphore, #tpu.memory_space<semaphore_mem>>)
        %slice3A_183 = vector.extract_strided_slice %get3A_166 {offsets = [1], sizes = [1], strides = [1]} : vector<16xi32> to vector<1xi32>
        %squeeze3A_184 = vector.extract %slice3A_183[0] : i32 from vector<1xi32>
        %mul3A_185 = arith.constant 16 : i32
        %mul3A_186 = arith.muli %scan3A_162, %mul3A_185 : i32
        %add3A_187 = arith.constant 1 : i32
        %add3A_188 = arith.addi %mul3A_186, %add3A_187 : i32
        %dma_start3A_189 = arith.constant 0 : i32
        %dma_start3A_190 = tpu.memref_slice %arg7[%add3A_188, %dma_start3A_189] : memref<400x64xf32, #tpu.memory_space<vmem>> -> memref<1x64xf32, #tpu.memory_space<vmem>>
        %dma_start3A_191 = tpu.memref_squeeze %dma_start3A_190 : memref<1x64xf32, #tpu.memory_space<vmem>> -> memref<64xf32, #tpu.memory_space<vmem>>
        %dma_start3A_192 = arith.constant 0 : i32
        %dma_start3A_193 = tpu.memref_slice %arg3[%squeeze3A_184, %dma_start3A_192] : memref<1000000x64xf32, #tpu.memory_space<hbm>> -> memref<1x64xf32, #tpu.memory_space<hbm>>
        %dma_start3A_194 = tpu.memref_squeeze %dma_start3A_193 : memref<1x64xf32, #tpu.memory_space<hbm>> -> memref<64xf32, #tpu.memory_space<hbm>>
        %dma_start3A_195 = arith.constant 0 : i32
        %dma_start3A_196 = tpu.memref_slice %arg7[%add3A_188, %dma_start3A_195] : memref<400x64xf32, #tpu.memory_space<vmem>> -> memref<1x64xf32, #tpu.memory_space<vmem>>
        %dma_start3A_197 = tpu.memref_squeeze %dma_start3A_196 : memref<1x64xf32, #tpu.memory_space<vmem>> -> memref<64xf32, #tpu.memory_space<vmem>>
        %dma_start3A_198 = arith.constant 0 : i32
        %dma_start3A_199 = tpu.memref_slice %arg3[%squeeze3A_184, %dma_start3A_198] : memref<1000000x64xf32, #tpu.memory_space<hbm>> -> memref<1x64xf32, #tpu.memory_space<hbm>>
        %dma_start3A_200 = tpu.memref_squeeze %dma_start3A_199 : memref<1x64xf32, #tpu.memory_space<hbm>> -> memref<64xf32, #tpu.memory_space<hbm>>
        tpu.enqueue_dma source(%dma_start3A_200 : memref<64xf32, #tpu.memory_space<hbm>>) target(%dma_start3A_197 : memref<64xf32, #tpu.memory_space<vmem>>) target_semaphore(%arg11 : memref<!tpu.dma_semaphore, #tpu.memory_space<semaphore_mem>>)
        %slice3A_201 = vector.extract_strided_slice %get3A_166 {offsets = [2], sizes = [1], strides = [1]} : vector<16xi32> to vector<1xi32>
        %squeeze3A_202 = vector.extract %slice3A_201[0] : i32 from vector<1xi32>
        %mul3A_203 = arith.constant 16 : i32
        %mul3A_204 = arith.muli %scan3A_162, %mul3A_203 : i32
        %add3A_205 = arith.constant 2 : i32
        %add3A_206 = arith.addi %mul3A_204, %add3A_205 : i32
        %dma_start3A_207 = arith.constant 0 : i32
        %dma_start3A_208 = tpu.memref_slice %arg7[%add3A_206, %dma_start3A_207] : memref<400x64xf32, #tpu.memory_space<vmem>> -> memref<1x64xf32, #tpu.memory_space<vmem>>
        %dma_start3A_209 = tpu.memref_squeeze %dma_start3A_208 : memref<1x64xf32, #tpu.memory_space<vmem>> -> memref<64xf32, #tpu.memory_space<vmem>>
        %dma_start3A_210 = arith.constant 0 : i32
        %dma_start3A_211 = tpu.memref_slice %arg3[%squeeze3A_202, %dma_start3A_210] : memref<1000000x64xf32, #tpu.memory_space<hbm>> -> memref<1x64xf32, #tpu.memory_space<hbm>>
        %dma_start3A_212 = tpu.memref_squeeze %dma_start3A_211 : memref<1x64xf32, #tpu.memory_space<hbm>> -> memref<64xf32, #tpu.memory_space<hbm>>
        %dma_start3A_213 = arith.constant 0 : i32
        %dma_start3A_214 = tpu.memref_slice %arg7[%add3A_206, %dma_start3A_213] : memref<400x64xf32, #tpu.memory_space<vmem>> -> memref<1x64xf32, #tpu.memory_space<vmem>>
        %dma_start3A_215 = tpu.memref_squeeze %dma_start3A_214 : memref<1x64xf32, #tpu.memory_space<vmem>> -> memref<64xf32, #tpu.memory_space<vmem>>
        %dma_start3A_216 = arith.constant 0 : i32
        %dma_start3A_217 = tpu.memref_slice %arg3[%squeeze3A_202, %dma_start3A_216] : memref<1000000x64xf32, #tpu.memory_space<hbm>> -> memref<1x64xf32, #tpu.memory_space<hbm>>
        %dma_start3A_218 = tpu.memref_squeeze %dma_start3A_217 : memref<1x64xf32, #tpu.memory_space<hbm>> -> memref<64xf32, #tpu.memory_space<hbm>>
        tpu.enqueue_dma source(%dma_start3A_218 : memref<64xf32, #tpu.memory_space<hbm>>) target(%dma_start3A_215 : memref<64xf32, #tpu.memory_space<vmem>>) target_semaphore(%arg11 : memref<!tpu.dma_semaphore, #tpu.memory_space<semaphore_mem>>)
        %slice3A_219 = vector.extract_strided_slice %get3A_166 {offsets = [3], sizes = [1], strides = [1]} : vector<16xi32> to vector<1xi32>
        %squeeze3A_220 = vector.extract %slice3A_219[0] : i32 from vector<1xi32>
        %mul3A_221 = arith.constant 16 : i32
        %mul3A_222 = arith.muli %scan3A_162, %mul3A_221 : i32
        %add3A_223 = arith.constant 3 : i32
        %add3A_224 = arith.addi %mul3A_222, %add3A_223 : i32
        %dma_start3A_225 = arith.constant 0 : i32
        %dma_start3A_226 = tpu.memref_slice %arg7[%add3A_224, %dma_start3A_225] : memref<400x64xf32, #tpu.memory_space<vmem>> -> memref<1x64xf32, #tpu.memory_space<vmem>>
        %dma_start3A_227 = tpu.memref_squeeze %dma_start3A_226 : memref<1x64xf32, #tpu.memory_space<vmem>> -> memref<64xf32, #tpu.memory_space<vmem>>
        %dma_start3A_228 = arith.constant 0 : i32
        %dma_start3A_229 = tpu.memref_slice %arg3[%squeeze3A_220, %dma_start3A_228] : memref<1000000x64xf32, #tpu.memory_space<hbm>> -> memref<1x64xf32, #tpu.memory_space<hbm>>
        %dma_start3A_230 = tpu.memref_squeeze %dma_start3A_229 : memref<1x64xf32, #tpu.memory_space<hbm>> -> memref<64xf32, #tpu.memory_space<hbm>>
        %dma_start3A_231 = arith.constant 0 : i32
        %dma_start3A_232 = tpu.memref_slice %arg7[%add3A_224, %dma_start3A_231] : memref<400x64xf32, #tpu.memory_space<vmem>> -> memref<1x64xf32, #tpu.memory_space<vmem>>
        %dma_start3A_233 = tpu.memref_squeeze %dma_start3A_232 : memref<1x64xf32, #tpu.memory_space<vmem>> -> memref<64xf32, #tpu.memory_space<vmem>>
        %dma_start3A_234 = arith.constant 0 : i32
        %dma_start3A_235 = tpu.memref_slice %arg3[%squeeze3A_220, %dma_start3A_234] : memref<1000000x64xf32, #tpu.memory_space<hbm>> -> memref<1x64xf32, #tpu.memory_space<hbm>>
        %dma_start3A_236 = tpu.memref_squeeze %dma_start3A_235 : memref<1x64xf32, #tpu.memory_space<hbm>> -> memref<64xf32, #tpu.memory_space<hbm>>
        tpu.enqueue_dma source(%dma_start3A_236 : memref<64xf32, #tpu.memory_space<hbm>>) target(%dma_start3A_233 : memref<64xf32, #tpu.memory_space<vmem>>) target_semaphore(%arg11 : memref<!tpu.dma_semaphore, #tpu.memory_space<semaphore_mem>>)
        %slice3A_237 = vector.extract_strided_slice %get3A_166 {offsets = [4], sizes = [1], strides = [1]} : vector<16xi32> to vector<1xi32>
        %squeeze3A_238 = vector.extract %slice3A_237[0] : i32 from vector<1xi32>
        %mul3A_239 = arith.constant 16 : i32
        %mul3A_240 = arith.muli %scan3A_162, %mul3A_239 : i32
        %add3A_241 = arith.constant 4 : i32
        %add3A_242 = arith.addi %mul3A_240, %add3A_241 : i32
        %dma_start3A_243 = arith.constant 0 : i32
        %dma_start3A_244 = tpu.memref_slice %arg7[%add3A_242, %dma_start3A_243] : memref<400x64xf32, #tpu.memory_space<vmem>> -> memref<1x64xf32, #tpu.memory_space<vmem>>
        %dma_start3A_245 = tpu.memref_squeeze %dma_start3A_244 : memref<1x64xf32, #tpu.memory_space<vmem>> -> memref<64xf32, #tpu.memory_space<vmem>>
        %dma_start3A_246 = arith.constant 0 : i32
        %dma_start3A_247 = tpu.memref_slice %arg3[%squeeze3A_238, %dma_start3A_246] : memref<1000000x64xf32, #tpu.memory_space<hbm>> -> memref<1x64xf32, #tpu.memory_space<hbm>>
        %dma_start3A_248 = tpu.memref_squeeze %dma_start3A_247 : memref<1x64xf32, #tpu.memory_space<hbm>> -> memref<64xf32, #tpu.memory_space<hbm>>
        %dma_start3A_249 = arith.constant 0 : i32
        %dma_start3A_250 = tpu.memref_slice %arg7[%add3A_242, %dma_start3A_249] : memref<400x64xf32, #tpu.memory_space<vmem>> -> memref<1x64xf32, #tpu.memory_space<vmem>>
        %dma_start3A_251 = tpu.memref_squeeze %dma_start3A_250 : memref<1x64xf32, #tpu.memory_space<vmem>> -> memref<64xf32, #tpu.memory_space<vmem>>
        %dma_start3A_252 = arith.constant 0 : i32
        %dma_start3A_253 = tpu.memref_slice %arg3[%squeeze3A_238, %dma_start3A_252] : memref<1000000x64xf32, #tpu.memory_space<hbm>> -> memref<1x64xf32, #tpu.memory_space<hbm>>
        %dma_start3A_254 = tpu.memref_squeeze %dma_start3A_253 : memref<1x64xf32, #tpu.memory_space<hbm>> -> memref<64xf32, #tpu.memory_space<hbm>>
        tpu.enqueue_dma source(%dma_start3A_254 : memref<64xf32, #tpu.memory_space<hbm>>) target(%dma_start3A_251 : memref<64xf32, #tpu.memory_space<vmem>>) target_semaphore(%arg11 : memref<!tpu.dma_semaphore, #tpu.memory_space<semaphore_mem>>)
        %slice3A_255 = vector.extract_strided_slice %get3A_166 {offsets = [5], sizes = [1], strides = [1]} : vector<16xi32> to vector<1xi32>
        %squeeze3A_256 = vector.extract %slice3A_255[0] : i32 from vector<1xi32>
        %mul3A_257 = arith.constant 16 : i32
        %mul3A_258 = arith.muli %scan3A_162, %mul3A_257 : i32
        %add3A_259 = arith.constant 5 : i32
        %add3A_260 = arith.addi %mul3A_258, %add3A_259 : i32
        %dma_start3A_261 = arith.constant 0 : i32
        %dma_start3A_262 = tpu.memref_slice %arg7[%add3A_260, %dma_start3A_261] : memref<400x64xf32, #tpu.memory_space<vmem>> -> memref<1x64xf32, #tpu.memory_space<vmem>>
        %dma_start3A_263 = tpu.memref_squeeze %dma_start3A_262 : memref<1x64xf32, #tpu.memory_space<vmem>> -> memref<64xf32, #tpu.memory_space<vmem>>
        %dma_start3A_264 = arith.constant 0 : i32
        %dma_start3A_265 = tpu.memref_slice %arg3[%squeeze3A_256, %dma_start3A_264] : memref<1000000x64xf32, #tpu.memory_space<hbm>> -> memref<1x64xf32, #tpu.memory_space<hbm>>
        %dma_start3A_266 = tpu.memref_squeeze %dma_start3A_265 : memref<1x64xf32, #tpu.memory_space<hbm>> -> memref<64xf32, #tpu.memory_space<hbm>>
        %dma_start3A_267 = arith.constant 0 : i32
        %dma_start3A_268 = tpu.memref_slice %arg7[%add3A_260, %dma_start3A_267] : memref<400x64xf32, #tpu.memory_space<vmem>> -> memref<1x64xf32, #tpu.memory_space<vmem>>
        %dma_start3A_269 = tpu.memref_squeeze %dma_start3A_268 : memref<1x64xf32, #tpu.memory_space<vmem>> -> memref<64xf32, #tpu.memory_space<vmem>>
        %dma_start3A_270 = arith.constant 0 : i32
        %dma_start3A_271 = tpu.memref_slice %arg3[%squeeze3A_256, %dma_start3A_270] : memref<1000000x64xf32, #tpu.memory_space<hbm>> -> memref<1x64xf32, #tpu.memory_space<hbm>>
        %dma_start3A_272 = tpu.memref_squeeze %dma_start3A_271 : memref<1x64xf32, #tpu.memory_space<hbm>> -> memref<64xf32, #tpu.memory_space<hbm>>
        tpu.enqueue_dma source(%dma_start3A_272 : memref<64xf32, #tpu.memory_space<hbm>>) target(%dma_start3A_269 : memref<64xf32, #tpu.memory_space<vmem>>) target_semaphore(%arg11 : memref<!tpu.dma_semaphore, #tpu.memory_space<semaphore_mem>>)
        %slice3A_273 = vector.extract_strided_slice %get3A_166 {offsets = [6], sizes = [1], strides = [1]} : vector<16xi32> to vector<1xi32>
        %squeeze3A_274 = vector.extract %slice3A_273[0] : i32 from vector<1xi32>
        %mul3A_275 = arith.constant 16 : i32
        %mul3A_276 = arith.muli %scan3A_162, %mul3A_275 : i32
        %add3A_277 = arith.constant 6 : i32
        %add3A_278 = arith.addi %mul3A_276, %add3A_277 : i32
        %dma_start3A_279 = arith.constant 0 : i32
        %dma_start3A_280 = tpu.memref_slice %arg7[%add3A_278, %dma_start3A_279] : memref<400x64xf32, #tpu.memory_space<vmem>> -> memref<1x64xf32, #tpu.memory_space<vmem>>
        %dma_start3A_281 = tpu.memref_squeeze %dma_start3A_280 : memref<1x64xf32, #tpu.memory_space<vmem>> -> memref<64xf32, #tpu.memory_space<vmem>>
        %dma_start3A_282 = arith.constant 0 : i32
        %dma_start3A_283 = tpu.memref_slice %arg3[%squeeze3A_274, %dma_start3A_282] : memref<1000000x64xf32, #tpu.memory_space<hbm>> -> memref<1x64xf32, #tpu.memory_space<hbm>>
        %dma_start3A_284 = tpu.memref_squeeze %dma_start3A_283 : memref<1x64xf32, #tpu.memory_space<hbm>> -> memref<64xf32, #tpu.memory_space<hbm>>
        %dma_start3A_285 = arith.constant 0 : i32
        %dma_start3A_286 = tpu.memref_slice %arg7[%add3A_278, %dma_start3A_285] : memref<400x64xf32, #tpu.memory_space<vmem>> -> memref<1x64xf32, #tpu.memory_space<vmem>>
        %dma_start3A_287 = tpu.memref_squeeze %dma_start3A_286 : memref<1x64xf32, #tpu.memory_space<vmem>> -> memref<64xf32, #tpu.memory_space<vmem>>
        %dma_start3A_288 = arith.constant 0 : i32
        %dma_start3A_289 = tpu.memref_slice %arg3[%squeeze3A_274, %dma_start3A_288] : memref<1000000x64xf32, #tpu.memory_space<hbm>> -> memref<1x64xf32, #tpu.memory_space<hbm>>
        %dma_start3A_290 = tpu.memref_squeeze %dma_start3A_289 : memref<1x64xf32, #tpu.memory_space<hbm>> -> memref<64xf32, #tpu.memory_space<hbm>>
        tpu.enqueue_dma source(%dma_start3A_290 : memref<64xf32, #tpu.memory_space<hbm>>) target(%dma_start3A_287 : memref<64xf32, #tpu.memory_space<vmem>>) target_semaphore(%arg11 : memref<!tpu.dma_semaphore, #tpu.memory_space<semaphore_mem>>)
        %slice3A_291 = vector.extract_strided_slice %get3A_166 {offsets = [7], sizes = [1], strides = [1]} : vector<16xi32> to vector<1xi32>
        %squeeze3A_292 = vector.extract %slice3A_291[0] : i32 from vector<1xi32>
        %mul3A_293 = arith.constant 16 : i32
        %mul3A_294 = arith.muli %scan3A_162, %mul3A_293 : i32
        %add3A_295 = arith.constant 7 : i32
        %add3A_296 = arith.addi %mul3A_294, %add3A_295 : i32
        %dma_start3A_297 = arith.constant 0 : i32
        %dma_start3A_298 = tpu.memref_slice %arg7[%add3A_296, %dma_start3A_297] : memref<400x64xf32, #tpu.memory_space<vmem>> -> memref<1x64xf32, #tpu.memory_space<vmem>>
        %dma_start3A_299 = tpu.memref_squeeze %dma_start3A_298 : memref<1x64xf32, #tpu.memory_space<vmem>> -> memref<64xf32, #tpu.memory_space<vmem>>
        %dma_start3A_300 = arith.constant 0 : i32
        %dma_start3A_301 = tpu.memref_slice %arg3[%squeeze3A_292, %dma_start3A_300] : memref<1000000x64xf32, #tpu.memory_space<hbm>> -> memref<1x64xf32, #tpu.memory_space<hbm>>
        %dma_start3A_302 = tpu.memref_squeeze %dma_start3A_301 : memref<1x64xf32, #tpu.memory_space<hbm>> -> memref<64xf32, #tpu.memory_space<hbm>>
        %dma_start3A_303 = arith.constant 0 : i32
        %dma_start3A_304 = tpu.memref_slice %arg7[%add3A_296, %dma_start3A_303] : memref<400x64xf32, #tpu.memory_space<vmem>> -> memref<1x64xf32, #tpu.memory_space<vmem>>
        %dma_start3A_305 = tpu.memref_squeeze %dma_start3A_304 : memref<1x64xf32, #tpu.memory_space<vmem>> -> memref<64xf32, #tpu.memory_space<vmem>>
        %dma_start3A_306 = arith.constant 0 : i32
        %dma_start3A_307 = tpu.memref_slice %arg3[%squeeze3A_292, %dma_start3A_306] : memref<1000000x64xf32, #tpu.memory_space<hbm>> -> memref<1x64xf32, #tpu.memory_space<hbm>>
        %dma_start3A_308 = tpu.memref_squeeze %dma_start3A_307 : memref<1x64xf32, #tpu.memory_space<hbm>> -> memref<64xf32, #tpu.memory_space<hbm>>
        tpu.enqueue_dma source(%dma_start3A_308 : memref<64xf32, #tpu.memory_space<hbm>>) target(%dma_start3A_305 : memref<64xf32, #tpu.memory_space<vmem>>) target_semaphore(%arg11 : memref<!tpu.dma_semaphore, #tpu.memory_space<semaphore_mem>>)
        %slice3A_309 = vector.extract_strided_slice %get3A_166 {offsets = [8], sizes = [1], strides = [1]} : vector<16xi32> to vector<1xi32>
        %squeeze3A_310 = vector.extract %slice3A_309[0] : i32 from vector<1xi32>
        %mul3A_311 = arith.constant 16 : i32
        %mul3A_312 = arith.muli %scan3A_162, %mul3A_311 : i32
        %add3A_313 = arith.constant 8 : i32
        %add3A_314 = arith.addi %mul3A_312, %add3A_313 : i32
        %dma_start3A_315 = arith.constant 0 : i32
        %dma_start3A_316 = tpu.memref_slice %arg7[%add3A_314, %dma_start3A_315] : memref<400x64xf32, #tpu.memory_space<vmem>> -> memref<1x64xf32, #tpu.memory_space<vmem>>
        %dma_start3A_317 = tpu.memref_squeeze %dma_start3A_316 : memref<1x64xf32, #tpu.memory_space<vmem>> -> memref<64xf32, #tpu.memory_space<vmem>>
        %dma_start3A_318 = arith.constant 0 : i32
        %dma_start3A_319 = tpu.memref_slice %arg3[%squeeze3A_310, %dma_start3A_318] : memref<1000000x64xf32, #tpu.memory_space<hbm>> -> memref<1x64xf32, #tpu.memory_space<hbm>>
        %dma_start3A_320 = tpu.memref_squeeze %dma_start3A_319 : memref<1x64xf32, #tpu.memory_space<hbm>> -> memref<64xf32, #tpu.memory_space<hbm>>
        %dma_start3A_321 = arith.constant 0 : i32
        %dma_start3A_322 = tpu.memref_slice %arg7[%add3A_314, %dma_start3A_321] : memref<400x64xf32, #tpu.memory_space<vmem>> -> memref<1x64xf32, #tpu.memory_space<vmem>>
        %dma_start3A_323 = tpu.memref_squeeze %dma_start3A_322 : memref<1x64xf32, #tpu.memory_space<vmem>> -> memref<64xf32, #tpu.memory_space<vmem>>
        %dma_start3A_324 = arith.constant 0 : i32
        %dma_start3A_325 = tpu.memref_slice %arg3[%squeeze3A_310, %dma_start3A_324] : memref<1000000x64xf32, #tpu.memory_space<hbm>> -> memref<1x64xf32, #tpu.memory_space<hbm>>
        %dma_start3A_326 = tpu.memref_squeeze %dma_start3A_325 : memref<1x64xf32, #tpu.memory_space<hbm>> -> memref<64xf32, #tpu.memory_space<hbm>>
        tpu.enqueue_dma source(%dma_start3A_326 : memref<64xf32, #tpu.memory_space<hbm>>) target(%dma_start3A_323 : memref<64xf32, #tpu.memory_space<vmem>>) target_semaphore(%arg11 : memref<!tpu.dma_semaphore, #tpu.memory_space<semaphore_mem>>)
        %slice3A_327 = vector.extract_strided_slice %get3A_166 {offsets = [9], sizes = [1], strides = [1]} : vector<16xi32> to vector<1xi32>
        %squeeze3A_328 = vector.extract %slice3A_327[0] : i32 from vector<1xi32>
        %mul3A_329 = arith.constant 16 : i32
        %mul3A_330 = arith.muli %scan3A_162, %mul3A_329 : i32
        %add3A_331 = arith.constant 9 : i32
        %add3A_332 = arith.addi %mul3A_330, %add3A_331 : i32
        %dma_start3A_333 = arith.constant 0 : i32
        %dma_start3A_334 = tpu.memref_slice %arg7[%add3A_332, %dma_start3A_333] : memref<400x64xf32, #tpu.memory_space<vmem>> -> memref<1x64xf32, #tpu.memory_space<vmem>>
        %dma_start3A_335 = tpu.memref_squeeze %dma_start3A_334 : memref<1x64xf32, #tpu.memory_space<vmem>> -> memref<64xf32, #tpu.memory_space<vmem>>
        %dma_start3A_336 = arith.constant 0 : i32
        %dma_start3A_337 = tpu.memref_slice %arg3[%squeeze3A_328, %dma_start3A_336] : memref<1000000x64xf32, #tpu.memory_space<hbm>> -> memref<1x64xf32, #tpu.memory_space<hbm>>
        %dma_start3A_338 = tpu.memref_squeeze %dma_start3A_337 : memref<1x64xf32, #tpu.memory_space<hbm>> -> memref<64xf32, #tpu.memory_space<hbm>>
        %dma_start3A_339 = arith.constant 0 : i32
        %dma_start3A_340 = tpu.memref_slice %arg7[%add3A_332, %dma_start3A_339] : memref<400x64xf32, #tpu.memory_space<vmem>> -> memref<1x64xf32, #tpu.memory_space<vmem>>
        %dma_start3A_341 = tpu.memref_squeeze %dma_start3A_340 : memref<1x64xf32, #tpu.memory_space<vmem>> -> memref<64xf32, #tpu.memory_space<vmem>>
        %dma_start3A_342 = arith.constant 0 : i32
        %dma_start3A_343 = tpu.memref_slice %arg3[%squeeze3A_328, %dma_start3A_342] : memref<1000000x64xf32, #tpu.memory_space<hbm>> -> memref<1x64xf32, #tpu.memory_space<hbm>>
        %dma_start3A_344 = tpu.memref_squeeze %dma_start3A_343 : memref<1x64xf32, #tpu.memory_space<hbm>> -> memref<64xf32, #tpu.memory_space<hbm>>
        tpu.enqueue_dma source(%dma_start3A_344 : memref<64xf32, #tpu.memory_space<hbm>>) target(%dma_start3A_341 : memref<64xf32, #tpu.memory_space<vmem>>) target_semaphore(%arg11 : memref<!tpu.dma_semaphore, #tpu.memory_space<semaphore_mem>>)
        %slice3A_345 = vector.extract_strided_slice %get3A_166 {offsets = [10], sizes = [1], strides = [1]} : vector<16xi32> to vector<1xi32>
        %squeeze3A_346 = vector.extract %slice3A_345[0] : i32 from vector<1xi32>
        %mul3A_347 = arith.constant 16 : i32
        %mul3A_348 = arith.muli %scan3A_162, %mul3A_347 : i32
        %add3A_349 = arith.constant 10 : i32
        %add3A_350 = arith.addi %mul3A_348, %add3A_349 : i32
        %dma_start3A_351 = arith.constant 0 : i32
        %dma_start3A_352 = tpu.memref_slice %arg7[%add3A_350, %dma_start3A_351] : memref<400x64xf32, #tpu.memory_space<vmem>> -> memref<1x64xf32, #tpu.memory_space<vmem>>
        %dma_start3A_353 = tpu.memref_squeeze %dma_start3A_352 : memref<1x64xf32, #tpu.memory_space<vmem>> -> memref<64xf32, #tpu.memory_space<vmem>>
        %dma_start3A_354 = arith.constant 0 : i32
        %dma_start3A_355 = tpu.memref_slice %arg3[%squeeze3A_346, %dma_start3A_354] : memref<1000000x64xf32, #tpu.memory_space<hbm>> -> memref<1x64xf32, #tpu.memory_space<hbm>>
        %dma_start3A_356 = tpu.memref_squeeze %dma_start3A_355 : memref<1x64xf32, #tpu.memory_space<hbm>> -> memref<64xf32, #tpu.memory_space<hbm>>
        %dma_start3A_357 = arith.constant 0 : i32
        %dma_start3A_358 = tpu.memref_slice %arg7[%add3A_350, %dma_start3A_357] : memref<400x64xf32, #tpu.memory_space<vmem>> -> memref<1x64xf32, #tpu.memory_space<vmem>>
        %dma_start3A_359 = tpu.memref_squeeze %dma_start3A_358 : memref<1x64xf32, #tpu.memory_space<vmem>> -> memref<64xf32, #tpu.memory_space<vmem>>
        %dma_start3A_360 = arith.constant 0 : i32
        %dma_start3A_361 = tpu.memref_slice %arg3[%squeeze3A_346, %dma_start3A_360] : memref<1000000x64xf32, #tpu.memory_space<hbm>> -> memref<1x64xf32, #tpu.memory_space<hbm>>
        %dma_start3A_362 = tpu.memref_squeeze %dma_start3A_361 : memref<1x64xf32, #tpu.memory_space<hbm>> -> memref<64xf32, #tpu.memory_space<hbm>>
        tpu.enqueue_dma source(%dma_start3A_362 : memref<64xf32, #tpu.memory_space<hbm>>) target(%dma_start3A_359 : memref<64xf32, #tpu.memory_space<vmem>>) target_semaphore(%arg11 : memref<!tpu.dma_semaphore, #tpu.memory_space<semaphore_mem>>)
        %slice3A_363 = vector.extract_strided_slice %get3A_166 {offsets = [11], sizes = [1], strides = [1]} : vector<16xi32> to vector<1xi32>
        %squeeze3A_364 = vector.extract %slice3A_363[0] : i32 from vector<1xi32>
        %mul3A_365 = arith.constant 16 : i32
        %mul3A_366 = arith.muli %scan3A_162, %mul3A_365 : i32
        %add3A_367 = arith.constant 11 : i32
        %add3A_368 = arith.addi %mul3A_366, %add3A_367 : i32
        %dma_start3A_369 = arith.constant 0 : i32
        %dma_start3A_370 = tpu.memref_slice %arg7[%add3A_368, %dma_start3A_369] : memref<400x64xf32, #tpu.memory_space<vmem>> -> memref<1x64xf32, #tpu.memory_space<vmem>>
        %dma_start3A_371 = tpu.memref_squeeze %dma_start3A_370 : memref<1x64xf32, #tpu.memory_space<vmem>> -> memref<64xf32, #tpu.memory_space<vmem>>
        %dma_start3A_372 = arith.constant 0 : i32
        %dma_start3A_373 = tpu.memref_slice %arg3[%squeeze3A_364, %dma_start3A_372] : memref<1000000x64xf32, #tpu.memory_space<hbm>> -> memref<1x64xf32, #tpu.memory_space<hbm>>
        %dma_start3A_374 = tpu.memref_squeeze %dma_start3A_373 : memref<1x64xf32, #tpu.memory_space<hbm>> -> memref<64xf32, #tpu.memory_space<hbm>>
        %dma_start3A_375 = arith.constant 0 : i32
        %dma_start3A_376 = tpu.memref_slice %arg7[%add3A_368, %dma_start3A_375] : memref<400x64xf32, #tpu.memory_space<vmem>> -> memref<1x64xf32, #tpu.memory_space<vmem>>
        %dma_start3A_377 = tpu.memref_squeeze %dma_start3A_376 : memref<1x64xf32, #tpu.memory_space<vmem>> -> memref<64xf32, #tpu.memory_space<vmem>>
        %dma_start3A_378 = arith.constant 0 : i32
        %dma_start3A_379 = tpu.memref_slice %arg3[%squeeze3A_364, %dma_start3A_378] : memref<1000000x64xf32, #tpu.memory_space<hbm>> -> memref<1x64xf32, #tpu.memory_space<hbm>>
        %dma_start3A_380 = tpu.memref_squeeze %dma_start3A_379 : memref<1x64xf32, #tpu.memory_space<hbm>> -> memref<64xf32, #tpu.memory_space<hbm>>
        tpu.enqueue_dma source(%dma_start3A_380 : memref<64xf32, #tpu.memory_space<hbm>>) target(%dma_start3A_377 : memref<64xf32, #tpu.memory_space<vmem>>) target_semaphore(%arg11 : memref<!tpu.dma_semaphore, #tpu.memory_space<semaphore_mem>>)
        %slice3A_381 = vector.extract_strided_slice %get3A_166 {offsets = [12], sizes = [1], strides = [1]} : vector<16xi32> to vector<1xi32>
        %squeeze3A_382 = vector.extract %slice3A_381[0] : i32 from vector<1xi32>
        %mul3A_383 = arith.constant 16 : i32
        %mul3A_384 = arith.muli %scan3A_162, %mul3A_383 : i32
        %add3A_385 = arith.constant 12 : i32
        %add3A_386 = arith.addi %mul3A_384, %add3A_385 : i32
        %dma_start3A_387 = arith.constant 0 : i32
        %dma_start3A_388 = tpu.memref_slice %arg7[%add3A_386, %dma_start3A_387] : memref<400x64xf32, #tpu.memory_space<vmem>> -> memref<1x64xf32, #tpu.memory_space<vmem>>
        %dma_start3A_389 = tpu.memref_squeeze %dma_start3A_388 : memref<1x64xf32, #tpu.memory_space<vmem>> -> memref<64xf32, #tpu.memory_space<vmem>>
        %dma_start3A_390 = arith.constant 0 : i32
        %dma_start3A_391 = tpu.memref_slice %arg3[%squeeze3A_382, %dma_start3A_390] : memref<1000000x64xf32, #tpu.memory_space<hbm>> -> memref<1x64xf32, #tpu.memory_space<hbm>>
        %dma_start3A_392 = tpu.memref_squeeze %dma_start3A_391 : memref<1x64xf32, #tpu.memory_space<hbm>> -> memref<64xf32, #tpu.memory_space<hbm>>
        %dma_start3A_393 = arith.constant 0 : i32
        %dma_start3A_394 = tpu.memref_slice %arg7[%add3A_386, %dma_start3A_393] : memref<400x64xf32, #tpu.memory_space<vmem>> -> memref<1x64xf32, #tpu.memory_space<vmem>>
        %dma_start3A_395 = tpu.memref_squeeze %dma_start3A_394 : memref<1x64xf32, #tpu.memory_space<vmem>> -> memref<64xf32, #tpu.memory_space<vmem>>
        %dma_start3A_396 = arith.constant 0 : i32
        %dma_start3A_397 = tpu.memref_slice %arg3[%squeeze3A_382, %dma_start3A_396] : memref<1000000x64xf32, #tpu.memory_space<hbm>> -> memref<1x64xf32, #tpu.memory_space<hbm>>
        %dma_start3A_398 = tpu.memref_squeeze %dma_start3A_397 : memref<1x64xf32, #tpu.memory_space<hbm>> -> memref<64xf32, #tpu.memory_space<hbm>>
        tpu.enqueue_dma source(%dma_start3A_398 : memref<64xf32, #tpu.memory_space<hbm>>) target(%dma_start3A_395 : memref<64xf32, #tpu.memory_space<vmem>>) target_semaphore(%arg11 : memref<!tpu.dma_semaphore, #tpu.memory_space<semaphore_mem>>)
        %slice3A_399 = vector.extract_strided_slice %get3A_166 {offsets = [13], sizes = [1], strides = [1]} : vector<16xi32> to vector<1xi32>
        %squeeze3A_400 = vector.extract %slice3A_399[0] : i32 from vector<1xi32>
        %mul3A_401 = arith.constant 16 : i32
        %mul3A_402 = arith.muli %scan3A_162, %mul3A_401 : i32
        %add3A_403 = arith.constant 13 : i32
        %add3A_404 = arith.addi %mul3A_402, %add3A_403 : i32
        %dma_start3A_405 = arith.constant 0 : i32
        %dma_start3A_406 = tpu.memref_slice %arg7[%add3A_404, %dma_start3A_405] : memref<400x64xf32, #tpu.memory_space<vmem>> -> memref<1x64xf32, #tpu.memory_space<vmem>>
        %dma_start3A_407 = tpu.memref_squeeze %dma_start3A_406 : memref<1x64xf32, #tpu.memory_space<vmem>> -> memref<64xf32, #tpu.memory_space<vmem>>
        %dma_start3A_408 = arith.constant 0 : i32
        %dma_start3A_409 = tpu.memref_slice %arg3[%squeeze3A_400, %dma_start3A_408] : memref<1000000x64xf32, #tpu.memory_space<hbm>> -> memref<1x64xf32, #tpu.memory_space<hbm>>
        %dma_start3A_410 = tpu.memref_squeeze %dma_start3A_409 : memref<1x64xf32, #tpu.memory_space<hbm>> -> memref<64xf32, #tpu.memory_space<hbm>>
        %dma_start3A_411 = arith.constant 0 : i32
        %dma_start3A_412 = tpu.memref_slice %arg7[%add3A_404, %dma_start3A_411] : memref<400x64xf32, #tpu.memory_space<vmem>> -> memref<1x64xf32, #tpu.memory_space<vmem>>
        %dma_start3A_413 = tpu.memref_squeeze %dma_start3A_412 : memref<1x64xf32, #tpu.memory_space<vmem>> -> memref<64xf32, #tpu.memory_space<vmem>>
        %dma_start3A_414 = arith.constant 0 : i32
        %dma_start3A_415 = tpu.memref_slice %arg3[%squeeze3A_400, %dma_start3A_414] : memref<1000000x64xf32, #tpu.memory_space<hbm>> -> memref<1x64xf32, #tpu.memory_space<hbm>>
        %dma_start3A_416 = tpu.memref_squeeze %dma_start3A_415 : memref<1x64xf32, #tpu.memory_space<hbm>> -> memref<64xf32, #tpu.memory_space<hbm>>
        tpu.enqueue_dma source(%dma_start3A_416 : memref<64xf32, #tpu.memory_space<hbm>>) target(%dma_start3A_413 : memref<64xf32, #tpu.memory_space<vmem>>) target_semaphore(%arg11 : memref<!tpu.dma_semaphore, #tpu.memory_space<semaphore_mem>>)
        %slice3A_417 = vector.extract_strided_slice %get3A_166 {offsets = [14], sizes = [1], strides = [1]} : vector<16xi32> to vector<1xi32>
        %squeeze3A_418 = vector.extract %slice3A_417[0] : i32 from vector<1xi32>
        %mul3A_419 = arith.constant 16 : i32
        %mul3A_420 = arith.muli %scan3A_162, %mul3A_419 : i32
        %add3A_421 = arith.constant 14 : i32
        %add3A_422 = arith.addi %mul3A_420, %add3A_421 : i32
        %dma_start3A_423 = arith.constant 0 : i32
        %dma_start3A_424 = tpu.memref_slice %arg7[%add3A_422, %dma_start3A_423] : memref<400x64xf32, #tpu.memory_space<vmem>> -> memref<1x64xf32, #tpu.memory_space<vmem>>
        %dma_start3A_425 = tpu.memref_squeeze %dma_start3A_424 : memref<1x64xf32, #tpu.memory_space<vmem>> -> memref<64xf32, #tpu.memory_space<vmem>>
        %dma_start3A_426 = arith.constant 0 : i32
        %dma_start3A_427 = tpu.memref_slice %arg3[%squeeze3A_418, %dma_start3A_426] : memref<1000000x64xf32, #tpu.memory_space<hbm>> -> memref<1x64xf32, #tpu.memory_space<hbm>>
        %dma_start3A_428 = tpu.memref_squeeze %dma_start3A_427 : memref<1x64xf32, #tpu.memory_space<hbm>> -> memref<64xf32, #tpu.memory_space<hbm>>
        %dma_start3A_429 = arith.constant 0 : i32
        %dma_start3A_430 = tpu.memref_slice %arg7[%add3A_422, %dma_start3A_429] : memref<400x64xf32, #tpu.memory_space<vmem>> -> memref<1x64xf32, #tpu.memory_space<vmem>>
        %dma_start3A_431 = tpu.memref_squeeze %dma_start3A_430 : memref<1x64xf32, #tpu.memory_space<vmem>> -> memref<64xf32, #tpu.memory_space<vmem>>
        %dma_start3A_432 = arith.constant 0 : i32
        %dma_start3A_433 = tpu.memref_slice %arg3[%squeeze3A_418, %dma_start3A_432] : memref<1000000x64xf32, #tpu.memory_space<hbm>> -> memref<1x64xf32, #tpu.memory_space<hbm>>
        %dma_start3A_434 = tpu.memref_squeeze %dma_start3A_433 : memref<1x64xf32, #tpu.memory_space<hbm>> -> memref<64xf32, #tpu.memory_space<hbm>>
        tpu.enqueue_dma source(%dma_start3A_434 : memref<64xf32, #tpu.memory_space<hbm>>) target(%dma_start3A_431 : memref<64xf32, #tpu.memory_space<vmem>>) target_semaphore(%arg11 : memref<!tpu.dma_semaphore, #tpu.memory_space<semaphore_mem>>)
        %slice3A_435 = vector.extract_strided_slice %get3A_166 {offsets = [15], sizes = [1], strides = [1]} : vector<16xi32> to vector<1xi32>
        %squeeze3A_436 = vector.extract %slice3A_435[0] : i32 from vector<1xi32>
        %mul3A_437 = arith.constant 16 : i32
        %mul3A_438 = arith.muli %scan3A_162, %mul3A_437 : i32
        %add3A_439 = arith.constant 15 : i32
        %add3A_440 = arith.addi %mul3A_438, %add3A_439 : i32
        %dma_start3A_441 = arith.constant 0 : i32
        %dma_start3A_442 = tpu.memref_slice %arg7[%add3A_440, %dma_start3A_441] : memref<400x64xf32, #tpu.memory_space<vmem>> -> memref<1x64xf32, #tpu.memory_space<vmem>>
        %dma_start3A_443 = tpu.memref_squeeze %dma_start3A_442 : memref<1x64xf32, #tpu.memory_space<vmem>> -> memref<64xf32, #tpu.memory_space<vmem>>
        %dma_start3A_444 = arith.constant 0 : i32
        %dma_start3A_445 = tpu.memref_slice %arg3[%squeeze3A_436, %dma_start3A_444] : memref<1000000x64xf32, #tpu.memory_space<hbm>> -> memref<1x64xf32, #tpu.memory_space<hbm>>
        %dma_start3A_446 = tpu.memref_squeeze %dma_start3A_445 : memref<1x64xf32, #tpu.memory_space<hbm>> -> memref<64xf32, #tpu.memory_space<hbm>>
        %dma_start3A_447 = arith.constant 0 : i32
        %dma_start3A_448 = tpu.memref_slice %arg7[%add3A_440, %dma_start3A_447] : memref<400x64xf32, #tpu.memory_space<vmem>> -> memref<1x64xf32, #tpu.memory_space<vmem>>
        %dma_start3A_449 = tpu.memref_squeeze %dma_start3A_448 : memref<1x64xf32, #tpu.memory_space<vmem>> -> memref<64xf32, #tpu.memory_space<vmem>>
        %dma_start3A_450 = arith.constant 0 : i32
        %dma_start3A_451 = tpu.memref_slice %arg3[%squeeze3A_436, %dma_start3A_450] : memref<1000000x64xf32, #tpu.memory_space<hbm>> -> memref<1x64xf32, #tpu.memory_space<hbm>>
        %dma_start3A_452 = tpu.memref_squeeze %dma_start3A_451 : memref<1x64xf32, #tpu.memory_space<hbm>> -> memref<64xf32, #tpu.memory_space<hbm>>
        tpu.enqueue_dma source(%dma_start3A_452 : memref<64xf32, #tpu.memory_space<hbm>>) target(%dma_start3A_449 : memref<64xf32, #tpu.memory_space<vmem>>) target_semaphore(%arg11 : memref<!tpu.dma_semaphore, #tpu.memory_space<semaphore_mem>>)
      }
      %scan3A_115 = arith.constant 25 : i32
      %sub3A_116 = arith.constant 1 : i32
      %sub3A_117 = arith.subi %scan3A_70, %sub3A_116 : i32
      %mul3A_118 = arith.constant 2 : i32
      %mul3A_119 = arith.muli %sub3A_117, %mul3A_118 : i32
      %add3A_120 = arith.constant 1 : i32
      %add3A_121 = arith.addi %mul3A_119, %add3A_120 : i32
      %mul3A_122 = arith.constant 2 : i32
      %mul3A_123 = arith.muli %scan3A_70, %mul3A_122 : i32
      %add3A_124 = arith.constant 1 : i32
      %add3A_125 = arith.addi %mul3A_123, %add3A_124 : i32
      %dma_wait3A_126 = arith.constant 0 : i32
      %dma_wait3A_127 = arith.constant 0 : i32
      %dma_wait3A_128 = tpu.memref_slice %arg3[%dma_wait3A_126, %dma_wait3A_127] : memref<1000000x64xf32, #tpu.memory_space<hbm>> -> memref<400x64xf32, #tpu.memory_space<hbm>>
      %dma_wait3A_129 = arith.constant 0 : i32
      %dma_wait3A_130 = arith.constant 0 : i32
      %dma_wait3A_131 = tpu.memref_slice %arg3[%dma_wait3A_129, %dma_wait3A_130] : memref<1000000x64xf32, #tpu.memory_space<hbm>> -> memref<400x64xf32, #tpu.memory_space<hbm>>
      tpu.wait_dma2 semaphore(%arg12 : memref<!tpu.dma_semaphore, #tpu.memory_space<semaphore_mem>>) src(%dma_wait3A_131 : memref<400x64xf32, #tpu.memory_space<hbm>>) dst(%arg8 : memref<400x64xf32, #tpu.memory_space<vmem>>)
      %mul3A_132 = arith.constant 400 : i32
      %mul3A_133 = arith.muli %add3A_125, %mul3A_132 : i32
      %add3A_134 = arith.addi %mul3A_2, %mul3A_133 : i32
      %dma_start3A_135 = tpu.memref_slice %arg2[%add3A_134] : memref<819200xi32, #tpu.memory_space<hbm>> -> memref<400xi32, #tpu.memory_space<hbm>>
      %dma_start3A_136 = tpu.memref_slice %arg2[%add3A_134] : memref<819200xi32, #tpu.memory_space<hbm>> -> memref<400xi32, #tpu.memory_space<hbm>>
      tpu.enqueue_dma source(%dma_start3A_136 : memref<400xi32, #tpu.memory_space<hbm>>) target(%arg6 : memref<400xi32, #tpu.memory_space<vmem>>) target_semaphore(%arg10 : memref<!tpu.dma_semaphore, #tpu.memory_space<semaphore_mem>>)
      %mul3A_137 = arith.constant 400 : i32
      %mul3A_138 = arith.muli %add3A_121, %mul3A_137 : i32
      %add3A_139 = arith.addi %mul3A_2, %mul3A_138 : i32
      %dma_start3A_140 = arith.constant 0 : i32
      %dma_start3A_141 = tpu.memref_slice %arg4[%add3A_139, %dma_start3A_140] : memref<819200x64xf32, #tpu.memory_space<hbm>> -> memref<400x64xf32, #tpu.memory_space<hbm>>
      %dma_start3A_142 = arith.constant 0 : i32
      %dma_start3A_143 = tpu.memref_slice %arg4[%add3A_139, %dma_start3A_142] : memref<819200x64xf32, #tpu.memory_space<hbm>> -> memref<400x64xf32, #tpu.memory_space<hbm>>
      tpu.enqueue_dma source(%arg8 : memref<400x64xf32, #tpu.memory_space<vmem>>) target(%dma_start3A_143 : memref<400x64xf32, #tpu.memory_space<hbm>>) target_semaphore(%arg14 : memref<!tpu.dma_semaphore, #tpu.memory_space<semaphore_mem>>)
      %mul3A_144 = arith.constant 400 : i32
      %mul3A_145 = arith.muli %add3A_121, %mul3A_144 : i32
      %add3A_146 = arith.addi %mul3A_2, %mul3A_145 : i32
      %dma_wait3A_147 = arith.constant 0 : i32
      %dma_wait3A_148 = tpu.memref_slice %arg4[%add3A_146, %dma_wait3A_147] : memref<819200x64xf32, #tpu.memory_space<hbm>> -> memref<400x64xf32, #tpu.memory_space<hbm>>
      %dma_wait3A_149 = arith.constant 0 : i32
      %dma_wait3A_150 = tpu.memref_slice %arg4[%add3A_146, %dma_wait3A_149] : memref<819200x64xf32, #tpu.memory_space<hbm>> -> memref<400x64xf32, #tpu.memory_space<hbm>>
      tpu.wait_dma2 semaphore(%arg14 : memref<!tpu.dma_semaphore, #tpu.memory_space<semaphore_mem>>) src(%arg8 : memref<400x64xf32, #tpu.memory_space<vmem>>) dst(%dma_wait3A_150 : memref<400x64xf32, #tpu.memory_space<hbm>>)
      %mul3A_151 = arith.constant 400 : i32
      %mul3A_152 = arith.muli %add3A_125, %mul3A_151 : i32
      %add3A_153 = arith.addi %mul3A_2, %mul3A_152 : i32
      %dma_wait3A_154 = tpu.memref_slice %arg2[%add3A_153] : memref<819200xi32, #tpu.memory_space<hbm>> -> memref<400xi32, #tpu.memory_space<hbm>>
      %dma_wait3A_155 = tpu.memref_slice %arg2[%add3A_153] : memref<819200xi32, #tpu.memory_space<hbm>> -> memref<400xi32, #tpu.memory_space<hbm>>
      tpu.wait_dma2 semaphore(%arg10 : memref<!tpu.dma_semaphore, #tpu.memory_space<semaphore_mem>>) src(%dma_wait3A_155 : memref<400xi32, #tpu.memory_space<hbm>>) dst(%arg6 : memref<400xi32, #tpu.memory_space<vmem>>)
      %scan3A_156 = arith.constant 0 : i32
      %scan3A_157 = arith.constant 0 : i32
      %scan3A_158 = arith.constant 25 : i32
      %scan3A_159 = arith.addi %scan3A_157, %scan3A_158 : i32
      %scan3A_160 = arith.constant 1 : i32
      scf.for %scan3A_162 = %scan3A_157 to %scan3A_159 step %scan3A_160  : i32 {
        %mul3A_163 = arith.constant 16 : i32
        %mul3A_164 = arith.muli %scan3A_162, %mul3A_163 : i32
        %get3A = arith.index_cast %mul3A_164 : i32 to index
        %get3A_165 = tpu.vector_load %arg6[%get3A] {strides = array<i32>} : memref<400xi32, #tpu.memory_space<vmem>>, vector<16xi32>,
        %get3A_166 = vector.shape_cast %get3A_165 : vector<16xi32> to vector<16xi32>
        %slice3A = vector.extract_strided_slice %get3A_166 {offsets = [0], sizes = [1], strides = [1]} : vector<16xi32> to vector<1xi32>
        %squeeze3A = vector.extract %slice3A[0] : i32 from vector<1xi32>
        %mul3A_167 = arith.constant 16 : i32
        %mul3A_168 = arith.muli %scan3A_162, %mul3A_167 : i32
        %add3A_169 = arith.constant 0 : i32
        %add3A_170 = arith.addi %mul3A_168, %add3A_169 : i32
        %dma_start3A_171 = arith.constant 0 : i32
        %dma_start3A_172 = tpu.memref_slice %arg8[%add3A_170, %dma_start3A_171] : memref<400x64xf32, #tpu.memory_space<vmem>> -> memref<1x64xf32, #tpu.memory_space<vmem>>
        %dma_start3A_173 = tpu.memref_squeeze %dma_start3A_172 : memref<1x64xf32, #tpu.memory_space<vmem>> -> memref<64xf32, #tpu.memory_space<vmem>>
        %dma_start3A_174 = arith.constant 0 : i32
        %dma_start3A_175 = tpu.memref_slice %arg3[%squeeze3A, %dma_start3A_174] : memref<1000000x64xf32, #tpu.memory_space<hbm>> -> memref<1x64xf32, #tpu.memory_space<hbm>>
        %dma_start3A_176 = tpu.memref_squeeze %dma_start3A_175 : memref<1x64xf32, #tpu.memory_space<hbm>> -> memref<64xf32, #tpu.memory_space<hbm>>
        %dma_start3A_177 = arith.constant 0 : i32
        %dma_start3A_178 = tpu.memref_slice %arg8[%add3A_170, %dma_start3A_177] : memref<400x64xf32, #tpu.memory_space<vmem>> -> memref<1x64xf32, #tpu.memory_space<vmem>>
        %dma_start3A_179 = tpu.memref_squeeze %dma_start3A_178 : memref<1x64xf32, #tpu.memory_space<vmem>> -> memref<64xf32, #tpu.memory_space<vmem>>
        %dma_start3A_180 = arith.constant 0 : i32
        %dma_start3A_181 = tpu.memref_slice %arg3[%squeeze3A, %dma_start3A_180] : memref<1000000x64xf32, #tpu.memory_space<hbm>> -> memref<1x64xf32, #tpu.memory_space<hbm>>
        %dma_start3A_182 = tpu.memref_squeeze %dma_start3A_181 : memref<1x64xf32, #tpu.memory_space<hbm>> -> memref<64xf32, #tpu.memory_space<hbm>>
        tpu.enqueue_dma source(%dma_start3A_182 : memref<64xf32, #tpu.memory_space<hbm>>) target(%dma_start3A_179 : memref<64xf32, #tpu.memory_space<vmem>>) target_semaphore(%arg12 : memref<!tpu.dma_semaphore, #tpu.memory_space<semaphore_mem>>)
        %slice3A_183 = vector.extract_strided_slice %get3A_166 {offsets = [1], sizes = [1], strides = [1]} : vector<16xi32> to vector<1xi32>
        %squeeze3A_184 = vector.extract %slice3A_183[0] : i32 from vector<1xi32>
        %mul3A_185 = arith.constant 16 : i32
        %mul3A_186 = arith.muli %scan3A_162, %mul3A_185 : i32
        %add3A_187 = arith.constant 1 : i32
        %add3A_188 = arith.addi %mul3A_186, %add3A_187 : i32
        %dma_start3A_189 = arith.constant 0 : i32
        %dma_start3A_190 = tpu.memref_slice %arg8[%add3A_188, %dma_start3A_189] : memref<400x64xf32, #tpu.memory_space<vmem>> -> memref<1x64xf32, #tpu.memory_space<vmem>>
        %dma_start3A_191 = tpu.memref_squeeze %dma_start3A_190 : memref<1x64xf32, #tpu.memory_space<vmem>> -> memref<64xf32, #tpu.memory_space<vmem>>
        %dma_start3A_192 = arith.constant 0 : i32
        %dma_start3A_193 = tpu.memref_slice %arg3[%squeeze3A_184, %dma_start3A_192] : memref<1000000x64xf32, #tpu.memory_space<hbm>> -> memref<1x64xf32, #tpu.memory_space<hbm>>
        %dma_start3A_194 = tpu.memref_squeeze %dma_start3A_193 : memref<1x64xf32, #tpu.memory_space<hbm>> -> memref<64xf32, #tpu.memory_space<hbm>>
        %dma_start3A_195 = arith.constant 0 : i32
        %dma_start3A_196 = tpu.memref_slice %arg8[%add3A_188, %dma_start3A_195] : memref<400x64xf32, #tpu.memory_space<vmem>> -> memref<1x64xf32, #tpu.memory_space<vmem>>
        %dma_start3A_197 = tpu.memref_squeeze %dma_start3A_196 : memref<1x64xf32, #tpu.memory_space<vmem>> -> memref<64xf32, #tpu.memory_space<vmem>>
        %dma_start3A_198 = arith.constant 0 : i32
        %dma_start3A_199 = tpu.memref_slice %arg3[%squeeze3A_184, %dma_start3A_198] : memref<1000000x64xf32, #tpu.memory_space<hbm>> -> memref<1x64xf32, #tpu.memory_space<hbm>>
        %dma_start3A_200 = tpu.memref_squeeze %dma_start3A_199 : memref<1x64xf32, #tpu.memory_space<hbm>> -> memref<64xf32, #tpu.memory_space<hbm>>
        tpu.enqueue_dma source(%dma_start3A_200 : memref<64xf32, #tpu.memory_space<hbm>>) target(%dma_start3A_197 : memref<64xf32, #tpu.memory_space<vmem>>) target_semaphore(%arg12 : memref<!tpu.dma_semaphore, #tpu.memory_space<semaphore_mem>>)
        %slice3A_201 = vector.extract_strided_slice %get3A_166 {offsets = [2], sizes = [1], strides = [1]} : vector<16xi32> to vector<1xi32>
        %squeeze3A_202 = vector.extract %slice3A_201[0] : i32 from vector<1xi32>
        %mul3A_203 = arith.constant 16 : i32
        %mul3A_204 = arith.muli %scan3A_162, %mul3A_203 : i32
        %add3A_205 = arith.constant 2 : i32
        %add3A_206 = arith.addi %mul3A_204, %add3A_205 : i32
        %dma_start3A_207 = arith.constant 0 : i32
        %dma_start3A_208 = tpu.memref_slice %arg8[%add3A_206, %dma_start3A_207] : memref<400x64xf32, #tpu.memory_space<vmem>> -> memref<1x64xf32, #tpu.memory_space<vmem>>
        %dma_start3A_209 = tpu.memref_squeeze %dma_start3A_208 : memref<1x64xf32, #tpu.memory_space<vmem>> -> memref<64xf32, #tpu.memory_space<vmem>>
        %dma_start3A_210 = arith.constant 0 : i32
        %dma_start3A_211 = tpu.memref_slice %arg3[%squeeze3A_202, %dma_start3A_210] : memref<1000000x64xf32, #tpu.memory_space<hbm>> -> memref<1x64xf32, #tpu.memory_space<hbm>>
        %dma_start3A_212 = tpu.memref_squeeze %dma_start3A_211 : memref<1x64xf32, #tpu.memory_space<hbm>> -> memref<64xf32, #tpu.memory_space<hbm>>
        %dma_start3A_213 = arith.constant 0 : i32
        %dma_start3A_214 = tpu.memref_slice %arg8[%add3A_206, %dma_start3A_213] : memref<400x64xf32, #tpu.memory_space<vmem>> -> memref<1x64xf32, #tpu.memory_space<vmem>>
        %dma_start3A_215 = tpu.memref_squeeze %dma_start3A_214 : memref<1x64xf32, #tpu.memory_space<vmem>> -> memref<64xf32, #tpu.memory_space<vmem>>
        %dma_start3A_216 = arith.constant 0 : i32
        %dma_start3A_217 = tpu.memref_slice %arg3[%squeeze3A_202, %dma_start3A_216] : memref<1000000x64xf32, #tpu.memory_space<hbm>> -> memref<1x64xf32, #tpu.memory_space<hbm>>
        %dma_start3A_218 = tpu.memref_squeeze %dma_start3A_217 : memref<1x64xf32, #tpu.memory_space<hbm>> -> memref<64xf32, #tpu.memory_space<hbm>>
        tpu.enqueue_dma source(%dma_start3A_218 : memref<64xf32, #tpu.memory_space<hbm>>) target(%dma_start3A_215 : memref<64xf32, #tpu.memory_space<vmem>>) target_semaphore(%arg12 : memref<!tpu.dma_semaphore, #tpu.memory_space<semaphore_mem>>)
        %slice3A_219 = vector.extract_strided_slice %get3A_166 {offsets = [3], sizes = [1], strides = [1]} : vector<16xi32> to vector<1xi32>
        %squeeze3A_220 = vector.extract %slice3A_219[0] : i32 from vector<1xi32>
        %mul3A_221 = arith.constant 16 : i32
        %mul3A_222 = arith.muli %scan3A_162, %mul3A_221 : i32
        %add3A_223 = arith.constant 3 : i32
        %add3A_224 = arith.addi %mul3A_222, %add3A_223 : i32
        %dma_start3A_225 = arith.constant 0 : i32
        %dma_start3A_226 = tpu.memref_slice %arg8[%add3A_224, %dma_start3A_225] : memref<400x64xf32, #tpu.memory_space<vmem>> -> memref<1x64xf32, #tpu.memory_space<vmem>>
        %dma_start3A_227 = tpu.memref_squeeze %dma_start3A_226 : memref<1x64xf32, #tpu.memory_space<vmem>> -> memref<64xf32, #tpu.memory_space<vmem>>
        %dma_start3A_228 = arith.constant 0 : i32
        %dma_start3A_229 = tpu.memref_slice %arg3[%squeeze3A_220, %dma_start3A_228] : memref<1000000x64xf32, #tpu.memory_space<hbm>> -> memref<1x64xf32, #tpu.memory_space<hbm>>
        %dma_start3A_230 = tpu.memref_squeeze %dma_start3A_229 : memref<1x64xf32, #tpu.memory_space<hbm>> -> memref<64xf32, #tpu.memory_space<hbm>>
        %dma_start3A_231 = arith.constant 0 : i32
        %dma_start3A_232 = tpu.memref_slice %arg8[%add3A_224, %dma_start3A_231] : memref<400x64xf32, #tpu.memory_space<vmem>> -> memref<1x64xf32, #tpu.memory_space<vmem>>
        %dma_start3A_233 = tpu.memref_squeeze %dma_start3A_232 : memref<1x64xf32, #tpu.memory_space<vmem>> -> memref<64xf32, #tpu.memory_space<vmem>>
        %dma_start3A_234 = arith.constant 0 : i32
        %dma_start3A_235 = tpu.memref_slice %arg3[%squeeze3A_220, %dma_start3A_234] : memref<1000000x64xf32, #tpu.memory_space<hbm>> -> memref<1x64xf32, #tpu.memory_space<hbm>>
        %dma_start3A_236 = tpu.memref_squeeze %dma_start3A_235 : memref<1x64xf32, #tpu.memory_space<hbm>> -> memref<64xf32, #tpu.memory_space<hbm>>
        tpu.enqueue_dma source(%dma_start3A_236 : memref<64xf32, #tpu.memory_space<hbm>>) target(%dma_start3A_233 : memref<64xf32, #tpu.memory_space<vmem>>) target_semaphore(%arg12 : memref<!tpu.dma_semaphore, #tpu.memory_space<semaphore_mem>>)
        %slice3A_237 = vector.extract_strided_slice %get3A_166 {offsets = [4], sizes = [1], strides = [1]} : vector<16xi32> to vector<1xi32>
        %squeeze3A_238 = vector.extract %slice3A_237[0] : i32 from vector<1xi32>
        %mul3A_239 = arith.constant 16 : i32
        %mul3A_240 = arith.muli %scan3A_162, %mul3A_239 : i32
        %add3A_241 = arith.constant 4 : i32
        %add3A_242 = arith.addi %mul3A_240, %add3A_241 : i32
        %dma_start3A_243 = arith.constant 0 : i32
        %dma_start3A_244 = tpu.memref_slice %arg8[%add3A_242, %dma_start3A_243] : memref<400x64xf32, #tpu.memory_space<vmem>> -> memref<1x64xf32, #tpu.memory_space<vmem>>
        %dma_start3A_245 = tpu.memref_squeeze %dma_start3A_244 : memref<1x64xf32, #tpu.memory_space<vmem>> -> memref<64xf32, #tpu.memory_space<vmem>>
        %dma_start3A_246 = arith.constant 0 : i32
        %dma_start3A_247 = tpu.memref_slice %arg3[%squeeze3A_238, %dma_start3A_246] : memref<1000000x64xf32, #tpu.memory_space<hbm>> -> memref<1x64xf32, #tpu.memory_space<hbm>>
        %dma_start3A_248 = tpu.memref_squeeze %dma_start3A_247 : memref<1x64xf32, #tpu.memory_space<hbm>> -> memref<64xf32, #tpu.memory_space<hbm>>
        %dma_start3A_249 = arith.constant 0 : i32
        %dma_start3A_250 = tpu.memref_slice %arg8[%add3A_242, %dma_start3A_249] : memref<400x64xf32, #tpu.memory_space<vmem>> -> memref<1x64xf32, #tpu.memory_space<vmem>>
        %dma_start3A_251 = tpu.memref_squeeze %dma_start3A_250 : memref<1x64xf32, #tpu.memory_space<vmem>> -> memref<64xf32, #tpu.memory_space<vmem>>
        %dma_start3A_252 = arith.constant 0 : i32
        %dma_start3A_253 = tpu.memref_slice %arg3[%squeeze3A_238, %dma_start3A_252] : memref<1000000x64xf32, #tpu.memory_space<hbm>> -> memref<1x64xf32, #tpu.memory_space<hbm>>
        %dma_start3A_254 = tpu.memref_squeeze %dma_start3A_253 : memref<1x64xf32, #tpu.memory_space<hbm>> -> memref<64xf32, #tpu.memory_space<hbm>>
        tpu.enqueue_dma source(%dma_start3A_254 : memref<64xf32, #tpu.memory_space<hbm>>) target(%dma_start3A_251 : memref<64xf32, #tpu.memory_space<vmem>>) target_semaphore(%arg12 : memref<!tpu.dma_semaphore, #tpu.memory_space<semaphore_mem>>)
        %slice3A_255 = vector.extract_strided_slice %get3A_166 {offsets = [5], sizes = [1], strides = [1]} : vector<16xi32> to vector<1xi32>
        %squeeze3A_256 = vector.extract %slice3A_255[0] : i32 from vector<1xi32>
        %mul3A_257 = arith.constant 16 : i32
        %mul3A_258 = arith.muli %scan3A_162, %mul3A_257 : i32
        %add3A_259 = arith.constant 5 : i32
        %add3A_260 = arith.addi %mul3A_258, %add3A_259 : i32
        %dma_start3A_261 = arith.constant 0 : i32
        %dma_start3A_262 = tpu.memref_slice %arg8[%add3A_260, %dma_start3A_261] : memref<400x64xf32, #tpu.memory_space<vmem>> -> memref<1x64xf32, #tpu.memory_space<vmem>>
        %dma_start3A_263 = tpu.memref_squeeze %dma_start3A_262 : memref<1x64xf32, #tpu.memory_space<vmem>> -> memref<64xf32, #tpu.memory_space<vmem>>
        %dma_start3A_264 = arith.constant 0 : i32
        %dma_start3A_265 = tpu.memref_slice %arg3[%squeeze3A_256, %dma_start3A_264] : memref<1000000x64xf32, #tpu.memory_space<hbm>> -> memref<1x64xf32, #tpu.memory_space<hbm>>
        %dma_start3A_266 = tpu.memref_squeeze %dma_start3A_265 : memref<1x64xf32, #tpu.memory_space<hbm>> -> memref<64xf32, #tpu.memory_space<hbm>>
        %dma_start3A_267 = arith.constant 0 : i32
        %dma_start3A_268 = tpu.memref_slice %arg8[%add3A_260, %dma_start3A_267] : memref<400x64xf32, #tpu.memory_space<vmem>> -> memref<1x64xf32, #tpu.memory_space<vmem>>
        %dma_start3A_269 = tpu.memref_squeeze %dma_start3A_268 : memref<1x64xf32, #tpu.memory_space<vmem>> -> memref<64xf32, #tpu.memory_space<vmem>>
        %dma_start3A_270 = arith.constant 0 : i32
        %dma_start3A_271 = tpu.memref_slice %arg3[%squeeze3A_256, %dma_start3A_270] : memref<1000000x64xf32, #tpu.memory_space<hbm>> -> memref<1x64xf32, #tpu.memory_space<hbm>>
        %dma_start3A_272 = tpu.memref_squeeze %dma_start3A_271 : memref<1x64xf32, #tpu.memory_space<hbm>> -> memref<64xf32, #tpu.memory_space<hbm>>
        tpu.enqueue_dma source(%dma_start3A_272 : memref<64xf32, #tpu.memory_space<hbm>>) target(%dma_start3A_269 : memref<64xf32, #tpu.memory_space<vmem>>) target_semaphore(%arg12 : memref<!tpu.dma_semaphore, #tpu.memory_space<semaphore_mem>>)
        %slice3A_273 = vector.extract_strided_slice %get3A_166 {offsets = [6], sizes = [1], strides = [1]} : vector<16xi32> to vector<1xi32>
        %squeeze3A_274 = vector.extract %slice3A_273[0] : i32 from vector<1xi32>
        %mul3A_275 = arith.constant 16 : i32
        %mul3A_276 = arith.muli %scan3A_162, %mul3A_275 : i32
        %add3A_277 = arith.constant 6 : i32
        %add3A_278 = arith.addi %mul3A_276, %add3A_277 : i32
        %dma_start3A_279 = arith.constant 0 : i32
        %dma_start3A_280 = tpu.memref_slice %arg8[%add3A_278, %dma_start3A_279] : memref<400x64xf32, #tpu.memory_space<vmem>> -> memref<1x64xf32, #tpu.memory_space<vmem>>
        %dma_start3A_281 = tpu.memref_squeeze %dma_start3A_280 : memref<1x64xf32, #tpu.memory_space<vmem>> -> memref<64xf32, #tpu.memory_space<vmem>>
        %dma_start3A_282 = arith.constant 0 : i32
        %dma_start3A_283 = tpu.memref_slice %arg3[%squeeze3A_274, %dma_start3A_282] : memref<1000000x64xf32, #tpu.memory_space<hbm>> -> memref<1x64xf32, #tpu.memory_space<hbm>>
        %dma_start3A_284 = tpu.memref_squeeze %dma_start3A_283 : memref<1x64xf32, #tpu.memory_space<hbm>> -> memref<64xf32, #tpu.memory_space<hbm>>
        %dma_start3A_285 = arith.constant 0 : i32
        %dma_start3A_286 = tpu.memref_slice %arg8[%add3A_278, %dma_start3A_285] : memref<400x64xf32, #tpu.memory_space<vmem>> -> memref<1x64xf32, #tpu.memory_space<vmem>>
        %dma_start3A_287 = tpu.memref_squeeze %dma_start3A_286 : memref<1x64xf32, #tpu.memory_space<vmem>> -> memref<64xf32, #tpu.memory_space<vmem>>
        %dma_start3A_288 = arith.constant 0 : i32
        %dma_start3A_289 = tpu.memref_slice %arg3[%squeeze3A_274, %dma_start3A_288] : memref<1000000x64xf32, #tpu.memory_space<hbm>> -> memref<1x64xf32, #tpu.memory_space<hbm>>
        %dma_start3A_290 = tpu.memref_squeeze %dma_start3A_289 : memref<1x64xf32, #tpu.memory_space<hbm>> -> memref<64xf32, #tpu.memory_space<hbm>>
        tpu.enqueue_dma source(%dma_start3A_290 : memref<64xf32, #tpu.memory_space<hbm>>) target(%dma_start3A_287 : memref<64xf32, #tpu.memory_space<vmem>>) target_semaphore(%arg12 : memref<!tpu.dma_semaphore, #tpu.memory_space<semaphore_mem>>)
        %slice3A_291 = vector.extract_strided_slice %get3A_166 {offsets = [7], sizes = [1], strides = [1]} : vector<16xi32> to vector<1xi32>
        %squeeze3A_292 = vector.extract %slice3A_291[0] : i32 from vector<1xi32>
        %mul3A_293 = arith.constant 16 : i32
        %mul3A_294 = arith.muli %scan3A_162, %mul3A_293 : i32
        %add3A_295 = arith.constant 7 : i32
        %add3A_296 = arith.addi %mul3A_294, %add3A_295 : i32
        %dma_start3A_297 = arith.constant 0 : i32
        %dma_start3A_298 = tpu.memref_slice %arg8[%add3A_296, %dma_start3A_297] : memref<400x64xf32, #tpu.memory_space<vmem>> -> memref<1x64xf32, #tpu.memory_space<vmem>>
        %dma_start3A_299 = tpu.memref_squeeze %dma_start3A_298 : memref<1x64xf32, #tpu.memory_space<vmem>> -> memref<64xf32, #tpu.memory_space<vmem>>
        %dma_start3A_300 = arith.constant 0 : i32
        %dma_start3A_301 = tpu.memref_slice %arg3[%squeeze3A_292, %dma_start3A_300] : memref<1000000x64xf32, #tpu.memory_space<hbm>> -> memref<1x64xf32, #tpu.memory_space<hbm>>
        %dma_start3A_302 = tpu.memref_squeeze %dma_start3A_301 : memref<1x64xf32, #tpu.memory_space<hbm>> -> memref<64xf32, #tpu.memory_space<hbm>>
        %dma_start3A_303 = arith.constant 0 : i32
        %dma_start3A_304 = tpu.memref_slice %arg8[%add3A_296, %dma_start3A_303] : memref<400x64xf32, #tpu.memory_space<vmem>> -> memref<1x64xf32, #tpu.memory_space<vmem>>
        %dma_start3A_305 = tpu.memref_squeeze %dma_start3A_304 : memref<1x64xf32, #tpu.memory_space<vmem>> -> memref<64xf32, #tpu.memory_space<vmem>>
        %dma_start3A_306 = arith.constant 0 : i32
        %dma_start3A_307 = tpu.memref_slice %arg3[%squeeze3A_292, %dma_start3A_306] : memref<1000000x64xf32, #tpu.memory_space<hbm>> -> memref<1x64xf32, #tpu.memory_space<hbm>>
        %dma_start3A_308 = tpu.memref_squeeze %dma_start3A_307 : memref<1x64xf32, #tpu.memory_space<hbm>> -> memref<64xf32, #tpu.memory_space<hbm>>
        tpu.enqueue_dma source(%dma_start3A_308 : memref<64xf32, #tpu.memory_space<hbm>>) target(%dma_start3A_305 : memref<64xf32, #tpu.memory_space<vmem>>) target_semaphore(%arg12 : memref<!tpu.dma_semaphore, #tpu.memory_space<semaphore_mem>>)
        %slice3A_309 = vector.extract_strided_slice %get3A_166 {offsets = [8], sizes = [1], strides = [1]} : vector<16xi32> to vector<1xi32>
        %squeeze3A_310 = vector.extract %slice3A_309[0] : i32 from vector<1xi32>
        %mul3A_311 = arith.constant 16 : i32
        %mul3A_312 = arith.muli %scan3A_162, %mul3A_311 : i32
        %add3A_313 = arith.constant 8 : i32
        %add3A_314 = arith.addi %mul3A_312, %add3A_313 : i32
        %dma_start3A_315 = arith.constant 0 : i32
        %dma_start3A_316 = tpu.memref_slice %arg8[%add3A_314, %dma_start3A_315] : memref<400x64xf32, #tpu.memory_space<vmem>> -> memref<1x64xf32, #tpu.memory_space<vmem>>
        %dma_start3A_317 = tpu.memref_squeeze %dma_start3A_316 : memref<1x64xf32, #tpu.memory_space<vmem>> -> memref<64xf32, #tpu.memory_space<vmem>>
        %dma_start3A_318 = arith.constant 0 : i32
        %dma_start3A_319 = tpu.memref_slice %arg3[%squeeze3A_310, %dma_start3A_318] : memref<1000000x64xf32, #tpu.memory_space<hbm>> -> memref<1x64xf32, #tpu.memory_space<hbm>>
        %dma_start3A_320 = tpu.memref_squeeze %dma_start3A_319 : memref<1x64xf32, #tpu.memory_space<hbm>> -> memref<64xf32, #tpu.memory_space<hbm>>
        %dma_start3A_321 = arith.constant 0 : i32
        %dma_start3A_322 = tpu.memref_slice %arg8[%add3A_314, %dma_start3A_321] : memref<400x64xf32, #tpu.memory_space<vmem>> -> memref<1x64xf32, #tpu.memory_space<vmem>>
        %dma_start3A_323 = tpu.memref_squeeze %dma_start3A_322 : memref<1x64xf32, #tpu.memory_space<vmem>> -> memref<64xf32, #tpu.memory_space<vmem>>
        %dma_start3A_324 = arith.constant 0 : i32
        %dma_start3A_325 = tpu.memref_slice %arg3[%squeeze3A_310, %dma_start3A_324] : memref<1000000x64xf32, #tpu.memory_space<hbm>> -> memref<1x64xf32, #tpu.memory_space<hbm>>
        %dma_start3A_326 = tpu.memref_squeeze %dma_start3A_325 : memref<1x64xf32, #tpu.memory_space<hbm>> -> memref<64xf32, #tpu.memory_space<hbm>>
        tpu.enqueue_dma source(%dma_start3A_326 : memref<64xf32, #tpu.memory_space<hbm>>) target(%dma_start3A_323 : memref<64xf32, #tpu.memory_space<vmem>>) target_semaphore(%arg12 : memref<!tpu.dma_semaphore, #tpu.memory_space<semaphore_mem>>)
        %slice3A_327 = vector.extract_strided_slice %get3A_166 {offsets = [9], sizes = [1], strides = [1]} : vector<16xi32> to vector<1xi32>
        %squeeze3A_328 = vector.extract %slice3A_327[0] : i32 from vector<1xi32>
        %mul3A_329 = arith.constant 16 : i32
        %mul3A_330 = arith.muli %scan3A_162, %mul3A_329 : i32
        %add3A_331 = arith.constant 9 : i32
        %add3A_332 = arith.addi %mul3A_330, %add3A_331 : i32
        %dma_start3A_333 = arith.constant 0 : i32
        %dma_start3A_334 = tpu.memref_slice %arg8[%add3A_332, %dma_start3A_333] : memref<400x64xf32, #tpu.memory_space<vmem>> -> memref<1x64xf32, #tpu.memory_space<vmem>>
        %dma_start3A_335 = tpu.memref_squeeze %dma_start3A_334 : memref<1x64xf32, #tpu.memory_space<vmem>> -> memref<64xf32, #tpu.memory_space<vmem>>
        %dma_start3A_336 = arith.constant 0 : i32
        %dma_start3A_337 = tpu.memref_slice %arg3[%squeeze3A_328, %dma_start3A_336] : memref<1000000x64xf32, #tpu.memory_space<hbm>> -> memref<1x64xf32, #tpu.memory_space<hbm>>
        %dma_start3A_338 = tpu.memref_squeeze %dma_start3A_337 : memref<1x64xf32, #tpu.memory_space<hbm>> -> memref<64xf32, #tpu.memory_space<hbm>>
        %dma_start3A_339 = arith.constant 0 : i32
        %dma_start3A_340 = tpu.memref_slice %arg8[%add3A_332, %dma_start3A_339] : memref<400x64xf32, #tpu.memory_space<vmem>> -> memref<1x64xf32, #tpu.memory_space<vmem>>
        %dma_start3A_341 = tpu.memref_squeeze %dma_start3A_340 : memref<1x64xf32, #tpu.memory_space<vmem>> -> memref<64xf32, #tpu.memory_space<vmem>>
        %dma_start3A_342 = arith.constant 0 : i32
        %dma_start3A_343 = tpu.memref_slice %arg3[%squeeze3A_328, %dma_start3A_342] : memref<1000000x64xf32, #tpu.memory_space<hbm>> -> memref<1x64xf32, #tpu.memory_space<hbm>>
        %dma_start3A_344 = tpu.memref_squeeze %dma_start3A_343 : memref<1x64xf32, #tpu.memory_space<hbm>> -> memref<64xf32, #tpu.memory_space<hbm>>
        tpu.enqueue_dma source(%dma_start3A_344 : memref<64xf32, #tpu.memory_space<hbm>>) target(%dma_start3A_341 : memref<64xf32, #tpu.memory_space<vmem>>) target_semaphore(%arg12 : memref<!tpu.dma_semaphore, #tpu.memory_space<semaphore_mem>>)
        %slice3A_345 = vector.extract_strided_slice %get3A_166 {offsets = [10], sizes = [1], strides = [1]} : vector<16xi32> to vector<1xi32>
        %squeeze3A_346 = vector.extract %slice3A_345[0] : i32 from vector<1xi32>
        %mul3A_347 = arith.constant 16 : i32
        %mul3A_348 = arith.muli %scan3A_162, %mul3A_347 : i32
        %add3A_349 = arith.constant 10 : i32
        %add3A_350 = arith.addi %mul3A_348, %add3A_349 : i32
        %dma_start3A_351 = arith.constant 0 : i32
        %dma_start3A_352 = tpu.memref_slice %arg8[%add3A_350, %dma_start3A_351] : memref<400x64xf32, #tpu.memory_space<vmem>> -> memref<1x64xf32, #tpu.memory_space<vmem>>
        %dma_start3A_353 = tpu.memref_squeeze %dma_start3A_352 : memref<1x64xf32, #tpu.memory_space<vmem>> -> memref<64xf32, #tpu.memory_space<vmem>>
        %dma_start3A_354 = arith.constant 0 : i32
        %dma_start3A_355 = tpu.memref_slice %arg3[%squeeze3A_346, %dma_start3A_354] : memref<1000000x64xf32, #tpu.memory_space<hbm>> -> memref<1x64xf32, #tpu.memory_space<hbm>>
        %dma_start3A_356 = tpu.memref_squeeze %dma_start3A_355 : memref<1x64xf32, #tpu.memory_space<hbm>> -> memref<64xf32, #tpu.memory_space<hbm>>
        %dma_start3A_357 = arith.constant 0 : i32
        %dma_start3A_358 = tpu.memref_slice %arg8[%add3A_350, %dma_start3A_357] : memref<400x64xf32, #tpu.memory_space<vmem>> -> memref<1x64xf32, #tpu.memory_space<vmem>>
        %dma_start3A_359 = tpu.memref_squeeze %dma_start3A_358 : memref<1x64xf32, #tpu.memory_space<vmem>> -> memref<64xf32, #tpu.memory_space<vmem>>
        %dma_start3A_360 = arith.constant 0 : i32
        %dma_start3A_361 = tpu.memref_slice %arg3[%squeeze3A_346, %dma_start3A_360] : memref<1000000x64xf32, #tpu.memory_space<hbm>> -> memref<1x64xf32, #tpu.memory_space<hbm>>
        %dma_start3A_362 = tpu.memref_squeeze %dma_start3A_361 : memref<1x64xf32, #tpu.memory_space<hbm>> -> memref<64xf32, #tpu.memory_space<hbm>>
        tpu.enqueue_dma source(%dma_start3A_362 : memref<64xf32, #tpu.memory_space<hbm>>) target(%dma_start3A_359 : memref<64xf32, #tpu.memory_space<vmem>>) target_semaphore(%arg12 : memref<!tpu.dma_semaphore, #tpu.memory_space<semaphore_mem>>)
        %slice3A_363 = vector.extract_strided_slice %get3A_166 {offsets = [11], sizes = [1], strides = [1]} : vector<16xi32> to vector<1xi32>
        %squeeze3A_364 = vector.extract %slice3A_363[0] : i32 from vector<1xi32>
        %mul3A_365 = arith.constant 16 : i32
        %mul3A_366 = arith.muli %scan3A_162, %mul3A_365 : i32
        %add3A_367 = arith.constant 11 : i32
        %add3A_368 = arith.addi %mul3A_366, %add3A_367 : i32
        %dma_start3A_369 = arith.constant 0 : i32
        %dma_start3A_370 = tpu.memref_slice %arg8[%add3A_368, %dma_start3A_369] : memref<400x64xf32, #tpu.memory_space<vmem>> -> memref<1x64xf32, #tpu.memory_space<vmem>>
        %dma_start3A_371 = tpu.memref_squeeze %dma_start3A_370 : memref<1x64xf32, #tpu.memory_space<vmem>> -> memref<64xf32, #tpu.memory_space<vmem>>
        %dma_start3A_372 = arith.constant 0 : i32
        %dma_start3A_373 = tpu.memref_slice %arg3[%squeeze3A_364, %dma_start3A_372] : memref<1000000x64xf32, #tpu.memory_space<hbm>> -> memref<1x64xf32, #tpu.memory_space<hbm>>
        %dma_start3A_374 = tpu.memref_squeeze %dma_start3A_373 : memref<1x64xf32, #tpu.memory_space<hbm>> -> memref<64xf32, #tpu.memory_space<hbm>>
        %dma_start3A_375 = arith.constant 0 : i32
        %dma_start3A_376 = tpu.memref_slice %arg8[%add3A_368, %dma_start3A_375] : memref<400x64xf32, #tpu.memory_space<vmem>> -> memref<1x64xf32, #tpu.memory_space<vmem>>
        %dma_start3A_377 = tpu.memref_squeeze %dma_start3A_376 : memref<1x64xf32, #tpu.memory_space<vmem>> -> memref<64xf32, #tpu.memory_space<vmem>>
        %dma_start3A_378 = arith.constant 0 : i32
        %dma_start3A_379 = tpu.memref_slice %arg3[%squeeze3A_364, %dma_start3A_378] : memref<1000000x64xf32, #tpu.memory_space<hbm>> -> memref<1x64xf32, #tpu.memory_space<hbm>>
        %dma_start3A_380 = tpu.memref_squeeze %dma_start3A_379 : memref<1x64xf32, #tpu.memory_space<hbm>> -> memref<64xf32, #tpu.memory_space<hbm>>
        tpu.enqueue_dma source(%dma_start3A_380 : memref<64xf32, #tpu.memory_space<hbm>>) target(%dma_start3A_377 : memref<64xf32, #tpu.memory_space<vmem>>) target_semaphore(%arg12 : memref<!tpu.dma_semaphore, #tpu.memory_space<semaphore_mem>>)
        %slice3A_381 = vector.extract_strided_slice %get3A_166 {offsets = [12], sizes = [1], strides = [1]} : vector<16xi32> to vector<1xi32>
        %squeeze3A_382 = vector.extract %slice3A_381[0] : i32 from vector<1xi32>
        %mul3A_383 = arith.constant 16 : i32
        %mul3A_384 = arith.muli %scan3A_162, %mul3A_383 : i32
        %add3A_385 = arith.constant 12 : i32
        %add3A_386 = arith.addi %mul3A_384, %add3A_385 : i32
        %dma_start3A_387 = arith.constant 0 : i32
        %dma_start3A_388 = tpu.memref_slice %arg8[%add3A_386, %dma_start3A_387] : memref<400x64xf32, #tpu.memory_space<vmem>> -> memref<1x64xf32, #tpu.memory_space<vmem>>
        %dma_start3A_389 = tpu.memref_squeeze %dma_start3A_388 : memref<1x64xf32, #tpu.memory_space<vmem>> -> memref<64xf32, #tpu.memory_space<vmem>>
        %dma_start3A_390 = arith.constant 0 : i32
        %dma_start3A_391 = tpu.memref_slice %arg3[%squeeze3A_382, %dma_start3A_390] : memref<1000000x64xf32, #tpu.memory_space<hbm>> -> memref<1x64xf32, #tpu.memory_space<hbm>>
        %dma_start3A_392 = tpu.memref_squeeze %dma_start3A_391 : memref<1x64xf32, #tpu.memory_space<hbm>> -> memref<64xf32, #tpu.memory_space<hbm>>
        %dma_start3A_393 = arith.constant 0 : i32
        %dma_start3A_394 = tpu.memref_slice %arg8[%add3A_386, %dma_start3A_393] : memref<400x64xf32, #tpu.memory_space<vmem>> -> memref<1x64xf32, #tpu.memory_space<vmem>>
        %dma_start3A_395 = tpu.memref_squeeze %dma_start3A_394 : memref<1x64xf32, #tpu.memory_space<vmem>> -> memref<64xf32, #tpu.memory_space<vmem>>
        %dma_start3A_396 = arith.constant 0 : i32
        %dma_start3A_397 = tpu.memref_slice %arg3[%squeeze3A_382, %dma_start3A_396] : memref<1000000x64xf32, #tpu.memory_space<hbm>> -> memref<1x64xf32, #tpu.memory_space<hbm>>
        %dma_start3A_398 = tpu.memref_squeeze %dma_start3A_397 : memref<1x64xf32, #tpu.memory_space<hbm>> -> memref<64xf32, #tpu.memory_space<hbm>>
        tpu.enqueue_dma source(%dma_start3A_398 : memref<64xf32, #tpu.memory_space<hbm>>) target(%dma_start3A_395 : memref<64xf32, #tpu.memory_space<vmem>>) target_semaphore(%arg12 : memref<!tpu.dma_semaphore, #tpu.memory_space<semaphore_mem>>)
        %slice3A_399 = vector.extract_strided_slice %get3A_166 {offsets = [13], sizes = [1], strides = [1]} : vector<16xi32> to vector<1xi32>
        %squeeze3A_400 = vector.extract %slice3A_399[0] : i32 from vector<1xi32>
        %mul3A_401 = arith.constant 16 : i32
        %mul3A_402 = arith.muli %scan3A_162, %mul3A_401 : i32
        %add3A_403 = arith.constant 13 : i32
        %add3A_404 = arith.addi %mul3A_402, %add3A_403 : i32
        %dma_start3A_405 = arith.constant 0 : i32
        %dma_start3A_406 = tpu.memref_slice %arg8[%add3A_404, %dma_start3A_405] : memref<400x64xf32, #tpu.memory_space<vmem>> -> memref<1x64xf32, #tpu.memory_space<vmem>>
        %dma_start3A_407 = tpu.memref_squeeze %dma_start3A_406 : memref<1x64xf32, #tpu.memory_space<vmem>> -> memref<64xf32, #tpu.memory_space<vmem>>
        %dma_start3A_408 = arith.constant 0 : i32
        %dma_start3A_409 = tpu.memref_slice %arg3[%squeeze3A_400, %dma_start3A_408] : memref<1000000x64xf32, #tpu.memory_space<hbm>> -> memref<1x64xf32, #tpu.memory_space<hbm>>
        %dma_start3A_410 = tpu.memref_squeeze %dma_start3A_409 : memref<1x64xf32, #tpu.memory_space<hbm>> -> memref<64xf32, #tpu.memory_space<hbm>>
        %dma_start3A_411 = arith.constant 0 : i32
        %dma_start3A_412 = tpu.memref_slice %arg8[%add3A_404, %dma_start3A_411] : memref<400x64xf32, #tpu.memory_space<vmem>> -> memref<1x64xf32, #tpu.memory_space<vmem>>
        %dma_start3A_413 = tpu.memref_squeeze %dma_start3A_412 : memref<1x64xf32, #tpu.memory_space<vmem>> -> memref<64xf32, #tpu.memory_space<vmem>>
        %dma_start3A_414 = arith.constant 0 : i32
        %dma_start3A_415 = tpu.memref_slice %arg3[%squeeze3A_400, %dma_start3A_414] : memref<1000000x64xf32, #tpu.memory_space<hbm>> -> memref<1x64xf32, #tpu.memory_space<hbm>>
        %dma_start3A_416 = tpu.memref_squeeze %dma_start3A_415 : memref<1x64xf32, #tpu.memory_space<hbm>> -> memref<64xf32, #tpu.memory_space<hbm>>
        tpu.enqueue_dma source(%dma_start3A_416 : memref<64xf32, #tpu.memory_space<hbm>>) target(%dma_start3A_413 : memref<64xf32, #tpu.memory_space<vmem>>) target_semaphore(%arg12 : memref<!tpu.dma_semaphore, #tpu.memory_space<semaphore_mem>>)
        %slice3A_417 = vector.extract_strided_slice %get3A_166 {offsets = [14], sizes = [1], strides = [1]} : vector<16xi32> to vector<1xi32>
        %squeeze3A_418 = vector.extract %slice3A_417[0] : i32 from vector<1xi32>
        %mul3A_419 = arith.constant 16 : i32
        %mul3A_420 = arith.muli %scan3A_162, %mul3A_419 : i32
        %add3A_421 = arith.constant 14 : i32
        %add3A_422 = arith.addi %mul3A_420, %add3A_421 : i32
        %dma_start3A_423 = arith.constant 0 : i32
        %dma_start3A_424 = tpu.memref_slice %arg8[%add3A_422, %dma_start3A_423] : memref<400x64xf32, #tpu.memory_space<vmem>> -> memref<1x64xf32, #tpu.memory_space<vmem>>
        %dma_start3A_425 = tpu.memref_squeeze %dma_start3A_424 : memref<1x64xf32, #tpu.memory_space<vmem>> -> memref<64xf32, #tpu.memory_space<vmem>>
        %dma_start3A_426 = arith.constant 0 : i32
        %dma_start3A_427 = tpu.memref_slice %arg3[%squeeze3A_418, %dma_start3A_426] : memref<1000000x64xf32, #tpu.memory_space<hbm>> -> memref<1x64xf32, #tpu.memory_space<hbm>>
        %dma_start3A_428 = tpu.memref_squeeze %dma_start3A_427 : memref<1x64xf32, #tpu.memory_space<hbm>> -> memref<64xf32, #tpu.memory_space<hbm>>
        %dma_start3A_429 = arith.constant 0 : i32
        %dma_start3A_430 = tpu.memref_slice %arg8[%add3A_422, %dma_start3A_429] : memref<400x64xf32, #tpu.memory_space<vmem>> -> memref<1x64xf32, #tpu.memory_space<vmem>>
        %dma_start3A_431 = tpu.memref_squeeze %dma_start3A_430 : memref<1x64xf32, #tpu.memory_space<vmem>> -> memref<64xf32, #tpu.memory_space<vmem>>
        %dma_start3A_432 = arith.constant 0 : i32
        %dma_start3A_433 = tpu.memref_slice %arg3[%squeeze3A_418, %dma_start3A_432] : memref<1000000x64xf32, #tpu.memory_space<hbm>> -> memref<1x64xf32, #tpu.memory_space<hbm>>
        %dma_start3A_434 = tpu.memref_squeeze %dma_start3A_433 : memref<1x64xf32, #tpu.memory_space<hbm>> -> memref<64xf32, #tpu.memory_space<hbm>>
        tpu.enqueue_dma source(%dma_start3A_434 : memref<64xf32, #tpu.memory_space<hbm>>) target(%dma_start3A_431 : memref<64xf32, #tpu.memory_space<vmem>>) target_semaphore(%arg12 : memref<!tpu.dma_semaphore, #tpu.memory_space<semaphore_mem>>)
        %slice3A_435 = vector.extract_strided_slice %get3A_166 {offsets = [15], sizes = [1], strides = [1]} : vector<16xi32> to vector<1xi32>
        %squeeze3A_436 = vector.extract %slice3A_435[0] : i32 from vector<1xi32>
        %mul3A_437 = arith.constant 16 : i32
        %mul3A_438 = arith.muli %scan3A_162, %mul3A_437 : i32
        %add3A_439 = arith.constant 15 : i32
        %add3A_440 = arith.addi %mul3A_438, %add3A_439 : i32
        %dma_start3A_441 = arith.constant 0 : i32
        %dma_start3A_442 = tpu.memref_slice %arg8[%add3A_440, %dma_start3A_441] : memref<400x64xf32, #tpu.memory_space<vmem>> -> memref<1x64xf32, #tpu.memory_space<vmem>>
        %dma_start3A_443 = tpu.memref_squeeze %dma_start3A_442 : memref<1x64xf32, #tpu.memory_space<vmem>> -> memref<64xf32, #tpu.memory_space<vmem>>
        %dma_start3A_444 = arith.constant 0 : i32
        %dma_start3A_445 = tpu.memref_slice %arg3[%squeeze3A_436, %dma_start3A_444] : memref<1000000x64xf32, #tpu.memory_space<hbm>> -> memref<1x64xf32, #tpu.memory_space<hbm>>
        %dma_start3A_446 = tpu.memref_squeeze %dma_start3A_445 : memref<1x64xf32, #tpu.memory_space<hbm>> -> memref<64xf32, #tpu.memory_space<hbm>>
        %dma_start3A_447 = arith.constant 0 : i32
        %dma_start3A_448 = tpu.memref_slice %arg8[%add3A_440, %dma_start3A_447] : memref<400x64xf32, #tpu.memory_space<vmem>> -> memref<1x64xf32, #tpu.memory_space<vmem>>
        %dma_start3A_449 = tpu.memref_squeeze %dma_start3A_448 : memref<1x64xf32, #tpu.memory_space<vmem>> -> memref<64xf32, #tpu.memory_space<vmem>>
        %dma_start3A_450 = arith.constant 0 : i32
        %dma_start3A_451 = tpu.memref_slice %arg3[%squeeze3A_436, %dma_start3A_450] : memref<1000000x64xf32, #tpu.memory_space<hbm>> -> memref<1x64xf32, #tpu.memory_space<hbm>>
        %dma_start3A_452 = tpu.memref_squeeze %dma_start3A_451 : memref<1x64xf32, #tpu.memory_space<hbm>> -> memref<64xf32, #tpu.memory_space<hbm>>
        tpu.enqueue_dma source(%dma_start3A_452 : memref<64xf32, #tpu.memory_space<hbm>>) target(%dma_start3A_449 : memref<64xf32, #tpu.memory_space<vmem>>) target_semaphore(%arg12 : memref<!tpu.dma_semaphore, #tpu.memory_space<semaphore_mem>>)
      }
      %scan3A_161 = arith.constant 25 : i32
    }
    %scan3A_33 = arith.constant 31 : i32
    %dma_wait3A_34 = arith.constant 0 : i32
    %dma_wait3A_35 = arith.constant 0 : i32
    %dma_wait3A_36 = tpu.memref_slice %arg3[%dma_wait3A_34, %dma_wait3A_35] : memref<1000000x64xf32, #tpu.memory_space<hbm>> -> memref<400x64xf32, #tpu.memory_space<hbm>>
    %dma_wait3A_37 = arith.constant 0 : i32
    %dma_wait3A_38 = arith.constant 0 : i32
    %dma_wait3A_39 = tpu.memref_slice %arg3[%dma_wait3A_37, %dma_wait3A_38] : memref<1000000x64xf32, #tpu.memory_space<hbm>> -> memref<400x64xf32, #tpu.memory_space<hbm>>
    tpu.wait_dma2 semaphore(%arg11 : memref<!tpu.dma_semaphore, #tpu.memory_space<semaphore_mem>>) src(%dma_wait3A_39 : memref<400x64xf32, #tpu.memory_space<hbm>>) dst(%arg7 : memref<400x64xf32, #tpu.memory_space<vmem>>)
    %add3A_40 = arith.constant 24800 : i32
    %add3A_41 = arith.addi %mul3A_2, %add3A_40 : i32
    %dma_start3A_42 = arith.constant 0 : i32
    %dma_start3A_43 = tpu.memref_slice %arg4[%add3A_41, %dma_start3A_42] : memref<819200x64xf32, #tpu.memory_space<hbm>> -> memref<400x64xf32, #tpu.memory_space<hbm>>
    %dma_start3A_44 = arith.constant 0 : i32
    %dma_start3A_45 = tpu.memref_slice %arg4[%add3A_41, %dma_start3A_44] : memref<819200x64xf32, #tpu.memory_space<hbm>> -> memref<400x64xf32, #tpu.memory_space<hbm>>
    tpu.enqueue_dma source(%arg7 : memref<400x64xf32, #tpu.memory_space<vmem>>) target(%dma_start3A_45 : memref<400x64xf32, #tpu.memory_space<hbm>>) target_semaphore(%arg13 : memref<!tpu.dma_semaphore, #tpu.memory_space<semaphore_mem>>)
    %dma_wait3A_46 = arith.constant 0 : i32
    %dma_wait3A_47 = arith.constant 0 : i32
    %dma_wait3A_48 = tpu.memref_slice %arg3[%dma_wait3A_46, %dma_wait3A_47] : memref<1000000x64xf32, #tpu.memory_space<hbm>> -> memref<400x64xf32, #tpu.memory_space<hbm>>
    %dma_wait3A_49 = arith.constant 0 : i32
    %dma_wait3A_50 = arith.constant 0 : i32
    %dma_wait3A_51 = tpu.memref_slice %arg3[%dma_wait3A_49, %dma_wait3A_50] : memref<1000000x64xf32, #tpu.memory_space<hbm>> -> memref<400x64xf32, #tpu.memory_space<hbm>>
    tpu.wait_dma2 semaphore(%arg12 : memref<!tpu.dma_semaphore, #tpu.memory_space<semaphore_mem>>) src(%dma_wait3A_51 : memref<400x64xf32, #tpu.memory_space<hbm>>) dst(%arg8 : memref<400x64xf32, #tpu.memory_space<vmem>>)
    %add3A_52 = arith.constant 25200 : i32
    %add3A_53 = arith.addi %mul3A_2, %add3A_52 : i32
    %dma_start3A_54 = arith.constant 0 : i32
    %dma_start3A_55 = tpu.memref_slice %arg4[%add3A_53, %dma_start3A_54] : memref<819200x64xf32, #tpu.memory_space<hbm>> -> memref<400x64xf32, #tpu.memory_space<hbm>>
    %dma_start3A_56 = arith.constant 0 : i32
    %dma_start3A_57 = tpu.memref_slice %arg4[%add3A_53, %dma_start3A_56] : memref<819200x64xf32, #tpu.memory_space<hbm>> -> memref<400x64xf32, #tpu.memory_space<hbm>>
    tpu.enqueue_dma source(%arg8 : memref<400x64xf32, #tpu.memory_space<vmem>>) target(%dma_start3A_57 : memref<400x64xf32, #tpu.memory_space<hbm>>) target_semaphore(%arg14 : memref<!tpu.dma_semaphore, #tpu.memory_space<semaphore_mem>>)
    %add3A_58 = arith.constant 24800 : i32
    %add3A_59 = arith.addi %mul3A_2, %add3A_58 : i32
    %dma_wait3A_60 = arith.constant 0 : i32
    %dma_wait3A_61 = tpu.memref_slice %arg4[%add3A_59, %dma_wait3A_60] : memref<819200x64xf32, #tpu.memory_space<hbm>> -> memref<400x64xf32, #tpu.memory_space<hbm>>
    %dma_wait3A_62 = arith.constant 0 : i32
    %dma_wait3A_63 = tpu.memref_slice %arg4[%add3A_59, %dma_wait3A_62] : memref<819200x64xf32, #tpu.memory_space<hbm>> -> memref<400x64xf32, #tpu.memory_space<hbm>>
    tpu.wait_dma2 semaphore(%arg13 : memref<!tpu.dma_semaphore, #tpu.memory_space<semaphore_mem>>) src(%arg7 : memref<400x64xf32, #tpu.memory_space<vmem>>) dst(%dma_wait3A_63 : memref<400x64xf32, #tpu.memory_space<hbm>>)
    %add3A_64 = arith.constant 25200 : i32
    %add3A_65 = arith.addi %mul3A_2, %add3A_64 : i32
    %dma_wait3A_66 = arith.constant 0 : i32
    %dma_wait3A_67 = tpu.memref_slice %arg4[%add3A_65, %dma_wait3A_66] : memref<819200x64xf32, #tpu.memory_space<hbm>> -> memref<400x64xf32, #tpu.memory_space<hbm>>
    %dma_wait3A_68 = arith.constant 0 : i32
    %dma_wait3A_69 = tpu.memref_slice %arg4[%add3A_65, %dma_wait3A_68] : memref<819200x64xf32, #tpu.memory_space<hbm>> -> memref<400x64xf32, #tpu.memory_space<hbm>>
    tpu.wait_dma2 semaphore(%arg14 : memref<!tpu.dma_semaphore, #tpu.memory_space<semaphore_mem>>) src(%arg8 : memref<400x64xf32, #tpu.memory_space<vmem>>) dst(%dma_wait3A_69 : memref<400x64xf32, #tpu.memory_space<hbm>>)
    return
  }
}

</mosaic_0001>

<sc_bundles>
// kernel: kernel.3.cloned.1.call-start
scs
__scs_entry_jumppad:
0x0: {  	(pc) =	sbr.rel $0x88, $3  }
0x1: {  	(tag) =	ssettag $0x0;
	lr =	simm.s32 $0x1  }
0x2: {  	[smem:$0x3F9F] =	sst lr;
	_ =	strace $0xD0000000  }
0x3: {  	_ = 	snop  }
0x4: {  	_ = 	snop  }
0x5: {  	_ = 	snop  }
0x6: {  	_ = 	snop  }
0x7: {  	_ = 	snop  }
__scs_overlays_trampoline_lowered:
0x8: {  	[smem:$0x3FAE] =	sst s0  }
0x9: {  	[smem:$0x3FAF] =	sst s1  }
0xa: {  	[smem:$0x3FB0] =	sst s2  }
0xb: {  	[smem:$0x3FB1] =	sst s3  }
0xc: {  	[smem:$0x3FB2] =	sst s4  }
0xd: {  	[smem:$0x3FB3] =	sst s5  }
0xe: {  	[smem:$0x3FB4] =	sst s6  }
0xf: {  	[smem:$0x3FB5] =	sst s7  }
0x10: {  	[smem:$0x3FB6] =	sst s8  }
0x11: {  	[smem:$0x3FB7] =	sst s9;
	s0 =	simm.s32 @!p0 $0x0  }
0x12: {  	s1 =	sld [smem:$0x3F9D];
	s0 =	simm.s32 @p0 $0x1  }
0x13: {  	[smem:$0x3FB8] =	sst s0;
	s0 =	simm.s32 @!p1 $0x0  }
0x14: {  	s2 =	sld [smem:$0x3F9C];
	s0 =	simm.s32 @p1 $0x1  }
0x15: {  	[smem:$0x3FB9] =	sst s0;
	s0 =	simm.s32 @!p2 $0x0  }
0x16: {  	s3 =	sld [smem:$0x3FDB];
	s0 =	simm.s32 @p2 $0x1  }
0x17: {  	s4 =	simm.s32 $0x1BF5;
	[smem:$0x3FBB] =	sst s0  }
0x18: {  	s0 =	sld [smem:$0x3F9E];
	_ =	swait.ge [sflag:s4], $0x0  }
0x19: {  	s7 =	sld [smem:$0x3F9F]  }
0x1a: {  	s8 =	sadd.s32 $0xFFFFE003, lr  }
0x1b: {  	s9 =	sadd.s32 $0xFFFFFEF7, lr;
	s5 =	simm.s32 $0xFFFFFFFF;
	p2 =	slt.u32 s8, $0xFFFFF086  }
0x1c: {  	p1 =	slt.u32 s9, $0xF7A;
	s5 =	simm.s32 @!p2 $0x0  }
0x1d: {  	s5 =	simm.s32 @p1 $0x1;
	p0 =	seq.s32 s7, s2  }
0x1e: {  	s7 =	smul.u32 @!p0 $0xF7A, s2;
	p2 =	seq.s32 @!p0 s5, $0x0  }
0x1f: {  	s9 =	smul.u32 $0xF7A, s1;
	s8 =	simm.s32 @!p0 $0x1BF5;
	p2 =	por !p2, p0  }
0x20: {  	[sflag:s8] =	ssyncset.s32 @!p0 $0xFFFFF086;
	s6 =	sadd.s32 @!p0 s3, s7;
	s7 =	simm.s32 @!p0 $0x108  }
0x21: {  	s3 =	sadd.s32 s3, s9;
	s6 =	sadd.s32 @!p0 $0x88, s6;
	s7 =	simm.s32 @p2 $0x1082  }
0x22: {  	[simem:s7], [sflag:s8] =	dma.local @!p0 [hbm:s6], $0xF7A  }
0x23: {  	s9 =	sor.u32 $0xD0000000, s2;
	s6 =	simm.s32 $0x108;
	_ =	swait.ge @!p0 [sflag:s8], $0x0  }
0x24: {  	s3 =	sadd.s32 $0x88, s3;
	s6 =	simm.s32 @!p1 $0x1082;
	[sflag:s4] =	ssyncset.s32 $0xFFFFF086  }
0x25: {  	[simem:s6], [sflag:s4] =	dma.local [hbm:s3], $0xF7A  }
0x26: {  	[smem:$0x3F9F] =	sst s1;
	(tag) =	ssettag s2;
	_ =	strace s9  }
0x27: {  	s1 =	sld [smem:$0x3FAF]  }
0x28: {  	s2 =	sld [smem:$0x3FB0]  }
0x29: {  	s4 =	sld [smem:$0x3FB2]  }
0x2a: {  	p0 =	seq.s32 s5, $0x0;
	s5 =	sld [smem:$0x3FB3]  }
0x2b: {  	s6 =	sld [smem:$0x3FB4]  }
0x2c: {  	s7 =	sld [smem:$0x3FB5]  }
0x2d: {  	s3 =	simm.s32 $0x108;
	s8 =	sld [smem:$0x3FB6]  }
0x2e: {  	s3 =	simm.s32 @!p0 $0x1082;
	s9 =	sld [smem:$0x3FB7]  }
0x2f: {  	lr =	sadd.s32 s0, s3;
	s0 =	sld [smem:$0x3FAE]  }
0x30: {  	s3 =	sld [smem:$0x3FB1]  }
0x31: {  	[smem:$0x3FBA] =	sst s10  }
0x32: {  	s10 =	sld [smem:$0x3FB8];
	_ =	sdelay $0x3  }
0x33: {  	p0 =	seq.s32 s10, $0x1;
	s10 =	sld [smem:$0x3FBA];
	_ =	sdelay $0x3  }
0x34: {  	[smem:$0x3FBA] =	sst s10  }
0x35: {  	s10 =	sld [smem:$0x3FB9];
	_ =	sdelay $0x3  }
0x36: {  	p1 =	seq.s32 s10, $0x1;
	s10 =	sld [smem:$0x3FBA];
	_ =	sdelay $0x3  }
0x37: {  	[smem:$0x3FBA] =	sst s10  }
0x38: {  	s10 =	sld [smem:$0x3FBB]  }
0x39: {  	_ = 	snop;
	(pc) =	sbr.ind lr, $3  }
0x3a: {  	_ = 	snop  }
0x3b: {  	_ = 	snop  }
0x3c: {  	p2 =	seq.s32 s10, $0x1;
	s10 =	sld [smem:$0x3FBA]  }
0x3d: {  	_ =	shalt  }
0x3e: {  	_ =	shalt  }
0x3f: {  	_ =	shalt  }
0x40: {  	_ =	shalt  }
0x41: {  	_ =	shalt  }
0x42: {  	_ =	shalt  }
0x43: {  	_ =	shalt  }
0x44: {  	_ =	shalt  }
0x45: {  	_ =	shalt  }
0x46: {  	_ =	shalt  }
0x47: {  	_ =	shalt  }
0x48: {  	_ =	shalt  }
0x49: {  	_ =	shalt  }
0x4a: {  	_ =	shalt  }
0x4b: {  	_ =	shalt  }
0x4c: {  	_ =	shalt  }
0x4d: {  	_ =	shalt  }
0x4e: {  	_ =	shalt  }
0x4f: {  	_ =	shalt  }
0x50: {  	_ =	shalt  }
0x51: {  	_ =	shalt  }
0x52: {  	_ =	shalt  }
0x53: {  	_ =	shalt  }
0x54: {  	_ =	shalt  }
0x55: {  	_ =	shalt  }
0x56: {  	_ =	shalt  }
0x57: {  	_ =	shalt  }
0x58: {  	_ =	shalt  }
0x59: {  	_ =	shalt  }
0x5a: {  	_ =	shalt  }
0x5b: {  	_ =	shalt  }
0x5c: {  	_ =	shalt  }
0x5d: {  	_ =	shalt  }
0x5e: {  	_ =	shalt  }
0x5f: {  	_ =	shalt  }
0x60: {  	_ =	shalt  }
0x61: {  	_ =	shalt  }
0x62: {  	_ =	shalt  }
0x63: {  	_ =	shalt  }
0x64: {  	_ =	shalt  }
0x65: {  	_ =	shalt  }
0x66: {  	_ =	shalt  }
0x67: {  	_ =	shalt  }
0x68: {  	_ =	shalt  }
0x69: {  	_ =	shalt  }
0x6a: {  	_ =	shalt  }
0x6b: {  	_ =	shalt  }
0x6c: {  	_ =	shalt  }
0x6d: {  	_ =	shalt  }
0x6e: {  	_ =	shalt  }
0x6f: {  	_ =	shalt  }
0x70: {  	_ =	shalt  }
0x71: {  	_ =	shalt  }
0x72: {  	_ =	shalt  }
0x73: {  	_ =	shalt  }
0x74: {  	_ =	shalt  }
0x75: {  	_ =	shalt  }
0x76: {  	_ =	shalt  }
0x77: {  	_ =	shalt  }
0x78: {  	_ =	shalt  }
0x79: {  	_ =	shalt  }
0x7a: {  	_ =	shalt  }
0x7b: {  	_ =	shalt  }
0x7c: {  	_ =	shalt  }
0x7d: {  	_ =	shalt  }
0x7e: {  	_ =	shalt  }
0x7f: {  	_ =	shalt  }
0x80: {  	_ =	shalt  }
0x81: {  	_ =	shalt  }
0x82: {  	_ =	shalt  }
0x83: {  	_ =	shalt  }
0x84: {  	_ =	shalt  }
0x85: {  	_ =	shalt  }
0x86: {  	_ =	shalt  }
0x87: {  	_ =	shalt  }
.Lfunc_end0:
.L_simem_size_0:
called_computation.1_lowered:
.L_overlay_start_0:
0x88: {  	s2 =	sld [smem:$0x3FD9]  }
0x89: {  	s3 =	sld [smem:$0x3FFE];
	_ =	sdelay $0x1  }
0x8a: {  	s1 =	srdreg.scid  }
0x8b: {  	s0 =	sand.u32 $0x1, s1  }
0x8c: {  	s17 =	sshll.u32 s0, $0xA;
	s2 =	sadd.s32 s3, s2  }
0x8d: {  	s2 =	sadd.s32 s2, s17  }
0x8e: {  	[smem:$0x3FC6] =	sst s2  }
0x8f: {  	_ = 	snop  }
0x90: {  	s2 =	sld [smem:$0x3FD0];
	(tm) =	ssettm $0x1  }
0x91: {  	s18 =	sld [smem:$0x3FFB];
	_ =	sdelay $0x3  }
0x92: {  	_ =	strace s18  }
0x93: {  	s3 =	sld [smem:$0x3FFC];
	_ =	sdelay $0x3  }
0x94: {  	_ =	strace s3  }
0x95: {  	s3 =	sld [smem:$0x3FFD];
	_ =	sdelay $0x3  }
0x96: {  	_ =	strace s3  }
0x97: {  	_ =	strace $0x8FFFFFFF  }
0x98: {  	s19 =	sld [smem:$0x3FDB];
	_ =	sdelay $0x1  }
0x99: {  	s4 =	simm.s32 $_scs_section_size  }
0x9a: {  	s5 =	simm.s32 $_size__tile_overlayer_lowered;
	s6 =	simm.s32 $_tile_overlayer_lowered  }
0x9b: {  	s22 =	simm.s32 $0x1BFF;
	s21 =	sshll.u32 s6, $0x1;
	s3 =	sadd.s32 s4, s19  }
0x9c: {  	s7 =	simm.s32 $0x0;
	s20 =	sshll.u32 s5, $0x1;
	s5 =	sadd.s32 s21, s3  }
0x9d: {  	[timem:s7], [sflag:s22] =	dma.local [hbm:s5], s20  }
0x9e: {  	_ =	swait.ge [sflag:s22], s20  }
0x9f: {  	s4 =	ssub.s32 $0x0, s20;
	[sflag:s22] =	ssyncset.done $0x0  }
0xa0: {  	[sflag:s22] =	ssyncadd.s32 s4;
	_ =	sdelay $0x1  }
0xa1: {  	s23 =	simm.s32 $0x1B8B  }
0xa2: {  	_ =	swait.ge [sflag:s23], $0x1  }
0xa3: {  	[sflag:s23] =	ssyncset.done $0x0  }
0xa4: {  	s25 =	simm.s32 $0x1B8E;
	s24 =	sld [smem:$0x3FFE];
	[sflag:s23] =	ssyncadd.s32 $0xFFFFFFFF  }
0xa5: {  	s26 =	simm.s32 $execute0_lowered;
	[smem:$0x3FD2] =	sst s25  }
0xa6: {  	s5 =	sshll.u32 s26, $0x1;
	_ =	strace $0x80000046;
	[dreg:$0x1] =	wrdreg $0xFFFFFFFF  }
0xa7: {  	s28 =	simm.s32 $_size_execute0_lowered;
	s3 =	sadd.s32 s3, s5;
	[dreg:$0x0] =	wrdreg $0x0  }
0xa8: {  	s5 =	sshll.u32 s28, $0x1;
	[dreg:$0x2] =	wrdreg s3  }
0xa9: {  	[dreg:$0x3] =	wrdreg s5  }
0xaa: {  	[dreg:$0x4] =	wrdreg $0xC0  }
0xab: {  	_ =	task [dreg:s7], $0x5FFFF  }
0xac: {  	[dreg:$0x1] =	wrdreg $0xFFFFFFFF  }
0xad: {  	[dreg:$0x0] =	wrdreg $0x60  }
0xae: {  	[dreg:$0x2] =	wrdreg s2  }
0xaf: {  	[dreg:$0x3] =	wrdreg s24  }
0xb0: {  	[dreg:$0x4] =	wrdreg $0x9  }
0xb1: {  	_ =	task.clear_ibuf [dreg:s7], $0x5FFFF;
	_ =	strace $0x90000046  }
0xb2: {  	s29 =	simm.s32 $0x9;
	_ =	strace $0x80000048  }
0xb3: {  	_ =	swait.ge [sflag:s29], $0x1  }
0xb4: {  	[sflag:s29] =	ssyncadd.s32 $0xFFFFFFFF  }
0xb5: {  	_ =	strace $0x90000048  }
0xb6: {  	_ =	sfence  }
0xb7: {  	s30 =	sld [smem:$0x0];
	_ =	sdelay $0x2  }
0xb8: {  	s31 =	sshll.u32 s1, $0xD;
	s1 =	sshrl.u32 s1, $0x2  }
0xb9: {  	s3 =	sand.u32 $0x4000, s31;
	s1 =	sadd.s32 s1, s30  }
0xba: {  	s0 =	sor.u32 s3, s0;
	s1 =	sshll.u32 s1, $0x11  }
0xbb: {  	s0 =	sor.u32 s1, s0  }
0xbc: {  	s0 =	sadd.s32 $0x8F2B, s0  }
0xbd: {  	[sflag:s0] =	ssyncadd.remote.s32 $0x1  }
0xbe: {  	_ =	sfence.sel $0xFFFF  }
0xbf: {  	[dreg:$0x0] =	wrdreg $0xFFFFFFFF;
	(pc) =	sbr.abs _section_cstart, $3  }
0xc0: {  	[dreg:$0x1] =	wrdreg $0xFFFFFFFF  }
0xc1: {  	_ =	task.clear_ibuf [dreg:s7], $0x2FFFF;
	_ =	strace $0x9FFFFFFF  }
0xc2: {  	(tm) =	ssettm $0x7FFFFFFF  }
0xc3: {  	_ =	shalt  }
tec
execute0_lowered:
.L_overlay_start_1:
0x0: {  	(tag) =	ssettag $0x1  }
0x1: {  	s9 =	rddreg [dreg:$0x0]  }
0x2: {  	s0 =	rddreg [dreg:$0x1]  }
0x3: {  	s1 =	srdreg.scid;
	s2 =	stileid.u32;
	s3 =	simm.s32 $0x0  }
0x4: {  	s16 =	simm.s32 $0x1;
	s1 =	sand.u32 $0x1, s1;
	s4 =	sshll.u32 s2, $0x1  }
0x5: {  	s17 =	simm.s32 $0x2;
	s18 =	simm.s32 $0x3;
	s6 =	sor.u32 s1, s4  }
0x6: {  	[smem:$0x7FF] =	sst s3;
	s5 =	sadd.s32 $0x800, s0;
	s24 =	smul.u32 $0x6400, s6  }
0x7: {  	_ =	strace $0x80000047;
	s1 =	ssub.s32 $0x2, s1;
	s7 =	smul.u32 $0x320000, s6  }
0x8: {  	s6 =	sadd.s32 $0xF42C00, s0;
	s29 =	sadd.s32 $0xFFFFFCE0, s24;
	[dreg:$0x3] =	wrdreg s24  }
0x9: {  	s25 =	sshrl.u32 s1, $0x1;
	s30 =	sor.u32 $0x190, s24;
	[dreg:$0x6] =	wrdreg s29  }
0xa: {  	s0 =	ssub.s32 s1, s25;
	s2 =	sadd.s32 $0xFFFFFE70, s24;
	[dreg:$0x7] =	wrdreg s30  }
0xb: {  	s8 =	sshrl.u32 s24, $0x3;
	s0 =	smax.u32 s0, $0x1;
	[dreg:$0x8] =	wrdreg s2  }
0xc: {  	s28 =	sshrl.u32 s7, $0x3;
	s26 =	sadd.s32 s9, s8;
	[dreg:$0xb] =	wrdreg s0  }
0xd: {  	s1 =	sadd.s32 s6, s28;
	[dreg:$0x4] =	wrdreg s26;
	s4 =	sadd.s32 $0x32, s26  }
0xe: {  	s20 =	simm.s32 $0x5;
	s31 =	sadd.s32 $0x60E00, s1;
	[dreg:$0x5] =	wrdreg s4  }
0xf: {  	s21 =	simm.s32 $0x4;
	s1 =	sadd.s32 $0x62700, s1;
	[dreg:$0x9] =	wrdreg s31  }
0x10: {  	s23 =	simm.s32 $0x6;
	[dreg:$0xa] =	wrdreg s1;
	s1 =	simm.s32 $0x0  }
.LBB2_1:
0x11: {  	[dreg:$0xc] =	wrdreg s1  }
0x12: {  	s0 =	rddreg [dreg:$0x4]  }
0x13: {  	[tilespmem:s3], [sflag:$0x1] =	stream.linear.gather [hbm4b:s0+s3], $0x190, $0x38;
	[tilespmem:$0x19400] =	vst v63  }
0x14: {  	s30 =	rddreg [dreg:$0x5];
	s31 =	simm.s32 $0x200  }
0x15: {  	[tilespmem:s31], [sflag:$0x2] =	stream.linear.gather [hbm4b:s30+s3], $0x190, $0x38;
	[tilespmem:$0x19400] =	vst v63  }
0x16: {  	_ =	swait.ge [sflag:s16], $0x190  }
0x17: {  	[sflag:s16] =	ssyncset.done $0x0  }
0x18: {  	[sflag:s16] =	ssyncadd.s32 $0xFFFFFE70  }
0x19: {  	v0 =	vld [tilespmem:s3+$0x0];
	_ =	sdelay $0x4  }
0x1a: {  	v0 =	vshll.u32 v0, $0x4  }
0x1b: {  	(v2sf) =	vpush v0, $0x0  }
0x1c: {  	(v2sf) =	vpush v0, $0x1  }
0x1d: {  	(v2sf) =	vpush v0, $0x2;
	_ =	sdelay $0x1  }
0x1e: {  	(v2sf) =	vpush v0, $0x4;
	_ =	sdelay $0x1  }
0x1f: {  	(v2sf) =	vpush v0, $0x3  }
0x20: {  	(v2sf) =	vpush v0, $0x5  }
0x21: {  	s26 =	simm.s32 $0x2000;
	s25 =	simm.s32 $0x0;
	s28 =	simm.s32 $0x0;
	(v2sf) =	vpush v0, $0x6  }
.LBB2_2:
0x22: {  	p0 =	sne.s32 s26, $0x30000  }
0x23: {  	s7 =	sadd.s32 $0x480, s25;
	s0 =	sadd.s32 $0x980, s25;
	s29 =	smov.u32 s26  }
0x24: {  	s26 =	sadd.s32 $0x2000, s26;
	s12 =	sadd.s32 $0x780, s25;
	s30 =	sadd.s32 $0xA00, s25;
	(v2sf) =	vpush v0, $0x7  }
0x25: {  	s14 =	sadd.s32 $0x680, s25;
	s8 =	sadd.s32 $0x800, s25;
	s31 =	sadd.s32 $0xA80, s25  }
0x26: {  	s15 =	sadd.s32 $0x400, s25;
	s24 =	sadd.s32 $0x600, s25;
	(v2sf) =	vpush v0, $0x8  }
0x27: {  	s19 =	sadd.s32 $0x700, s25;
	s28 =	sadd.s32 $0x10, s28  }
0x28: {  	s22 =	sadd.s32 $0x500, s25;
	s1 =	sadd.s32 $0x900, s25;
	s13 =	spop (v2sf);
	(v2sf) =	vpush v0, $0x9  }
0x29: {  	s2 =	sand.u32 $0x1FFFFFF0, s13;
	s13 =	sadd.s32 $0x880, s25;
	s4 =	spop (v2sf)  }
0x2a: {  	s2 =	sadd.s32 s5, s2;
	s4 =	sand.u32 $0x1FFFFFF0, s4;
	s9 =	spop (v2sf);
	(v2sf) =	vpush v0, $0xA  }
0x2b: {  	[tilespmem:s15], [sflag:$0x3] =	stream.linear.gather [hbm4b:s2+s3], $0x80, $0x38;
	[tilespmem:$0x19400] =	vst v63  }
0x2c: {  	s2 =	sadd.s32 s5, s4;
	s4 =	sadd.s32 $0x580, s25;
	s15 =	spop (v2sf);
	(v2sf) =	vpush v0, $0xB  }
0x2d: {  	[tilespmem:s7], [sflag:$0x3] =	stream.linear.gather [hbm4b:s2+s3], $0x80, $0x38;
	[tilespmem:$0x19400] =	vst v63  }
0x2e: {  	s2 =	sand.u32 $0x1FFFFFF0, s9;
	s7 =	sand.u32 $0x1FFFFFF0, s15;
	s9 =	spop (v2sf);
	(v2sf) =	vpush v0, $0xC  }
0x2f: {  	s2 =	sadd.s32 s5, s2;
	s9 =	sand.u32 $0x1FFFFFF0, s9;
	s15 =	spop (v2sf)  }
0x30: {  	[tilespmem:s22], [sflag:$0x3] =	stream.linear.gather [hbm4b:s2+s3], $0x80, $0x38;
	(v2sf) =	vpush v0, $0xD;
	[tilespmem:$0x19400] =	vst v63  }
0x31: {  	s2 =	sadd.s32 s5, s9;
	s9 =	sand.u32 $0x1FFFFFF0, s15;
	s15 =	spop (v2sf)  }
0x32: {  	[tilespmem:s4], [sflag:$0x3] =	stream.linear.gather [hbm4b:s2+s3], $0x80, $0x38;
	(v2sf) =	vpush v0, $0xE;
	[tilespmem:$0x19400] =	vst v63  }
0x33: {  	s2 =	sadd.s32 s5, s7;
	s4 =	sand.u32 $0x1FFFFFF0, s15;
	s7 =	spop (v2sf)  }
0x34: {  	[tilespmem:s24], [sflag:$0x3] =	stream.linear.gather [hbm4b:s2+s3], $0x80, $0x38;
	(v2sf) =	vpush v0, $0xF;
	[tilespmem:$0x19400] =	vst v63  }
0x35: {  	s2 =	sadd.s32 s5, s9;
	s7 =	sand.u32 $0x1FFFFFF0, s7;
	s9 =	spop (v2sf)  }
0x36: {  	[tilespmem:s14], [sflag:$0x3] =	stream.linear.gather [hbm4b:s2+s3], $0x80, $0x38;
	[tilespmem:$0x19400] =	vst v63  }
0x37: {  	s2 =	sadd.s32 s5, s4;
	s4 =	sand.u32 $0x1FFFFFF0, s9;
	s9 =	spop (v2sf)  }
0x38: {  	[tilespmem:s19], [sflag:$0x3] =	stream.linear.gather [hbm4b:s2+s3], $0x80, $0x38;
	[tilespmem:$0x19400] =	vst v63  }
0x39: {  	s2 =	sadd.s32 s5, s7;
	s7 =	sand.u32 $0x1FFFFFF0, s9;
	s9 =	spop (v2sf)  }
0x3a: {  	[tilespmem:s12], [sflag:$0x3] =	stream.linear.gather [hbm4b:s2+s3], $0x80, $0x38;
	[tilespmem:$0x19400] =	vst v63  }
0x3b: {  	s2 =	sadd.s32 s5, s4;
	s4 =	sand.u32 $0x1FFFFFF0, s9;
	s9 =	spop (v2sf)  }
0x3c: {  	[tilespmem:s8], [sflag:$0x3] =	stream.linear.gather [hbm4b:s2+s3], $0x80, $0x38;
	[tilespmem:$0x19400] =	vst v63  }
0x3d: {  	s2 =	sadd.s32 s5, s7;
	s7 =	sand.u32 $0x1FFFFFF0, s9;
	s8 =	spop (v2sf)  }
0x3e: {  	[tilespmem:s13], [sflag:$0x3] =	stream.linear.gather [hbm4b:s2+s3], $0x80, $0x38;
	[tilespmem:$0x19400] =	vst v63  }
0x3f: {  	s2 =	sadd.s32 s5, s4;
	s4 =	sand.u32 $0x1FFFFFF0, s8;
	s8 =	spop (v2sf)  }
0x40: {  	[tilespmem:s1], [sflag:$0x3] =	stream.linear.gather [hbm4b:s2+s3], $0x80, $0x38;
	[tilespmem:$0x19400] =	vst v63  }
0x41: {  	s1 =	sadd.s32 s5, s7;
	s2 =	sand.u32 $0x1FFFFFF0, s8;
	s7 =	spop (v2sf)  }
0x42: {  	[tilespmem:s0], [sflag:$0x3] =	stream.linear.gather [hbm4b:s1+s3], $0x80, $0x38;
	[tilespmem:$0x19400] =	vst v63  }
0x43: {  	s0 =	sadd.s32 s5, s4;
	s1 =	sand.u32 $0x1FFFFFF0, s7;
	s4 =	spop (v2sf)  }
0x44: {  	[tilespmem:s30], [sflag:$0x3] =	stream.linear.gather [hbm4b:s0+s3], $0x80, $0x38;
	[tilespmem:$0x19400] =	vst v63  }
0x45: {  	s0 =	sadd.s32 s5, s2;
	s2 =	sand.u32 $0x1FFFFFF0, s4  }
0x46: {  	[tilespmem:s31], [sflag:$0x3] =	stream.linear.gather [hbm4b:s0+s3], $0x80, $0x38;
	[tilespmem:$0x19400] =	vst v63  }
0x47: {  	s1 =	sadd.s32 s5, s1;
	s0 =	sadd.s32 $0xB00, s25  }
0x48: {  	[tilespmem:s0], [sflag:$0x3] =	stream.linear.gather [hbm4b:s1+s3], $0x80, $0x38;
	[tilespmem:$0x19400] =	vst v63  }
0x49: {  	s0 =	sadd.s32 $0xB80, s25;
	s1 =	sadd.s32 s5, s2  }
0x4a: {  	[tilespmem:s0], [sflag:$0x3] =	stream.linear.gather [hbm4b:s1+s3], $0x80, $0x38;
	[tilespmem:$0x19400] =	vst v63  }
0x4b: {  	v0 =	vld [tilespmem:s28+$0x0];
	_ =	sdelay $0x4  }
0x4c: {  	v0 =	vshll.u32 v0, $0x4  }
0x4d: {  	(v2sf) =	vpush v0, $0x0  }
0x4e: {  	(v2sf) =	vpush v0, $0x1  }
0x4f: {  	(v2sf) =	vpush v0, $0x2;
	_ =	sdelay $0x1  }
0x50: {  	(v2sf) =	vpush v0, $0x4  }
.Ltmp0:
0x51: {  	(pc) =	sbr.rel @p0 .LBB2_2-.Ltmp0, $3  }
0x52: {  	(v2sf) =	vpush v0, $0x3  }
0x53: {  	(v2sf) =	vpush v0, $0x5;
	_ =	sdelay $0x1  }
0x54: {  	s25 =	sshra.s32 s29, $0x2;
	(v2sf) =	vpush v0, $0x6  }
0x55: {  	_ =	sdelay $0x1  }
0x56: {  	s2 =	sadd.s32 $0x480, s25;
	s8 =	sadd.s32 $0x980, s25  }
0x57: {  	s4 =	sadd.s32 $0x780, s25;
	s0 =	sadd.s32 $0xA00, s25;
	(v2sf) =	vpush v0, $0x7;
	s7 =	sadd.s32 $0x680, s25  }
0x58: {  	s9 =	sadd.s32 $0x800, s25;
	s1 =	sadd.s32 $0xA80, s25;
	s12 =	sadd.s32 $0x400, s25  }
0x59: {  	s13 =	sadd.s32 $0x600, s25;
	s14 =	sadd.s32 $0x700, s25;
	(v2sf) =	vpush v0, $0x8;
	s15 =	spop (v2sf)  }
0x5a: {  	s19 =	sadd.s32 $0x500, s25;
	s15 =	sand.u32 $0x1FFFFFF0, s15;
	s22 =	spop (v2sf)  }
0x5b: {  	(v2sf) =	vpush v0, $0x9;
	s15 =	sadd.s32 s5, s15;
	s22 =	sand.u32 $0x1FFFFFF0, s22;
	s24 =	spop (v2sf)  }
0x5c: {  	[tilespmem:s12], [sflag:$0x3] =	stream.linear.gather [hbm4b:s15+s3], $0x80, $0x38;
	[tilespmem:$0x19400] =	vst v63  }
0x5d: {  	s26 =	sadd.s32 $0x580, s25;
	(v2sf) =	vpush v0, $0xA;
	s30 =	sadd.s32 s5, s22;
	s31 =	spop (v2sf)  }
0x5e: {  	[tilespmem:s2], [sflag:$0x3] =	stream.linear.gather [hbm4b:s30+s3], $0x80, $0x38;
	[tilespmem:$0x19400] =	vst v63  }
0x5f: {  	s12 =	sadd.s32 $0x900, s25;
	s10 =	sand.u32 $0x1FFFFFF0, s24;
	(v2sf) =	vpush v0, $0xB;
	s11 =	spop (v2sf)  }
0x60: {  	s15 =	sadd.s32 s5, s10;
	s2 =	sadd.s32 $0x880, s25;
	s24 =	sand.u32 $0x1FFFFFF0, s11  }
0x61: {  	(v2sf) =	vpush v0, $0xC;
	[tilespmem:s19], [sflag:$0x3] =	stream.linear.gather [hbm4b:s15+s3], $0x80, $0x38;
	[tilespmem:$0x19400] =	vst v63  }
0x62: {  	s29 =	sand.u32 $0x1FFFFFF0, s31;
	s30 =	spop (v2sf);
	s31 =	sadd.s32 s5, s24  }
0x63: {  	(v2sf) =	vpush v0, $0xD;
	[tilespmem:s26], [sflag:$0x3] =	stream.linear.gather [hbm4b:s31+s3], $0x80, $0x38;
	[tilespmem:$0x19400] =	vst v63  }
0x64: {  	s15 =	sadd.s32 s5, s29;
	s19 =	sand.u32 $0x1FFFFFF0, s30;
	s10 =	spop (v2sf)  }
0x65: {  	(v2sf) =	vpush v0, $0xE;
	[tilespmem:s13], [sflag:$0x3] =	stream.linear.gather [hbm4b:s15+s3], $0x80, $0x38;
	[tilespmem:$0x19400] =	vst v63  }
0x66: {  	s19 =	sadd.s32 s5, s19;
	s11 =	sand.u32 $0x1FFFFFF0, s10;
	s22 =	spop (v2sf)  }
0x67: {  	(v2sf) =	vpush v0, $0xF;
	[tilespmem:s7], [sflag:$0x3] =	stream.linear.gather [hbm4b:s19+s3], $0x80, $0x38;
	[tilespmem:$0x19400] =	vst v63  }
0x68: {  	s24 =	sand.u32 $0x1FFFFFF0, s22;
	s26 =	spop (v2sf);
	s13 =	sadd.s32 s5, s11  }
0x69: {  	[tilespmem:s14], [sflag:$0x3] =	stream.linear.gather [hbm4b:s13+s3], $0x80, $0x38;
	[tilespmem:$0x19400] =	vst v63  }
0x6a: {  	s29 =	sand.u32 $0x1FFFFFF0, s26;
	s7 =	sadd.s32 s5, s24;
	s30 =	spop (v2sf)  }
0x6b: {  	[tilespmem:s4], [sflag:$0x3] =	stream.linear.gather [hbm4b:s7+s3], $0x80, $0x38;
	[tilespmem:$0x19400] =	vst v63  }
0x6c: {  	s13 =	sadd.s32 s5, s29;
	s31 =	sand.u32 $0x1FFFFFF0, s30;
	s10 =	spop (v2sf)  }
0x6d: {  	[tilespmem:s9], [sflag:$0x3] =	stream.linear.gather [hbm4b:s13+s3], $0x80, $0x38;
	[tilespmem:$0x19400] =	vst v63  }
0x6e: {  	s7 =	sand.u32 $0x1FFFFFF0, s10;
	s4 =	sadd.s32 s5, s31;
	s11 =	spop (v2sf)  }
0x6f: {  	[tilespmem:s2], [sflag:$0x3] =	stream.linear.gather [hbm4b:s4+s3], $0x80, $0x38;
	[tilespmem:$0x19400] =	vst v63  }
0x70: {  	s7 =	sadd.s32 s5, s7;
	s13 =	sand.u32 $0x1FFFFFF0, s11;
	s14 =	spop (v2sf)  }
0x71: {  	[tilespmem:s12], [sflag:$0x3] =	stream.linear.gather [hbm4b:s7+s3], $0x80, $0x38;
	[tilespmem:$0x19400] =	vst v63  }
0x72: {  	s2 =	sadd.s32 s5, s13;
	s4 =	sand.u32 $0x1FFFFFF0, s14;
	s15 =	spop (v2sf)  }
0x73: {  	[tilespmem:s8], [sflag:$0x3] =	stream.linear.gather [hbm4b:s2+s3], $0x80, $0x38;
	[tilespmem:$0x19400] =	vst v63  }
0x74: {  	s19 =	sand.u32 $0x1FFFFFF0, s15;
	s4 =	sadd.s32 s5, s4;
	s22 =	spop (v2sf)  }
0x75: {  	[tilespmem:s0], [sflag:$0x3] =	stream.linear.gather [hbm4b:s4+s3], $0x80, $0x38;
	[tilespmem:$0x19400] =	vst v63  }
0x76: {  	s24 =	sand.u32 $0x1FFFFFF0, s22;
	s26 =	spop (v2sf);
	s2 =	sadd.s32 s5, s19  }
0x77: {  	[tilespmem:s1], [sflag:$0x3] =	stream.linear.gather [hbm4b:s2+s3], $0x80, $0x38;
	[tilespmem:$0x19400] =	vst v63  }
0x78: {  	s30 =	sadd.s32 $0xB00, s25;
	s29 =	sand.u32 $0x1FFFFFF0, s26;
	s0 =	sadd.s32 s5, s24  }
0x79: {  	[tilespmem:s30], [sflag:$0x3] =	stream.linear.gather [hbm4b:s0+s3], $0x80, $0x38;
	[tilespmem:$0x19400] =	vst v63  }
0x7a: {  	s31 =	sadd.s32 $0xB80, s25;
	s1 =	sadd.s32 s5, s29  }
0x7b: {  	[tilespmem:s31], [sflag:$0x3] =	stream.linear.gather [hbm4b:s1+s3], $0x80, $0x38;
	[tilespmem:$0x19400] =	vst v63  }
0x7c: {  	_ =	swait.ge [sflag:s17], $0x190  }
0x7d: {  	[sflag:s17] =	ssyncset.done $0x0  }
0x7e: {  	s26 =	simm.s32 $0x200;
	[sflag:s17] =	ssyncadd.s32 $0xFFFFFE70  }
0x7f: {  	v0 =	vld [tilespmem:s26+$0x0];
	_ =	sdelay $0x4  }
0x80: {  	v0 =	vshll.u32 v0, $0x4  }
0x81: {  	(v2sf) =	vpush v0, $0x0  }
0x82: {  	(v2sf) =	vpush v0, $0x1  }
0x83: {  	(v2sf) =	vpush v0, $0x2;
	_ =	sdelay $0x1  }
0x84: {  	(v2sf) =	vpush v0, $0x4;
	_ =	sdelay $0x1  }
0x85: {  	(v2sf) =	vpush v0, $0x3  }
0x86: {  	(v2sf) =	vpush v0, $0x5  }
0x87: {  	s28 =	simm.s32 $0x2000;
	s25 =	simm.s32 $0x0;
	(v2sf) =	vpush v0, $0x6  }
.LBB2_4:
0x88: {  	p0 =	sne.s32 s28, $0x30000  }
0x89: {  	s2 =	sadd.s32 $0xCC80, s25;
	s0 =	sadd.s32 $0xD180, s25;
	s29 =	smov.u32 s28  }
0x8a: {  	s28 =	sadd.s32 $0x2000, s28;
	s12 =	sadd.s32 $0xCF80, s25;
	s30 =	sadd.s32 $0xD200, s25;
	(v2sf) =	vpush v0, $0x7  }
0x8b: {  	s14 =	sadd.s32 $0xCE80, s25;
	s8 =	sadd.s32 $0xD000, s25;
	s31 =	sadd.s32 $0xD280, s25  }
0x8c: {  	s4 =	sadd.s32 $0xCC00, s25;
	s7 =	sadd.s32 $0xCE00, s25;
	(v2sf) =	vpush v0, $0x8  }
0x8d: {  	s9 =	sadd.s32 $0xCF00, s25;
	s26 =	sadd.s32 $0x10, s26  }
0x8e: {  	s15 =	sadd.s32 $0xCD00, s25;
	s1 =	sadd.s32 $0xD100, s25;
	s13 =	spop (v2sf);
	(v2sf) =	vpush v0, $0x9  }
0x8f: {  	s19 =	sand.u32 $0x1FFFFFF0, s13;
	s13 =	sadd.s32 $0xD080, s25;
	s22 =	spop (v2sf)  }
0x90: {  	s19 =	sadd.s32 s5, s19;
	s22 =	sand.u32 $0x1FFFFFF0, s22;
	s24 =	spop (v2sf);
	(v2sf) =	vpush v0, $0xA  }
0x91: {  	[tilespmem:s4], [sflag:$0x4] =	stream.linear.gather [hbm4b:s19+s3], $0x80, $0x38;
	[tilespmem:$0x19400] =	vst v63  }
0x92: {  	s4 =	sadd.s32 s5, s22;
	s19 =	sadd.s32 $0xCD80, s25;
	s22 =	spop (v2sf);
	(v2sf) =	vpush v0, $0xB  }
0x93: {  	[tilespmem:s2], [sflag:$0x4] =	stream.linear.gather [hbm4b:s4+s3], $0x80, $0x38;
	[tilespmem:$0x19400] =	vst v63  }
0x94: {  	s2 =	sand.u32 $0x1FFFFFF0, s24;
	s4 =	sand.u32 $0x1FFFFFF0, s22;
	s22 =	spop (v2sf);
	(v2sf) =	vpush v0, $0xC  }
0x95: {  	s2 =	sadd.s32 s5, s2;
	s22 =	sand.u32 $0x1FFFFFF0, s22;
	s24 =	spop (v2sf)  }
0x96: {  	[tilespmem:s15], [sflag:$0x4] =	stream.linear.gather [hbm4b:s2+s3], $0x80, $0x38;
	(v2sf) =	vpush v0, $0xD;
	[tilespmem:$0x19400] =	vst v63  }
0x97: {  	s2 =	sadd.s32 s5, s22;
	s15 =	sand.u32 $0x1FFFFFF0, s24;
	s22 =	spop (v2sf)  }
0x98: {  	[tilespmem:s19], [sflag:$0x4] =	stream.linear.gather [hbm4b:s2+s3], $0x80, $0x38;
	(v2sf) =	vpush v0, $0xE;
	[tilespmem:$0x19400] =	vst v63  }
0x99: {  	s2 =	sadd.s32 s5, s4;
	s4 =	sand.u32 $0x1FFFFFF0, s22;
	s19 =	spop (v2sf)  }
0x9a: {  	[tilespmem:s7], [sflag:$0x4] =	stream.linear.gather [hbm4b:s2+s3], $0x80, $0x38;
	(v2sf) =	vpush v0, $0xF;
	[tilespmem:$0x19400] =	vst v63  }
0x9b: {  	s2 =	sadd.s32 s5, s15;
	s7 =	sand.u32 $0x1FFFFFF0, s19;
	s15 =	spop (v2sf)  }
0x9c: {  	[tilespmem:s14], [sflag:$0x4] =	stream.linear.gather [hbm4b:s2+s3], $0x80, $0x38;
	[tilespmem:$0x19400] =	vst v63  }
0x9d: {  	s2 =	sadd.s32 s5, s4;
	s4 =	sand.u32 $0x1FFFFFF0, s15;
	s14 =	spop (v2sf)  }
0x9e: {  	[tilespmem:s9], [sflag:$0x4] =	stream.linear.gather [hbm4b:s2+s3], $0x80, $0x38;
	[tilespmem:$0x19400] =	vst v63  }
0x9f: {  	s2 =	sadd.s32 s5, s7;
	s7 =	sand.u32 $0x1FFFFFF0, s14;
	s9 =	spop (v2sf)  }
0xa0: {  	[tilespmem:s12], [sflag:$0x4] =	stream.linear.gather [hbm4b:s2+s3], $0x80, $0x38;
	[tilespmem:$0x19400] =	vst v63  }
0xa1: {  	s2 =	sadd.s32 s5, s4;
	s4 =	sand.u32 $0x1FFFFFF0, s9;
	s9 =	spop (v2sf)  }
0xa2: {  	[tilespmem:s8], [sflag:$0x4] =	stream.linear.gather [hbm4b:s2+s3], $0x80, $0x38;
	[tilespmem:$0x19400] =	vst v63  }
0xa3: {  	s2 =	sadd.s32 s5, s7;
	s7 =	sand.u32 $0x1FFFFFF0, s9;
	s8 =	spop (v2sf)  }
0xa4: {  	[tilespmem:s13], [sflag:$0x4] =	stream.linear.gather [hbm4b:s2+s3], $0x80, $0x38;
	[tilespmem:$0x19400] =	vst v63  }
0xa5: {  	s2 =	sadd.s32 s5, s4;
	s4 =	sand.u32 $0x1FFFFFF0, s8;
	s8 =	spop (v2sf)  }
0xa6: {  	[tilespmem:s1], [sflag:$0x4] =	stream.linear.gather [hbm4b:s2+s3], $0x80, $0x38;
	[tilespmem:$0x19400] =	vst v63  }
0xa7: {  	s1 =	sadd.s32 s5, s7;
	s2 =	sand.u32 $0x1FFFFFF0, s8;
	s7 =	spop (v2sf)  }
0xa8: {  	[tilespmem:s0], [sflag:$0x4] =	stream.linear.gather [hbm4b:s1+s3], $0x80, $0x38;
	[tilespmem:$0x19400] =	vst v63  }
0xa9: {  	s0 =	sadd.s32 s5, s4;
	s1 =	sand.u32 $0x1FFFFFF0, s7;
	s4 =	spop (v2sf)  }
0xaa: {  	[tilespmem:s30], [sflag:$0x4] =	stream.linear.gather [hbm4b:s0+s3], $0x80, $0x38;
	[tilespmem:$0x19400] =	vst v63  }
0xab: {  	s0 =	sadd.s32 s5, s2;
	s2 =	sand.u32 $0x1FFFFFF0, s4  }
0xac: {  	[tilespmem:s31], [sflag:$0x4] =	stream.linear.gather [hbm4b:s0+s3], $0x80, $0x38;
	[tilespmem:$0x19400] =	vst v63  }
0xad: {  	s1 =	sadd.s32 s5, s1;
	s0 =	sadd.s32 $0xD300, s25  }
0xae: {  	[tilespmem:s0], [sflag:$0x4] =	stream.linear.gather [hbm4b:s1+s3], $0x80, $0x38;
	[tilespmem:$0x19400] =	vst v63  }
0xaf: {  	s0 =	sadd.s32 $0xD380, s25;
	s1 =	sadd.s32 s5, s2  }
0xb0: {  	[tilespmem:s0], [sflag:$0x4] =	stream.linear.gather [hbm4b:s1+s3], $0x80, $0x38;
	[tilespmem:$0x19400] =	vst v63  }
0xb1: {  	v0 =	vld [tilespmem:s26+$0x0];
	_ =	sdelay $0x4  }
0xb2: {  	v0 =	vshll.u32 v0, $0x4  }
0xb3: {  	(v2sf) =	vpush v0, $0x0  }
0xb4: {  	(v2sf) =	vpush v0, $0x1  }
0xb5: {  	(v2sf) =	vpush v0, $0x2;
	_ =	sdelay $0x1  }
0xb6: {  	(v2sf) =	vpush v0, $0x4  }
.Ltmp1:
0xb7: {  	(pc) =	sbr.rel @p0 .LBB2_4-.Ltmp1, $3  }
0xb8: {  	(v2sf) =	vpush v0, $0x3  }
0xb9: {  	(v2sf) =	vpush v0, $0x5;
	_ =	sdelay $0x1  }
0xba: {  	s25 =	sshra.s32 s29, $0x2;
	(v2sf) =	vpush v0, $0x6  }
0xbb: {  	_ =	sdelay $0x1  }
0xbc: {  	s2 =	sadd.s32 $0xCC80, s25;
	s8 =	sadd.s32 $0xD180, s25  }
0xbd: {  	s4 =	sadd.s32 $0xCF80, s25;
	s0 =	sadd.s32 $0xD200, s25;
	(v2sf) =	vpush v0, $0x7;
	s7 =	sadd.s32 $0xCE80, s25  }
0xbe: {  	s9 =	sadd.s32 $0xD000, s25;
	s1 =	sadd.s32 $0xD280, s25;
	s12 =	sadd.s32 $0xCC00, s25  }
0xbf: {  	s13 =	sadd.s32 $0xCE00, s25;
	s14 =	sadd.s32 $0xCF00, s25;
	(v2sf) =	vpush v0, $0x8;
	s15 =	spop (v2sf)  }
0xc0: {  	s19 =	sadd.s32 $0xCD00, s25;
	s15 =	sand.u32 $0x1FFFFFF0, s15;
	s22 =	spop (v2sf)  }
0xc1: {  	(v2sf) =	vpush v0, $0x9;
	s15 =	sadd.s32 s5, s15;
	s22 =	sand.u32 $0x1FFFFFF0, s22;
	s24 =	spop (v2sf)  }
0xc2: {  	[tilespmem:s12], [sflag:$0x4] =	stream.linear.gather [hbm4b:s15+s3], $0x80, $0x38;
	[tilespmem:$0x19400] =	vst v63  }
0xc3: {  	s26 =	sadd.s32 $0xCD80, s25;
	(v2sf) =	vpush v0, $0xA;
	s10 =	sadd.s32 s5, s22;
	s11 =	spop (v2sf)  }
0xc4: {  	[tilespmem:s2], [sflag:$0x4] =	stream.linear.gather [hbm4b:s10+s3], $0x80, $0x38;
	[tilespmem:$0x19400] =	vst v63  }
0xc5: {  	s12 =	sadd.s32 $0xD100, s25;
	s28 =	sand.u32 $0x1FFFFFF0, s24;
	(v2sf) =	vpush v0, $0xB;
	s29 =	spop (v2sf)  }
0xc6: {  	s15 =	sadd.s32 s5, s28;
	s2 =	sadd.s32 $0xD080, s25;
	s24 =	sand.u32 $0x1FFFFFF0, s29  }
0xc7: {  	(v2sf) =	vpush v0, $0xC;
	[tilespmem:s19], [sflag:$0x4] =	stream.linear.gather [hbm4b:s15+s3], $0x80, $0x38;
	[tilespmem:$0x19400] =	vst v63  }
0xc8: {  	s30 =	sand.u32 $0x1FFFFFF0, s11;
	s31 =	spop (v2sf);
	s10 =	sadd.s32 s5, s24  }
0xc9: {  	(v2sf) =	vpush v0, $0xD;
	[tilespmem:s26], [sflag:$0x4] =	stream.linear.gather [hbm4b:s10+s3], $0x80, $0x38;
	[tilespmem:$0x19400] =	vst v63  }
0xca: {  	s15 =	sadd.s32 s5, s30;
	s19 =	sand.u32 $0x1FFFFFF0, s31;
	s11 =	spop (v2sf)  }
0xcb: {  	(v2sf) =	vpush v0, $0xE;
	[tilespmem:s13], [sflag:$0x4] =	stream.linear.gather [hbm4b:s15+s3], $0x80, $0x38;
	[tilespmem:$0x19400] =	vst v63  }
0xcc: {  	s19 =	sadd.s32 s5, s19;
	s24 =	sand.u32 $0x1FFFFFF0, s11;
	s26 =	spop (v2sf)  }
0xcd: {  	(v2sf) =	vpush v0, $0xF;
	[tilespmem:s7], [sflag:$0x4] =	stream.linear.gather [hbm4b:s19+s3], $0x80, $0x38;
	[tilespmem:$0x19400] =	vst v63  }
0xce: {  	s28 =	sand.u32 $0x1FFFFFF0, s26;
	s29 =	spop (v2sf);
	s13 =	sadd.s32 s5, s24  }
0xcf: {  	[tilespmem:s14], [sflag:$0x4] =	stream.linear.gather [hbm4b:s13+s3], $0x80, $0x38;
	[tilespmem:$0x19400] =	vst v63  }
0xd0: {  	s30 =	sand.u32 $0x1FFFFFF0, s29;
	s7 =	sadd.s32 s5, s28;
	s31 =	spop (v2sf)  }
0xd1: {  	[tilespmem:s4], [sflag:$0x4] =	stream.linear.gather [hbm4b:s7+s3], $0x80, $0x38;
	[tilespmem:$0x19400] =	vst v63  }
0xd2: {  	s13 =	sadd.s32 s5, s30;
	s10 =	sand.u32 $0x1FFFFFF0, s31;
	s11 =	spop (v2sf)  }
0xd3: {  	[tilespmem:s9], [sflag:$0x4] =	stream.linear.gather [hbm4b:s13+s3], $0x80, $0x38;
	[tilespmem:$0x19400] =	vst v63  }
0xd4: {  	s7 =	sand.u32 $0x1FFFFFF0, s11;
	s4 =	sadd.s32 s5, s10;
	s13 =	spop (v2sf)  }
0xd5: {  	[tilespmem:s2], [sflag:$0x4] =	stream.linear.gather [hbm4b:s4+s3], $0x80, $0x38;
	[tilespmem:$0x19400] =	vst v63  }
0xd6: {  	s7 =	sadd.s32 s5, s7;
	s14 =	sand.u32 $0x1FFFFFF0, s13;
	s15 =	spop (v2sf)  }
0xd7: {  	[tilespmem:s12], [sflag:$0x4] =	stream.linear.gather [hbm4b:s7+s3], $0x80, $0x38;
	[tilespmem:$0x19400] =	vst v63  }
0xd8: {  	s2 =	sadd.s32 s5, s14;
	s4 =	sand.u32 $0x1FFFFFF0, s15;
	s19 =	spop (v2sf)  }
0xd9: {  	[tilespmem:s8], [sflag:$0x4] =	stream.linear.gather [hbm4b:s2+s3], $0x80, $0x38;
	[tilespmem:$0x19400] =	vst v63  }
0xda: {  	s22 =	sand.u32 $0x1FFFFFF0, s19;
	s4 =	sadd.s32 s5, s4;
	s24 =	spop (v2sf)  }
0xdb: {  	[tilespmem:s0], [sflag:$0x4] =	stream.linear.gather [hbm4b:s4+s3], $0x80, $0x38;
	[tilespmem:$0x19400] =	vst v63  }
0xdc: {  	s26 =	sand.u32 $0x1FFFFFF0, s24;
	s28 =	spop (v2sf);
	s2 =	sadd.s32 s5, s22  }
0xdd: {  	[tilespmem:s1], [sflag:$0x4] =	stream.linear.gather [hbm4b:s2+s3], $0x80, $0x38;
	[tilespmem:$0x19400] =	vst v63  }
0xde: {  	s30 =	sadd.s32 $0xD300, s25;
	s29 =	sand.u32 $0x1FFFFFF0, s28;
	s0 =	sadd.s32 s5, s26  }
0xdf: {  	[tilespmem:s30], [sflag:$0x4] =	stream.linear.gather [hbm4b:s0+s3], $0x80, $0x38;
	[tilespmem:$0x19400] =	vst v63  }
0xe0: {  	s31 =	sadd.s32 $0xD380, s25;
	s25 =	simm.s32 $0x1;
	s1 =	sadd.s32 s5, s29  }
0xe1: {  	[tilespmem:s31], [sflag:$0x4] =	stream.linear.gather [hbm4b:s1+s3], $0x80, $0x38;
	[tilespmem:$0x19400] =	vst v63  }
.LBB2_6:
0xe2: {  	s26 =	smul.u32 $0x320, s25;
	_ =	swait.ge [sflag:s18], $0xC800  }
0xe3: {  	s0 =	rddreg [dreg:$0x3];
	[sflag:s18] =	ssyncset.done $0x0  }
0xe4: {  	s0 =	sadd.s32 s0, s26;
	[sflag:s18] =	ssyncadd.s32 $0xFFFF3800  }
0xe5: {  	s0 =	sshrl.u32 s0, $0x3;
	s1 =	rddreg [dreg:$0x0]  }
0xe6: {  	s29 =	simm.s32 $0x0;
	s24 =	rddreg [dreg:$0x6];
	s0 =	sadd.s32 s1, s0  }
0xe7: {  	[tilespmem:s29], [sflag:$0x1] =	stream.linear.gather [hbm4b:s0+s29], $0x190, $0x38;
	[tilespmem:$0x19400] =	vst v63  }
0xe8: {  	s0 =	sadd.s32 s26, s24  }
0xe9: {  	s0 =	sshll.u32 s0, $0x4  }
0xea: {  	s31 =	simm.s32 $0x400;
	s0 =	sadd.s32 s6, s0  }
0xeb: {  	[hbm4b:s0+s29] =	stream.linear.scatter [tilespmem:s31], [sflag:$0x5], $0xC800, $0x38;
	[tilespmem:$0x19400] =	vst v63  }
0xec: {  	_ =	swait.ge [sflag:s20], $0xC800  }
0xed: {  	[sflag:s20] =	ssyncset.done $0x0  }
0xee: {  	[sflag:s20] =	ssyncadd.s32 $0xFFFF3800  }
0xef: {  	_ =	swait.ge [sflag:s16], $0x190  }
0xf0: {  	[sflag:s16] =	ssyncset.done $0x0  }
0xf1: {  	[sflag:s16] =	ssyncadd.s32 $0xFFFFFE70  }
0xf2: {  	v0 =	vld [tilespmem:s29+$0x0];
	_ =	sdelay $0x4  }
0xf3: {  	v0 =	vshll.u32 v0, $0x4  }
0xf4: {  	(v2sf) =	vpush v0, $0x0  }
0xf5: {  	(v2sf) =	vpush v0, $0x1  }
0xf6: {  	(v2sf) =	vpush v0, $0x2;
	_ =	sdelay $0x1  }
0xf7: {  	(v2sf) =	vpush v0, $0x4;
	_ =	sdelay $0x1  }
0xf8: {  	(v2sf) =	vpush v0, $0x3  }
0xf9: {  	(v2sf) =	vpush v0, $0x5  }
0xfa: {  	s30 =	simm.s32 $0x2000;
	s28 =	simm.s32 $0x0;
	(v2sf) =	vpush v0, $0x6  }
.LBB2_7:
0xfb: {  	p0 =	sne.s32 s30, $0x30000  }
0xfc: {  	s2 =	sadd.s32 $0x480, s28;
	s15 =	sadd.s32 $0x980, s28;
	s31 =	smov.u32 s30  }
0xfd: {  	s30 =	sadd.s32 $0x2000, s30;
	s13 =	sadd.s32 $0x780, s28;
	s0 =	sadd.s32 $0xA00, s28;
	(v2sf) =	vpush v0, $0x7  }
0xfe: {  	s7 =	sadd.s32 $0x680, s28;
	s12 =	sadd.s32 $0x800, s28;
	s1 =	sadd.s32 $0xA80, s28  }
0xff: {  	s4 =	sadd.s32 $0x400, s28;
	s9 =	sadd.s32 $0x600, s28;
	(v2sf) =	vpush v0, $0x8  }
0x100: {  	s19 =	sadd.s32 $0x700, s28;
	s29 =	sadd.s32 $0x10, s29  }
0x101: {  	s22 =	sadd.s32 $0x500, s28;
	s8 =	sadd.s32 $0x900, s28;
	s14 =	spop (v2sf);
	(v2sf) =	vpush v0, $0x9  }
0x102: {  	s24 =	sand.u32 $0x1FFFFFF0, s14;
	s14 =	sadd.s32 $0x880, s28;
	s10 =	spop (v2sf)  }
0x103: {  	s24 =	sadd.s32 s5, s24;
	s10 =	sand.u32 $0x1FFFFFF0, s10;
	s11 =	spop (v2sf);
	(v2sf) =	vpush v0, $0xA  }
0x104: {  	[tilespmem:s4], [sflag:$0x3] =	stream.linear.gather [hbm4b:s24+s3], $0x80, $0x38;
	[tilespmem:$0x19400] =	vst v63  }
0x105: {  	s4 =	sadd.s32 s5, s10;
	s10 =	sadd.s32 $0x580, s28;
	s24 =	spop (v2sf);
	(v2sf) =	vpush v0, $0xB  }
0x106: {  	[tilespmem:s2], [sflag:$0x3] =	stream.linear.gather [hbm4b:s4+s3], $0x80, $0x38;
	[tilespmem:$0x19400] =	vst v63  }
0x107: {  	s2 =	sand.u32 $0x1FFFFFF0, s11;
	s4 =	sand.u32 $0x1FFFFFF0, s24;
	s11 =	spop (v2sf);
	(v2sf) =	vpush v0, $0xC  }
0x108: {  	s2 =	sadd.s32 s5, s2;
	s11 =	sand.u32 $0x1FFFFFF0, s11;
	s24 =	spop (v2sf)  }
0x109: {  	[tilespmem:s22], [sflag:$0x3] =	stream.linear.gather [hbm4b:s2+s3], $0x80, $0x38;
	(v2sf) =	vpush v0, $0xD;
	[tilespmem:$0x19400] =	vst v63  }
0x10a: {  	s2 =	sadd.s32 s5, s11;
	s11 =	sand.u32 $0x1FFFFFF0, s24;
	s22 =	spop (v2sf)  }
0x10b: {  	[tilespmem:s10], [sflag:$0x3] =	stream.linear.gather [hbm4b:s2+s3], $0x80, $0x38;
	(v2sf) =	vpush v0, $0xE;
	[tilespmem:$0x19400] =	vst v63  }
0x10c: {  	s2 =	sadd.s32 s5, s4;
	s4 =	sand.u32 $0x1FFFFFF0, s22;
	s10 =	spop (v2sf)  }
0x10d: {  	[tilespmem:s9], [sflag:$0x3] =	stream.linear.gather [hbm4b:s2+s3], $0x80, $0x38;
	(v2sf) =	vpush v0, $0xF;
	[tilespmem:$0x19400] =	vst v63  }
0x10e: {  	s2 =	sadd.s32 s5, s11;
	s9 =	sand.u32 $0x1FFFFFF0, s10;
	s10 =	spop (v2sf)  }
0x10f: {  	[tilespmem:s7], [sflag:$0x3] =	stream.linear.gather [hbm4b:s2+s3], $0x80, $0x38;
	[tilespmem:$0x19400] =	vst v63  }
0x110: {  	s2 =	sadd.s32 s5, s4;
	s4 =	sand.u32 $0x1FFFFFF0, s10;
	s7 =	spop (v2sf)  }
0x111: {  	[tilespmem:s19], [sflag:$0x3] =	stream.linear.gather [hbm4b:s2+s3], $0x80, $0x38;
	[tilespmem:$0x19400] =	vst v63  }
0x112: {  	s2 =	sadd.s32 s5, s9;
	s7 =	sand.u32 $0x1FFFFFF0, s7;
	s9 =	spop (v2sf)  }
0x113: {  	[tilespmem:s13], [sflag:$0x3] =	stream.linear.gather [hbm4b:s2+s3], $0x80, $0x38;
	[tilespmem:$0x19400] =	vst v63  }
0x114: {  	s2 =	sadd.s32 s5, s4;
	s4 =	sand.u32 $0x1FFFFFF0, s9;
	s9 =	spop (v2sf)  }
0x115: {  	[tilespmem:s12], [sflag:$0x3] =	stream.linear.gather [hbm4b:s2+s3], $0x80, $0x38;
	[tilespmem:$0x19400] =	vst v63  }
0x116: {  	s2 =	sadd.s32 s5, s7;
	s7 =	sand.u32 $0x1FFFFFF0, s9;
	s9 =	spop (v2sf)  }
0x117: {  	[tilespmem:s14], [sflag:$0x3] =	stream.linear.gather [hbm4b:s2+s3], $0x80, $0x38;
	[tilespmem:$0x19400] =	vst v63  }
0x118: {  	s2 =	sadd.s32 s5, s4;
	s4 =	sand.u32 $0x1FFFFFF0, s9;
	s9 =	spop (v2sf)  }
0x119: {  	[tilespmem:s8], [sflag:$0x3] =	stream.linear.gather [hbm4b:s2+s3], $0x80, $0x38;
	[tilespmem:$0x19400] =	vst v63  }
0x11a: {  	s2 =	sadd.s32 s5, s7;
	s7 =	sand.u32 $0x1FFFFFF0, s9;
	s8 =	spop (v2sf)  }
0x11b: {  	[tilespmem:s15], [sflag:$0x3] =	stream.linear.gather [hbm4b:s2+s3], $0x80, $0x38;
	[tilespmem:$0x19400] =	vst v63  }
0x11c: {  	s2 =	sadd.s32 s5, s4;
	s4 =	sand.u32 $0x1FFFFFF0, s8;
	s8 =	spop (v2sf)  }
0x11d: {  	[tilespmem:s0], [sflag:$0x3] =	stream.linear.gather [hbm4b:s2+s3], $0x80, $0x38;
	[tilespmem:$0x19400] =	vst v63  }
0x11e: {  	s0 =	sadd.s32 s5, s7;
	s2 =	sand.u32 $0x1FFFFFF0, s8  }
0x11f: {  	[tilespmem:s1], [sflag:$0x3] =	stream.linear.gather [hbm4b:s0+s3], $0x80, $0x38;
	[tilespmem:$0x19400] =	vst v63  }
0x120: {  	s0 =	sadd.s32 $0xB00, s28;
	s1 =	sadd.s32 s5, s4  }
0x121: {  	[tilespmem:s0], [sflag:$0x3] =	stream.linear.gather [hbm4b:s1+s3], $0x80, $0x38;
	[tilespmem:$0x19400] =	vst v63  }
0x122: {  	s0 =	sadd.s32 $0xB80, s28;
	s1 =	sadd.s32 s5, s2  }
0x123: {  	[tilespmem:s0], [sflag:$0x3] =	stream.linear.gather [hbm4b:s1+s3], $0x80, $0x38;
	[tilespmem:$0x19400] =	vst v63  }
0x124: {  	v0 =	vld [tilespmem:s29+$0x0];
	_ =	sdelay $0x4  }
0x125: {  	v0 =	vshll.u32 v0, $0x4  }
0x126: {  	(v2sf) =	vpush v0, $0x0  }
0x127: {  	(v2sf) =	vpush v0, $0x1  }
0x128: {  	(v2sf) =	vpush v0, $0x2;
	_ =	sdelay $0x1  }
0x129: {  	(v2sf) =	vpush v0, $0x4  }
.Ltmp2:
0x12a: {  	(pc) =	sbr.rel @p0 .LBB2_7-.Ltmp2, $3  }
0x12b: {  	(v2sf) =	vpush v0, $0x3  }
0x12c: {  	(v2sf) =	vpush v0, $0x5;
	_ =	sdelay $0x1  }
0x12d: {  	s28 =	sshra.s32 s31, $0x2;
	(v2sf) =	vpush v0, $0x6  }
0x12e: {  	_ =	sdelay $0x4  }
0x12f: {  	s0 =	spop (v2sf)  }
0x130: {  	s0 =	sand.u32 $0x1FFFFFF0, s0;
	s1 =	spop (v2sf)  }
0x131: {  	s2 =	sadd.s32 $0x400, s28;
	(v2sf) =	vpush v0, $0x7;
	s0 =	sadd.s32 s5, s0;
	s1 =	sand.u32 $0x1FFFFFF0, s1  }
0x132: {  	[tilespmem:s2], [sflag:$0x3] =	stream.linear.gather [hbm4b:s0+s3], $0x80, $0x38;
	[tilespmem:$0x19400] =	vst v63  }
0x133: {  	s30 =	sadd.s32 $0x480, s28;
	s31 =	spop (v2sf);
	s1 =	sadd.s32 s5, s1  }
0x134: {  	[tilespmem:s30], [sflag:$0x3] =	stream.linear.gather [hbm4b:s1+s3], $0x80, $0x38;
	[tilespmem:$0x19400] =	vst v63  }
0x135: {  	s4 =	spop (v2sf);
	s1 =	sand.u32 $0x1FFFFFF0, s31  }
0x136: {  	s2 =	sadd.s32 $0x500, s28;
	s0 =	sadd.s32 s5, s1;
	s7 =	spop (v2sf);
	(v2sf) =	vpush v0, $0x8  }
0x137: {  	[tilespmem:s2], [sflag:$0x3] =	stream.linear.gather [hbm4b:s0+s3], $0x80, $0x38;
	[tilespmem:$0x19400] =	vst v63  }
0x138: {  	s0 =	sand.u32 $0x1FFFFFF0, s7;
	(v2sf) =	vpush v0, $0x9  }
0x139: {  	s8 =	sadd.s32 $0x580, s28;
	s9 =	sand.u32 $0x1FFFFFF0, s4;
	s0 =	sadd.s32 s5, s0  }
0x13a: {  	(v2sf) =	vpush v0, $0xA;
	[tilespmem:s8], [sflag:$0x3] =	stream.linear.gather [hbm4b:s0+s3], $0x80, $0x38;
	[tilespmem:$0x19400] =	vst v63  }
0x13b: {  	s10 =	sadd.s32 $0x600, s28;
	s11 =	spop (v2sf);
	s0 =	sadd.s32 s5, s9  }
0x13c: {  	[tilespmem:s10], [sflag:$0x3] =	stream.linear.gather [hbm4b:s0+s3], $0x80, $0x38;
	[tilespmem:$0x19400] =	vst v63  }
0x13d: {  	s0 =	sand.u32 $0x1FFFFFF0, s11  }
0x13e: {  	s12 =	sadd.s32 $0x680, s28;
	s13 =	spop (v2sf);
	s0 =	sadd.s32 s5, s0  }
0x13f: {  	[tilespmem:s12], [sflag:$0x3] =	stream.linear.gather [hbm4b:s0+s3], $0x80, $0x38;
	[tilespmem:$0x19400] =	vst v63  }
0x140: {  	s15 =	spop (v2sf);
	(v2sf) =	vpush v0, $0xB  }
0x141: {  	s0 =	sand.u32 $0x1FFFFFF0, s13  }
0x142: {  	s14 =	sadd.s32 $0x700, s28;
	s0 =	sadd.s32 s5, s0  }
0x143: {  	[tilespmem:s14], [sflag:$0x3] =	stream.linear.gather [hbm4b:s0+s3], $0x80, $0x38;
	[tilespmem:$0x19400] =	vst v63  }
0x144: {  	s0 =	sand.u32 $0x1FFFFFF0, s15  }
0x145: {  	s19 =	sadd.s32 $0x780, s28;
	s0 =	sadd.s32 s5, s0;
	s22 =	spop (v2sf);
	(v2sf) =	vpush v0, $0xC  }
0x146: {  	[tilespmem:s19], [sflag:$0x3] =	stream.linear.gather [hbm4b:s0+s3], $0x80, $0x38;
	[tilespmem:$0x19400] =	vst v63  }
0x147: {  	s30 =	spop (v2sf);
	(v2sf) =	vpush v0, $0xD  }
0x148: {  	s0 =	sand.u32 $0x1FFFFFF0, s22  }
0x149: {  	s24 =	sadd.s32 $0x800, s28;
	s0 =	sadd.s32 s5, s0;
	s1 =	spop (v2sf)  }
0x14a: {  	(v2sf) =	vpush v0, $0xE;
	[tilespmem:s24], [sflag:$0x3] =	stream.linear.gather [hbm4b:s0+s3], $0x80, $0x38;
	[tilespmem:$0x19400] =	vst v63  }
0x14b: {  	s0 =	sand.u32 $0x1FFFFFF0, s30  }
0x14c: {  	s31 =	sadd.s32 $0x880, s28;
	s0 =	sadd.s32 s5, s0  }
0x14d: {  	[tilespmem:s31], [sflag:$0x3] =	stream.linear.gather [hbm4b:s0+s3], $0x80, $0x38;
	[tilespmem:$0x19400] =	vst v63  }
0x14e: {  	s0 =	sand.u32 $0x1FFFFFF0, s1  }
0x14f: {  	s2 =	sadd.s32 $0x900, s28;
	s0 =	sadd.s32 s5, s0;
	s4 =	spop (v2sf);
	(v2sf) =	vpush v0, $0xF  }
0x150: {  	[tilespmem:s2], [sflag:$0x3] =	stream.linear.gather [hbm4b:s0+s3], $0x80, $0x38;
	[tilespmem:$0x19400] =	vst v63  }
0x151: {  	s0 =	sand.u32 $0x1FFFFFF0, s4  }
0x152: {  	s7 =	sadd.s32 $0x980, s28;
	s0 =	sadd.s32 s5, s0  }
0x153: {  	[tilespmem:s7], [sflag:$0x3] =	stream.linear.gather [hbm4b:s0+s3], $0x80, $0x38;
	[tilespmem:$0x19400] =	vst v63  }
0x154: {  	s8 =	spop (v2sf)  }
0x155: {  	s0 =	sand.u32 $0x1FFFFFF0, s8  }
0x156: {  	s9 =	sadd.s32 $0xA00, s28;
	s10 =	spop (v2sf);
	s0 =	sadd.s32 s5, s0  }
0x157: {  	[tilespmem:s9], [sflag:$0x3] =	stream.linear.gather [hbm4b:s0+s3], $0x80, $0x38;
	[tilespmem:$0x19400] =	vst v63  }
0x158: {  	s0 =	sand.u32 $0x1FFFFFF0, s10  }
0x159: {  	s11 =	sadd.s32 $0xA80, s28;
	s12 =	spop (v2sf);
	s0 =	sadd.s32 s5, s0  }
0x15a: {  	[tilespmem:s11], [sflag:$0x3] =	stream.linear.gather [hbm4b:s0+s3], $0x80, $0x38;
	[tilespmem:$0x19400] =	vst v63  }
0x15b: {  	s0 =	sand.u32 $0x1FFFFFF0, s12  }
0x15c: {  	s13 =	sadd.s32 $0xB00, s28;
	s0 =	sadd.s32 s5, s0  }
0x15d: {  	[tilespmem:s13], [sflag:$0x3] =	stream.linear.gather [hbm4b:s0+s3], $0x80, $0x38;
	[tilespmem:$0x19400] =	vst v63  }
0x15e: {  	s14 =	spop (v2sf)  }
0x15f: {  	s0 =	sand.u32 $0x1FFFFFF0, s14  }
0x160: {  	s15 =	sadd.s32 $0xB80, s28;
	s0 =	sadd.s32 s5, s0  }
0x161: {  	[tilespmem:s15], [sflag:$0x3] =	stream.linear.gather [hbm4b:s0+s3], $0x80, $0x38;
	[tilespmem:$0x19400] =	vst v63  }
0x162: {  	_ =	swait.ge [sflag:s21], $0xC800  }
0x163: {  	[sflag:s21] =	ssyncset.done $0x0;
	s19 =	rddreg [dreg:$0x7]  }
0x164: {  	s0 =	sadd.s32 s26, s19;
	[sflag:s21] =	ssyncadd.s32 $0xFFFF3800  }
0x165: {  	s28 =	simm.s32 $0x200;
	s0 =	sshrl.u32 s0, $0x3;
	s22 =	rddreg [dreg:$0x0]  }
0x166: {  	s24 =	simm.s32 $0x0;
	s30 =	rddreg [dreg:$0x8];
	s0 =	sadd.s32 s22, s0  }
0x167: {  	[tilespmem:s28], [sflag:$0x2] =	stream.linear.gather [hbm4b:s0+s24], $0x190, $0x38;
	[tilespmem:$0x19400] =	vst v63  }
0x168: {  	s0 =	sadd.s32 s26, s30  }
0x169: {  	s0 =	sshll.u32 s0, $0x4  }
0x16a: {  	s31 =	simm.s32 $0xCC00;
	s0 =	sadd.s32 s6, s0  }
0x16b: {  	[hbm4b:s0+s24] =	stream.linear.scatter [tilespmem:s31], [sflag:$0x6], $0xC800, $0x38;
	[tilespmem:$0x19400] =	vst v63  }
0x16c: {  	_ =	swait.ge [sflag:s23], $0xC800  }
0x16d: {  	[sflag:s23] =	ssyncset.done $0x0  }
0x16e: {  	[sflag:s23] =	ssyncadd.s32 $0xFFFF3800  }
0x16f: {  	_ =	swait.ge [sflag:s17], $0x190  }
0x170: {  	[sflag:s17] =	ssyncset.done $0x0  }
0x171: {  	[sflag:s17] =	ssyncadd.s32 $0xFFFFFE70  }
0x172: {  	v0 =	vld [tilespmem:s28+$0x0];
	_ =	sdelay $0x4  }
0x173: {  	v0 =	vshll.u32 v0, $0x4  }
0x174: {  	(v2sf) =	vpush v0, $0x0  }
0x175: {  	(v2sf) =	vpush v0, $0x1  }
0x176: {  	(v2sf) =	vpush v0, $0x2;
	_ =	sdelay $0x1  }
0x177: {  	(v2sf) =	vpush v0, $0x4;
	_ =	sdelay $0x1  }
0x178: {  	(v2sf) =	vpush v0, $0x3  }
0x179: {  	(v2sf) =	vpush v0, $0x5  }
0x17a: {  	s29 =	simm.s32 $0x2000;
	s26 =	simm.s32 $0x0;
	(v2sf) =	vpush v0, $0x6  }
.LBB2_9:
0x17b: {  	p0 =	sne.s32 s29, $0x30000  }
0x17c: {  	s2 =	sadd.s32 $0xCC80, s26;
	s15 =	sadd.s32 $0xD180, s26;
	s30 =	smov.u32 s29  }
0x17d: {  	s29 =	sadd.s32 $0x2000, s29;
	s13 =	sadd.s32 $0xCF80, s26;
	s0 =	sadd.s32 $0xD200, s26;
	(v2sf) =	vpush v0, $0x7  }
0x17e: {  	s7 =	sadd.s32 $0xCE80, s26;
	s12 =	sadd.s32 $0xD000, s26;
	s1 =	sadd.s32 $0xD280, s26  }
0x17f: {  	s4 =	sadd.s32 $0xCC00, s26;
	s9 =	sadd.s32 $0xCE00, s26;
	(v2sf) =	vpush v0, $0x8  }
0x180: {  	s10 =	sadd.s32 $0xCF00, s26;
	s28 =	sadd.s32 $0x10, s28  }
0x181: {  	s11 =	sadd.s32 $0xCD00, s26;
	s8 =	sadd.s32 $0xD100, s26;
	s14 =	spop (v2sf);
	(v2sf) =	vpush v0, $0x9  }
0x182: {  	s19 =	sand.u32 $0x1FFFFFF0, s14;
	s14 =	sadd.s32 $0xD080, s26;
	s22 =	spop (v2sf)  }
0x183: {  	s19 =	sadd.s32 s5, s19;
	s22 =	sand.u32 $0x1FFFFFF0, s22;
	s24 =	spop (v2sf);
	(v2sf) =	vpush v0, $0xA  }
0x184: {  	[tilespmem:s4], [sflag:$0x4] =	stream.linear.gather [hbm4b:s19+s3], $0x80, $0x38;
	[tilespmem:$0x19400] =	vst v63  }
0x185: {  	s4 =	sadd.s32 s5, s22;
	s19 =	sadd.s32 $0xCD80, s26;
	s22 =	spop (v2sf);
	(v2sf) =	vpush v0, $0xB  }
0x186: {  	[tilespmem:s2], [sflag:$0x4] =	stream.linear.gather [hbm4b:s4+s3], $0x80, $0x38;
	[tilespmem:$0x19400] =	vst v63  }
0x187: {  	s2 =	sand.u32 $0x1FFFFFF0, s24;
	s4 =	sand.u32 $0x1FFFFFF0, s22;
	s22 =	spop (v2sf);
	(v2sf) =	vpush v0, $0xC  }
0x188: {  	s2 =	sadd.s32 s5, s2;
	s22 =	sand.u32 $0x1FFFFFF0, s22;
	s24 =	spop (v2sf)  }
0x189: {  	[tilespmem:s11], [sflag:$0x4] =	stream.linear.gather [hbm4b:s2+s3], $0x80, $0x38;
	(v2sf) =	vpush v0, $0xD;
	[tilespmem:$0x19400] =	vst v63  }
0x18a: {  	s2 =	sadd.s32 s5, s22;
	s11 =	sand.u32 $0x1FFFFFF0, s24;
	s22 =	spop (v2sf)  }
0x18b: {  	[tilespmem:s19], [sflag:$0x4] =	stream.linear.gather [hbm4b:s2+s3], $0x80, $0x38;
	(v2sf) =	vpush v0, $0xE;
	[tilespmem:$0x19400] =	vst v63  }
0x18c: {  	s2 =	sadd.s32 s5, s4;
	s4 =	sand.u32 $0x1FFFFFF0, s22;
	s19 =	spop (v2sf)  }
0x18d: {  	[tilespmem:s9], [sflag:$0x4] =	stream.linear.gather [hbm4b:s2+s3], $0x80, $0x38;
	(v2sf) =	vpush v0, $0xF;
	[tilespmem:$0x19400] =	vst v63  }
0x18e: {  	s2 =	sadd.s32 s5, s11;
	s9 =	sand.u32 $0x1FFFFFF0, s19;
	s11 =	spop (v2sf)  }
0x18f: {  	[tilespmem:s7], [sflag:$0x4] =	stream.linear.gather [hbm4b:s2+s3], $0x80, $0x38;
	[tilespmem:$0x19400] =	vst v63  }
0x190: {  	s2 =	sadd.s32 s5, s4;
	s4 =	sand.u32 $0x1FFFFFF0, s11;
	s7 =	spop (v2sf)  }
0x191: {  	[tilespmem:s10], [sflag:$0x4] =	stream.linear.gather [hbm4b:s2+s3], $0x80, $0x38;
	[tilespmem:$0x19400] =	vst v63  }
0x192: {  	s2 =	sadd.s32 s5, s9;
	s7 =	sand.u32 $0x1FFFFFF0, s7;
	s9 =	spop (v2sf)  }
0x193: {  	[tilespmem:s13], [sflag:$0x4] =	stream.linear.gather [hbm4b:s2+s3], $0x80, $0x38;
	[tilespmem:$0x19400] =	vst v63  }
0x194: {  	s2 =	sadd.s32 s5, s4;
	s4 =	sand.u32 $0x1FFFFFF0, s9;
	s9 =	spop (v2sf)  }
0x195: {  	[tilespmem:s12], [sflag:$0x4] =	stream.linear.gather [hbm4b:s2+s3], $0x80, $0x38;
	[tilespmem:$0x19400] =	vst v63  }
0x196: {  	s2 =	sadd.s32 s5, s7;
	s7 =	sand.u32 $0x1FFFFFF0, s9;
	s9 =	spop (v2sf)  }
0x197: {  	[tilespmem:s14], [sflag:$0x4] =	stream.linear.gather [hbm4b:s2+s3], $0x80, $0x38;
	[tilespmem:$0x19400] =	vst v63  }
0x198: {  	s2 =	sadd.s32 s5, s4;
	s4 =	sand.u32 $0x1FFFFFF0, s9;
	s9 =	spop (v2sf)  }
0x199: {  	[tilespmem:s8], [sflag:$0x4] =	stream.linear.gather [hbm4b:s2+s3], $0x80, $0x38;
	[tilespmem:$0x19400] =	vst v63  }
0x19a: {  	s2 =	sadd.s32 s5, s7;
	s7 =	sand.u32 $0x1FFFFFF0, s9;
	s8 =	spop (v2sf)  }
0x19b: {  	[tilespmem:s15], [sflag:$0x4] =	stream.linear.gather [hbm4b:s2+s3], $0x80, $0x38;
	[tilespmem:$0x19400] =	vst v63  }
0x19c: {  	s2 =	sadd.s32 s5, s4;
	s4 =	sand.u32 $0x1FFFFFF0, s8;
	s8 =	spop (v2sf)  }
0x19d: {  	[tilespmem:s0], [sflag:$0x4] =	stream.linear.gather [hbm4b:s2+s3], $0x80, $0x38;
	[tilespmem:$0x19400] =	vst v63  }
0x19e: {  	s0 =	sadd.s32 s5, s7;
	s2 =	sand.u32 $0x1FFFFFF0, s8  }
0x19f: {  	[tilespmem:s1], [sflag:$0x4] =	stream.linear.gather [hbm4b:s0+s3], $0x80, $0x38;
	[tilespmem:$0x19400] =	vst v63  }
0x1a0: {  	s0 =	sadd.s32 $0xD300, s26;
	s1 =	sadd.s32 s5, s4  }
0x1a1: {  	[tilespmem:s0], [sflag:$0x4] =	stream.linear.gather [hbm4b:s1+s3], $0x80, $0x38;
	[tilespmem:$0x19400] =	vst v63  }
0x1a2: {  	s0 =	sadd.s32 $0xD380, s26;
	s1 =	sadd.s32 s5, s2  }
0x1a3: {  	[tilespmem:s0], [sflag:$0x4] =	stream.linear.gather [hbm4b:s1+s3], $0x80, $0x38;
	[tilespmem:$0x19400] =	vst v63  }
0x1a4: {  	v0 =	vld [tilespmem:s28+$0x0];
	_ =	sdelay $0x4  }
0x1a5: {  	v0 =	vshll.u32 v0, $0x4  }
0x1a6: {  	(v2sf) =	vpush v0, $0x0  }
0x1a7: {  	(v2sf) =	vpush v0, $0x1  }
0x1a8: {  	(v2sf) =	vpush v0, $0x2;
	_ =	sdelay $0x1  }
0x1a9: {  	(v2sf) =	vpush v0, $0x4  }
.Ltmp3:
0x1aa: {  	(pc) =	sbr.rel @p0 .LBB2_9-.Ltmp3, $3  }
0x1ab: {  	(v2sf) =	vpush v0, $0x3  }
0x1ac: {  	(v2sf) =	vpush v0, $0x5;
	_ =	sdelay $0x1  }
0x1ad: {  	s26 =	sshra.s32 s30, $0x2;
	(v2sf) =	vpush v0, $0x6  }
0x1ae: {  	_ =	sdelay $0x1  }
0x1af: {  	s2 =	sadd.s32 $0xCC80, s26;
	s8 =	sadd.s32 $0xD180, s26  }
0x1b0: {  	s4 =	sadd.s32 $0xCF80, s26;
	s0 =	sadd.s32 $0xD200, s26;
	(v2sf) =	vpush v0, $0x7;
	s7 =	sadd.s32 $0xCE80, s26  }
0x1b1: {  	s9 =	sadd.s32 $0xD000, s26;
	s1 =	sadd.s32 $0xD280, s26;
	s10 =	sadd.s32 $0xCC00, s26  }
0x1b2: {  	s11 =	sadd.s32 $0xCE00, s26;
	s12 =	sadd.s32 $0xCF00, s26;
	(v2sf) =	vpush v0, $0x8;
	s13 =	spop (v2sf)  }
0x1b3: {  	s14 =	sadd.s32 $0xCD00, s26;
	s13 =	sand.u32 $0x1FFFFFF0, s13;
	s15 =	spop (v2sf)  }
0x1b4: {  	(v2sf) =	vpush v0, $0x9;
	s13 =	sadd.s32 s5, s13;
	s15 =	sand.u32 $0x1FFFFFF0, s15;
	s19 =	spop (v2sf)  }
0x1b5: {  	[tilespmem:s10], [sflag:$0x4] =	stream.linear.gather [hbm4b:s13+s3], $0x80, $0x38;
	[tilespmem:$0x19400] =	vst v63  }
0x1b6: {  	s22 =	sadd.s32 $0xCD80, s26;
	(v2sf) =	vpush v0, $0xA;
	s30 =	sadd.s32 s5, s15;
	s31 =	spop (v2sf)  }
0x1b7: {  	[tilespmem:s2], [sflag:$0x4] =	stream.linear.gather [hbm4b:s30+s3], $0x80, $0x38;
	[tilespmem:$0x19400] =	vst v63  }
0x1b8: {  	s10 =	sadd.s32 $0xD100, s26;
	s19 =	sand.u32 $0x1FFFFFF0, s19;
	(v2sf) =	vpush v0, $0xB;
	s24 =	spop (v2sf)  }
0x1b9: {  	s13 =	sadd.s32 s5, s19;
	s2 =	sadd.s32 $0xD080, s26;
	s19 =	sand.u32 $0x1FFFFFF0, s24  }
0x1ba: {  	(v2sf) =	vpush v0, $0xC;
	[tilespmem:s14], [sflag:$0x4] =	stream.linear.gather [hbm4b:s13+s3], $0x80, $0x38;
	[tilespmem:$0x19400] =	vst v63  }
0x1bb: {  	s28 =	sand.u32 $0x1FFFFFF0, s31;
	s29 =	spop (v2sf);
	s30 =	sadd.s32 s5, s19  }
0x1bc: {  	(v2sf) =	vpush v0, $0xD;
	[tilespmem:s22], [sflag:$0x4] =	stream.linear.gather [hbm4b:s30+s3], $0x80, $0x38;
	[tilespmem:$0x19400] =	vst v63  }
0x1bd: {  	s13 =	sadd.s32 s5, s28;
	s14 =	sand.u32 $0x1FFFFFF0, s29;
	s31 =	spop (v2sf)  }
0x1be: {  	[tilespmem:s11], [sflag:$0x4] =	stream.linear.gather [hbm4b:s13+s3], $0x80, $0x38;
	[tilespmem:$0x19400] =	vst v63  }
0x1bf: {  	s14 =	sadd.s32 s5, s14;
	s15 =	sand.u32 $0x1FFFFFF0, s31;
	s19 =	spop (v2sf)  }
0x1c0: {  	(v2sf) =	vpush v0, $0xE;
	[tilespmem:s7], [sflag:$0x4] =	stream.linear.gather [hbm4b:s14+s3], $0x80, $0x38;
	[tilespmem:$0x19400] =	vst v63  }
0x1c1: {  	s22 =	sand.u32 $0x1FFFFFF0, s19;
	s24 =	spop (v2sf);
	s11 =	sadd.s32 s5, s15  }
0x1c2: {  	(v2sf) =	vpush v0, $0xF;
	[tilespmem:s12], [sflag:$0x4] =	stream.linear.gather [hbm4b:s11+s3], $0x80, $0x38;
	[tilespmem:$0x19400] =	vst v63  }
0x1c3: {  	s28 =	sand.u32 $0x1FFFFFF0, s24;
	s7 =	sadd.s32 s5, s22;
	s29 =	spop (v2sf)  }
0x1c4: {  	[tilespmem:s4], [sflag:$0x4] =	stream.linear.gather [hbm4b:s7+s3], $0x80, $0x38;
	[tilespmem:$0x19400] =	vst v63  }
0x1c5: {  	s11 =	sadd.s32 s5, s28;
	s30 =	sand.u32 $0x1FFFFFF0, s29;
	s31 =	spop (v2sf)  }
0x1c6: {  	[tilespmem:s9], [sflag:$0x4] =	stream.linear.gather [hbm4b:s11+s3], $0x80, $0x38;
	[tilespmem:$0x19400] =	vst v63  }
0x1c7: {  	s7 =	sand.u32 $0x1FFFFFF0, s31;
	s4 =	sadd.s32 s5, s30;
	s12 =	spop (v2sf)  }
0x1c8: {  	[tilespmem:s2], [sflag:$0x4] =	stream.linear.gather [hbm4b:s4+s3], $0x80, $0x38;
	[tilespmem:$0x19400] =	vst v63  }
0x1c9: {  	s7 =	sadd.s32 s5, s7;
	s13 =	sand.u32 $0x1FFFFFF0, s12;
	s14 =	spop (v2sf)  }
0x1ca: {  	[tilespmem:s10], [sflag:$0x4] =	stream.linear.gather [hbm4b:s7+s3], $0x80, $0x38;
	[tilespmem:$0x19400] =	vst v63  }
0x1cb: {  	s2 =	sadd.s32 s5, s13;
	s4 =	sand.u32 $0x1FFFFFF0, s14;
	s15 =	spop (v2sf)  }
0x1cc: {  	[tilespmem:s8], [sflag:$0x4] =	stream.linear.gather [hbm4b:s2+s3], $0x80, $0x38;
	[tilespmem:$0x19400] =	vst v63  }
0x1cd: {  	s25 =	sadd.s32 $0x1, s25;
	s19 =	sand.u32 $0x1FFFFFF0, s15;
	s4 =	sadd.s32 s5, s4  }
0x1ce: {  	[tilespmem:s0], [sflag:$0x4] =	stream.linear.gather [hbm4b:s4+s3], $0x80, $0x38;
	[tilespmem:$0x19400] =	vst v63  }
0x1cf: {  	p0 =	sne.s32 s25, $0x20;
	s22 =	spop (v2sf);
	s2 =	sadd.s32 s5, s19  }
0x1d0: {  	[tilespmem:s1], [sflag:$0x4] =	stream.linear.gather [hbm4b:s2+s3], $0x80, $0x38;
	[tilespmem:$0x19400] =	vst v63  }
.Ltmp4:
0x1d1: {  	s24 =	sand.u32 $0x1FFFFFF0, s22;
	s28 =	spop (v2sf);
	(pc) =	sbr.rel @p0 .LBB2_6-.Ltmp4, $4  }
0x1d2: {  	s30 =	sadd.s32 $0xD300, s26;
	s29 =	sand.u32 $0x1FFFFFF0, s28;
	s0 =	sadd.s32 s5, s24  }
0x1d3: {  	[tilespmem:s30], [sflag:$0x4] =	stream.linear.gather [hbm4b:s0+s3], $0x80, $0x38;
	[tilespmem:$0x19400] =	vst v63  }
0x1d4: {  	s31 =	sadd.s32 $0xD380, s26;
	s1 =	sadd.s32 s5, s29  }
0x1d5: {  	[tilespmem:s31], [sflag:$0x4] =	stream.linear.gather [hbm4b:s1+s3], $0x80, $0x38;
	[tilespmem:$0x19400] =	vst v63  }
0x1d6: {  	_ =	swait.ge [sflag:s18], $0xC800  }
0x1d7: {  	[sflag:s18] =	ssyncset.done $0x0  }
0x1d8: {  	s1 =	simm.s32 $0x400;
	s0 =	rddreg [dreg:$0x9];
	[sflag:s18] =	ssyncadd.s32 $0xFFFF3800  }
0x1d9: {  	[hbm4b:s0+s3] =	stream.linear.scatter [tilespmem:s1], [sflag:$0x5], $0xC800, $0x38;
	[tilespmem:$0x19400] =	vst v63  }
0x1da: {  	_ =	swait.ge [sflag:s21], $0xC800  }
0x1db: {  	[sflag:s21] =	ssyncset.done $0x0  }
0x1dc: {  	s29 =	simm.s32 $0xCC00;
	s28 =	rddreg [dreg:$0xa];
	[sflag:s21] =	ssyncadd.s32 $0xFFFF3800  }
0x1dd: {  	[hbm4b:s28+s3] =	stream.linear.scatter [tilespmem:s29], [sflag:$0x6], $0xC800, $0x38;
	[tilespmem:$0x19400] =	vst v63  }
0x1de: {  	_ =	swait.ge [sflag:s20], $0xC800  }
0x1df: {  	[sflag:s20] =	ssyncset.done $0x0  }
0x1e0: {  	[sflag:s20] =	ssyncadd.s32 $0xFFFF3800  }
0x1e1: {  	_ =	swait.ge [sflag:s23], $0xC800  }
0x1e2: {  	s30 =	rddreg [dreg:$0xc]  }
0x1e3: {  	s31 =	rddreg [dreg:$0xb];
	s1 =	sadd.s32 $0x1, s30  }
0x1e4: {  	p0 =	sne.s32 s1, s31  }
.Ltmp5:
0x1e5: {  	_ = 	snop;
	(pc) =	sbr.rel @p0 .LBB2_1-.Ltmp5, $3  }
0x1e6: {  	_ =	sdelay $0x1  }
0x1e7: {  	[sflag:s23] =	ssyncset.done $0x0  }
0x1e8: {  	[sflag:s23] =	ssyncadd.s32 $0xFFFF3800  }
0x1e9: {  	_ =	sfence.sel $0x180000  }
0x1ea: {  	[bflag:$0x0] =	sbarrier.arrive $0xFFFF  }
0x1eb: {  	_ =	strace $0x90000047  }
0x1ec: {  	s0 =	stileid.u32;
	[bflag:$0x2] =	sbarrier.arrive $0xFFFF  }
0x1ed: {  	p0 =	sne.s32 s0, $0x0;
	s0 =	rddreg [dreg:$0x2]  }
0x1ee: {  	s0 =	sadd.s32 @!p0 $0x100000, s0  }
0x1ef: {  	[sflag:s0] =	ssyncadd.tile.s32 @!p0 $0x1;
	_ =	shalt  }
.Lfunc_end2:
_tile_overlayer_lowered:
.L_overlay_start_2:
0x1f0: {  	(tag) =	ssettag $0x2  }
0x1f1: {  	s0 =	rddreg [dreg:$0x0];
	s2 =	stileid.u32  }
0x1f2: {  	s1 =	rddreg [dreg:$0x1];
	p0 =	sne.s32 s2, $0x0  }
0x1f3: {  	s3 =	rddreg [dreg:$0x2];
	[bflag:$0x3] =	sbarrier.arrive $0xFFFF;
	s2 =	simm.s32 @!p0 $0x1C07  }
0x1f4: {  	[timem:s3], [sflag:s2] =	dma.local @!p0 [hbm:s0], s1  }
0x1f5: {  	s0 =	simm.s32 @!p0 $0x7  }
0x1f6: {  	_ =	swait.ge @!p0 [sflag:s0], s1  }
0x1f7: {  	s1 =	ssub.s32 @!p0 $0x0, s1;
	[sflag:s0] =	ssyncset.done @!p0 $0x0  }
0x1f8: {  	[sflag:s0] =	ssyncadd.s32 @!p0 s1  }
0x1f9: {  	[bflag:$0x3] =	sbarrier.arrive $0xFFFF  }
0x1fa: {  	_ =	shalt  }

// kernel: sparse-core-data-format-call.cloned.1.call-start
scs
called_computation_lowered:
.L_overlay_start_0:
0x0: {  	s2 =	sld [smem:$0x3FD9]  }
0x1: {  	s3 =	sld [smem:$0x3FFE];
	_ =	sdelay $0x1  }
0x2: {  	s1 =	srdreg.scid  }
0x3: {  	s0 =	sand.u32 $0x1, s1  }
0x4: {  	s18 =	sshll.u32 s0, $0xA;
	s2 =	sadd.s32 s3, s2  }
0x5: {  	s2 =	sadd.s32 s2, s18  }
0x6: {  	[smem:$0x3FC6] =	sst s2  }
0x7: {  	_ = 	snop  }
0x8: {  	s2 =	sld [smem:$0x3FD0];
	(tm) =	ssettm $0x1  }
0x9: {  	s19 =	sld [smem:$0x3FFB];
	_ =	sdelay $0x3  }
0xa: {  	_ =	strace s19  }
0xb: {  	s3 =	sld [smem:$0x3FFC];
	_ =	sdelay $0x3  }
0xc: {  	_ =	strace s3  }
0xd: {  	s3 =	sld [smem:$0x3FFD];
	_ =	sdelay $0x3  }
0xe: {  	_ =	strace s3  }
0xf: {  	_ =	strace $0x8FFFFFFF  }
0x10: {  	s20 =	sld [smem:$0x3FDB];
	_ =	sdelay $0x1  }
0x11: {  	s4 =	simm.s32 $_scs_section_size  }
0x12: {  	s5 =	simm.s32 $_size__tile_overlayer_lowered;
	s6 =	simm.s32 $_tile_overlayer_lowered  }
0x13: {  	s23 =	simm.s32 $0x1BFF;
	s22 =	sshll.u32 s6, $0x1;
	s3 =	sadd.s32 s4, s20  }
0x14: {  	s7 =	simm.s32 $0x0;
	s21 =	sshll.u32 s5, $0x1;
	s5 =	sadd.s32 s22, s3  }
0x15: {  	[timem:s7], [sflag:s23] =	dma.local [hbm:s5], s21  }
0x16: {  	_ =	swait.ge [sflag:s23], s21  }
0x17: {  	s4 =	ssub.s32 $0x0, s21;
	[sflag:s23] =	ssyncset.done $0x0  }
0x18: {  	[sflag:s23] =	ssyncadd.s32 s4;
	_ =	sdelay $0x1  }
0x19: {  	s24 =	simm.s32 $0x1B8B  }
0x1a: {  	_ =	swait.ge [sflag:s24], $0x1  }
0x1b: {  	[sflag:s24] =	ssyncset.done $0x0  }
0x1c: {  	s26 =	simm.s32 $0x1B8E;
	s25 =	sld [smem:$0x3FFE];
	[sflag:s24] =	ssyncadd.s32 $0xFFFFFFFF  }
0x1d: {  	s27 =	simm.s32 $execute0_lowered;
	[smem:$0x3FD2] =	sst s26  }
0x1e: {  	s5 =	sshll.u32 s27, $0x1;
	_ =	strace $0x80000049;
	[dreg:$0x1] =	wrdreg $0xFFFFFFFF  }
0x1f: {  	s28 =	simm.s32 $_size_execute0_lowered;
	s3 =	sadd.s32 s3, s5;
	[dreg:$0x0] =	wrdreg $0x0  }
0x20: {  	s5 =	sshll.u32 s28, $0x1;
	[dreg:$0x2] =	wrdreg s3  }
0x21: {  	[dreg:$0x3] =	wrdreg s5  }
0x22: {  	[dreg:$0x4] =	wrdreg $0xC0  }
0x23: {  	_ =	task [dreg:s7], $0x5FFFF  }
0x24: {  	[dreg:$0x1] =	wrdreg $0xFFFFFFFF  }
0x25: {  	[dreg:$0x0] =	wrdreg $0x60  }
0x26: {  	[dreg:$0x2] =	wrdreg s25  }
0x27: {  	[dreg:$0x3] =	wrdreg s2  }
0x28: {  	[dreg:$0x4] =	wrdreg $0x9  }
0x29: {  	_ =	task.clear_ibuf [dreg:s7], $0x5FFFF;
	_ =	strace $0x90000049  }
0x2a: {  	s29 =	simm.s32 $0x9;
	_ =	strace $0x8000004B  }
0x2b: {  	_ =	swait.ge [sflag:s29], $0x1  }
0x2c: {  	[sflag:s29] =	ssyncadd.s32 $0xFFFFFFFF  }
0x2d: {  	_ =	strace $0x9000004B  }
0x2e: {  	_ =	sfence  }
0x2f: {  	s30 =	sld [smem:$0x0];
	_ =	sdelay $0x2  }
0x30: {  	s31 =	sshll.u32 s1, $0xD;
	s1 =	sshrl.u32 s1, $0x2  }
0x31: {  	s3 =	sand.u32 $0x4000, s31;
	s1 =	sadd.s32 s1, s30  }
0x32: {  	s0 =	sor.u32 s3, s0;
	s1 =	sshll.u32 s1, $0x11  }
0x33: {  	s0 =	sor.u32 s1, s0  }
0x34: {  	s0 =	sadd.s32 $0x8F2B, s0  }
0x35: {  	[sflag:s0] =	ssyncadd.remote.s32 $0x1  }
0x36: {  	_ =	sfence.sel $0xFFFF  }
0x37: {  	[dreg:$0x0] =	wrdreg $0xFFFFFFFF;
	(pc) =	sbr.abs _section_cstart, $3  }
0x38: {  	[dreg:$0x1] =	wrdreg $0xFFFFFFFF  }
0x39: {  	_ =	task.clear_ibuf [dreg:s7], $0x2FFFF;
	_ =	strace $0x9FFFFFFF  }
0x3a: {  	(tm) =	ssettm $0x7FFFFFFF  }
0x3b: {  	_ =	shalt  }
tec
execute0_lowered:
.L_overlay_start_1:
0x0: {  	(tag) =	ssettag $0x1  }
0x1: {  	s0 =	srdreg.scid  }
0x2: {  	s1 =	sshll.u32 s0, $0x4  }
0x3: {  	s0 =	stileid.u32;
	s1 =	sand.u32 $0x10, s1  }
0x4: {  	s1 =	sor.u32 s0, s1  }
0x5: {  	s6 =	rddreg [dreg:$0x0];
	s4 =	simm.s32 $0x1;
	s2 =	sshll.u32 s1, $0x7  }
0x6: {  	s7 =	simm.s32 $0x2;
	s12 =	simm.s32 $0x0;
	s1 =	ssub.s32 $0x1000, s2  }
0x7: {  	s8 =	simm.s32 $0x8000;
	s13 =	simm.s32 $0x0;
	s3 =	sand.u32 $0xF80, s1  }
0x8: {  	s9 =	simm.s32 $0x0;
	s5 =	sshrl.u32 s1, $0xC;
	p0 =	sne.s32 s3, $0x0  }
.Ltmp0:
0x9: {  	s1 =	rddreg [dreg:$0x2];
	s4 =	simm.s32 @!p0 $0x0;
	(pc) =	sbr.rel .LBB1_1-.Ltmp0, $4  }
0xa: {  	s11 =	simm.s32 $0x0;
	s3 =	rddreg [dreg:$0x1];
	s5 =	sadd.s32 s4, s5  }
0xb: {  	_ =	strace $0x8000004A;
	s4 =	simm.s32 $0x1;
	s5 =	smul.u32 $0xC8, s5  }
0xc: {  	s6 =	sadd.s32 $0xF42C00, s6;
	s10 =	smov.u32 s2;
	[sflag:s4] =	ssyncpa.u1 $0x0  }
0xd: {  	p0 =	por $0x0, $0x0;
	[sflag:s7] =	ssyncpa.u1 $0x0;
	s7 =	sor.u32 $0x1, s5  }
.LBB1_4:
0xe: {  	s16 =	sshll.u32 s13, $0x3;
	s17 =	sand.u32 $0x78, s13  }
0xf: {  	s30 =	sand.u32 $0x7E00, s13;
	s12 =	sshll.u32 s12, $0xF;
	s16 =	sand.u32 $0xC00, s16  }
0x10: {  	[tilespmem:s15+$0x810 ss:$0x81] =	vst.msk $0xffff, v2;
	s31 =	sand.u32 $0x7, s13;
	s16 =	sor.u32 s17, s16;
	s17 =	sadd.s32 s3, s30  }
0x11: {  	[tilespmem:s15+$0x1020 ss:$0x81] =	vst.msk $0xffff, v0;
	s13 =	sshll.u32 s31, $0x12;
	s12 =	sadd.s32 s12, s17;
	s16 =	sshrl.u32 s16, $0x3  }
0x12: {  	[tilespmem:s15+$0x0 ss:$0x81] =	vst.msk $0xffff, v1;
	s13 =	sor.u32 $0x400, s13;
	s12 =	sadd.s32 s16, s12  }
0x13: {  	[hbm4b:s12+s13] =	stream.strided.scatter [tilespmem:s14], [sflag:$0x2], $0x2000, s8, s13, $0x20;
	[tilespmem:$0x8080] =	vst v63  }
.LBB1_5:
0x14: {  	s14 =	sadd.s32 $0x1, s9  }
0x15: {  	s12 =	sadd.s32 $0x1000, s10;
	s16 =	smov.u32 s10;
	p2 =	sgt.s32 s14, $0xC7  }
0x16: {  	s16 =	smov.u32 @p2 s12  }
0x17: {  	s14 =	simm.s32 @p2 $0x0;
	p2 =	sgt.s32 s16, $0xFFF  }
0x18: {  	s16 =	smov.u32 @p2 s2;
	p2 =	sne.s32 s11, s7  }
.Ltmp1:
0x19: {  	p1 =	slt.u32 s11, $0x2;
	(pc) =	sbr.rel @!p2 .LBB1_6-.Ltmp1, $4  }
0x1a: {  	s15 =	simm.s32 @!p1 $0x2  }
0x1b: {  	s13 =	smov.u32 s10;
	p0 =	por !p0, !p0;
	_ =	swait.ge @!p1 [sflag:s15], $0x2000  }
0x1c: {  	s12 =	smov.u32 s9;
	[sflag:s15] =	ssyncset.done @!p1 $0x0;
	s9 =	smov.u32 s14  }
0x1d: {  	s11 =	sadd.s32 $0x1, s11;
	[sflag:s15] =	ssyncadd.s32 @!p1 $0xFFFFE000;
	s10 =	smov.u32 s16  }
.LBB1_1:
0x1e: {  	p1 =	sge.u32 s11, s5  }
0x1f: {  	s14 =	sand.u32 @!p1 $0x1FFFFFF, s9  }
0x20: {  	s15 =	smulhi.u32 @!p1 $0x147AE15, s14;
	_ =	sdelay $0x1  }
0x21: {  	s15 =	smul.u32 @!p1 $0xC8, s15  }
0x22: {  	s16 =	sxor.u32 @!p1 $0xFFFFFFFF, s11;
	s17 =	smul.u32 @!p1 $0xC80, s10  }
0x23: {  	s31 =	sadd.s32 $0xFFFFFFFF, s11;
	s16 =	sshll.u32 @!p1 s16, $0xD;
	s14 =	ssub.s32 @!p1 s14, s15  }
0x24: {  	s15 =	sand.u32 @!p1 $0x2000, s16;
	s16 =	sadd.s32 @!p1 s6, s17;
	s14 =	sshll.u32 @!p1 s14, $0x4  }
0x25: {  	s17 =	simm.s32 @!p1 $0x6400;
	s14 =	sadd.s32 @!p1 s14, s16;
	s16 =	simm.s32 @!p1 $0x40  }
0x26: {  	[tilespmem:s15], [sflag:$0x1] =	stream.strided.gather @!p1 [hbm4b:s14+s16], $0x2000, s17, s16, $0x38;
	[tilespmem:$0x8080] =	vst v63  }
0x27: {  	p1 =	sge.u32 s31, s5  }
.Ltmp2:
0x28: {  	_ = 	snop;
	(pc) =	sbr.rel @p1 .LBB1_5-.Ltmp2, $1  }
0x29: {  	_ =	sdelay $0x3  }
0x2a: {  	s14 =	simm.s32 $0x1  }
0x2b: {  	_ =	swait.ge [sflag:s4], $0x2000;
	s14 =	simm.s32 @!p0 $0x0  }
0x2c: {  	[sflag:s4] =	ssyncset.done $0x0;
	s15 =	sshll.u32 s14, $0xD  }
0x2d: {  	[sflag:s4] =	ssyncadd.s32 $0xFFFFE000;
	s18 =	sor.u32 $0x20, s15  }
0x2e: {  	s14 =	smul.u32 $0x8100, s14;
	v3 =	vld [tilespmem:s18+$0x10]  }
0x2f: {  	s30 =	sand.u32 $0x1, s11;
	v2 =	vld [tilespmem:s18+$0xFFFFFFF0]  }
0x30: {  	s15 =	smul.u32 $0x8100, s30;
	s14 =	sshrl.u32 s14, $0x2;
	v0 =	vld [tilespmem:s18+$0x0]  }
0x31: {  	v1 =	vld [tilespmem:s18+$0xFFFFFFE0];
	s16 =	sor.u32 $0x4000, s14  }
0x32: {  	s31 =	sshrl.u32 s15, $0x2;
	s15 =	sadd.s32 $0x0, s16  }
0x33: {  	s17 =	simm.s32 $0x4;
	s18 =	sadd.s32 $0x40, s18;
	s14 =	sor.u32 $0x4000, s31;
	[tilespmem:s15+$0x1830 ss:$0x81] =	vst.msk $0xffff, v3  }
.LBB1_3:
0x34: {  	v3 =	vld [tilespmem:s18+$0x10];
	p1 =	sne.s32 s17, $0x1FC;
	[tilespmem:s15+$0x810 ss:$0x81] =	vst.msk $0xffff, v2;
	s19 =	smov.u32 s17;
	s17 =	sadd.s32 $0x4, s17  }
.Ltmp3:
0x35: {  	v2 =	vld [tilespmem:s18+$0xFFFFFFF0];
	[tilespmem:s15+$0x1020 ss:$0x81] =	vst.msk $0xffff, v0;
	(pc) =	sbr.rel @p1 .LBB1_3-.Ltmp3, $4  }
0x36: {  	v0 =	vld [tilespmem:s18+$0x0];
	[tilespmem:s15+$0x0 ss:$0x81] =	vst.msk $0xffff, v1  }
0x37: {  	s15 =	sshra.s32 s19, $0x2;
	v1 =	vld [tilespmem:s18+$0xFFFFFFE0]  }
0x38: {  	s15 =	sadd.s32 s15, s16  }
0x39: {  	s18 =	sadd.s32 $0x40, s18;
	[tilespmem:s15+$0x1830 ss:$0x81] =	vst.msk $0xffff, v3  }
.Ltmp4:
0x3a: {  	_ = 	snop;
	(pc) =	sbr.rel .LBB1_4-.Ltmp4, $1  }
0x3b: {  	_ =	sdelay $0x3  }
.LBB1_6:
0x3c: {  	_ =	sfence.sel $0x180000  }
0x3d: {  	s2 =	simm.s32 $0x1;
	[bflag:$0x0] =	sbarrier.arrive $0xFFFF  }
0x3e: {  	s31 =	simm.s32 $0x2;
	[sflag:s2] =	ssyncpa.u1 $0x1  }
0x3f: {  	[sflag:s31] =	ssyncpa.u1 $0x1  }
0x40: {  	p0 =	sne.s32 s0, $0x0;
	_ =	strace $0x9000004A  }
0x41: {  	s0 =	sadd.s32 @!p0 $0x100000, s1;
	[bflag:$0x2] =	sbarrier.arrive $0xFFFF  }
0x42: {  	[sflag:s0] =	ssyncadd.tile.s32 @!p0 $0x1;
	_ =	shalt  }
.Lfunc_end1:
_tile_overlayer_lowered:
.L_overlay_start_2:
0x43: {  	(tag) =	ssettag $0x2  }
0x44: {  	s0 =	rddreg [dreg:$0x0];
	s2 =	stileid.u32  }
0x45: {  	s1 =	rddreg [dreg:$0x1];
	p0 =	sne.s32 s2, $0x0  }
0x46: {  	s3 =	rddreg [dreg:$0x2];
	[bflag:$0x3] =	sbarrier.arrive $0xFFFF;
	s2 =	simm.s32 @!p0 $0x1C01  }
0x47: {  	[timem:s3], [sflag:s2] =	dma.local @!p0 [hbm:s0], s1  }
0x48: {  	s0 =	simm.s32 @!p0 $0x1  }
0x49: {  	_ =	swait.ge @!p0 [sflag:s0], s1  }
0x4a: {  	s1 =	ssub.s32 @!p0 $0x0, s1;
	[sflag:s0] =	ssyncset.done @!p0 $0x0  }
0x4b: {  	[sflag:s0] =	ssyncadd.s32 @!p0 s1  }
0x4c: {  	[bflag:$0x3] =	sbarrier.arrive $0xFFFF  }
0x4d: {  	_ =	shalt  }

</sc_bundles>
